<compile_context>
chip_gen: v7x
topology: tpu7x:2x2x1
jax: 0.10.2.dev20260603
libtpu: 0.0.44.dev20260713+nightly
codegen_flags: <defaults>
</compile_context>

<pallas_src>
import functools

import jax
import jax.numpy as jnp
from jax import lax
from jax.experimental import pallas as pl
from jax.experimental.pallas import tpu as pltpu
from jax.experimental.pallas import tpu_sc as plsc

_B, _V, _D = 4, 100000, 64
_N = 16384
_P = _B * _D

_info = plsc.get_sparse_core_info()
_NC, _NS, _L = _info.num_cores, _info.num_subcores, _info.num_lanes
_NW = _NC * _NS
_PW = _P // _NW
_OCH = 4096
_NOCH = _N // _OCH


def _make_gather():
    mesh = plsc.VectorSubcoreMesh(core_axis_name="c", subcore_axis_name="s")

    @functools.partial(
        pl.kernel,
        mesh=mesh,
        out_type=jax.ShapeDtypeStruct((_P, _N), jnp.float32),
        scratch_types=[
            pltpu.VMEM((_N,), jnp.int32),
            pltpu.VMEM((_V,), jnp.float32),
            pltpu.VMEM((3 * _OCH,), jnp.float32),
            pltpu.SemaphoreType.DMA,
            pltpu.SemaphoreType.DMA,
        ],
        compiler_params=pltpu.CompilerParams(
            use_tc_tiling_on_sc=True, needs_layout_passes=False
        ),
    )
    def gather_kernel(tab_hbm, idx_hbm, out_hbm, idx_v, plane_v, obuf, wsem, isem):
        wid = lax.axis_index("s") * _NC + lax.axis_index("c")
        hidx = pltpu.async_copy(idx_hbm, idx_v, isem)
        hpl = pltpu.async_copy(tab_hbm.at[wid * _PW], plane_v, isem)
        hidx.wait()
        writes = {}
        for q in range(_PW):
            p = wid * _PW + q
            hpl.wait()
            for ch in range(_NOCH):
                s = ch % 3
                k = q * _NOCH + ch
                if k >= 3:
                    writes[k - 3].wait()

                @plsc.parallel_loop(0, _OCH, _L, unroll=8)
                def _(i, ch=ch, s=s):
                    g = plsc.load_gather(
                        plane_v, [idx_v[pl.ds(ch * _OCH + i, _L)]]
                    )
                    obuf[pl.ds(s * _OCH + i, _L)] = g

                writes[k] = pltpu.async_copy(
                    obuf.at[pl.ds(s * _OCH, _OCH)],
                    out_hbm.at[p, pl.ds(ch * _OCH, _OCH)],
                    wsem,
                )
            if q + 1 < _PW:
                hpl = pltpu.async_copy(tab_hbm.at[p + 1], plane_v, isem)
        for k in range(_PW * _NOCH - 3, _PW * _NOCH):
            writes[k].wait()

    return gather_kernel


_gather = _make_gather()


def kernel(input, indices):
    tab = jnp.transpose(input, (0, 2, 1)).reshape(_P, _V)
    idx = indices.astype(jnp.int32)
    out = _gather(tab, idx)
    return out.reshape(_B, _D, _N).transpose(0, 2, 1)

# --- scband reference (transcript-rebuilt; emitter-appended) ---
"""Pipeline reference for scband-index-select-dynamic-index-size-module-1082331759289 (READ-ONLY COPY).

The authoritative reference and input builder live on the scoring server;
editing this copy changes nothing except your own understanding.
"""

import jax, jax.numpy as jnp
import numpy as np

def setup_inputs(seed: int = 0) -> dict:
    key = jax.random.key(seed)
    k1, k2 = jax.random.split(key)
    input = jax.random.normal(k1, (4, 100000, 64), dtype=jnp.float32)
    indices = jax.random.randint(k2, (16384,), 0, 100000, dtype=jnp.int64)
    return {"input": input, "indices": indices}

def reference(input, indices):
    # torch.index_select(input, 1, indices) -> gather along axis 1
    return jnp.take(input, indices, axis=1)

if __name__ == "__main__":
    import jax
    _d = setup_inputs()
    print(jax.jit(kernel)(*tuple(_d.values())))

</pallas_src>

<mosaic_0001>
#map = affine_map<(d0, d1) -> (0, 0)>
#map1 = affine_map<(d0, d1) -> (0)>
module attributes {stable_mosaic.version = 14 : i64} {
  func.func @gather_kernel(%arg0: i32, %arg1: i32, %arg2: memref<256x100000xf32, #tpu.memory_space<hbm>>, %arg3: memref<16384xi32, #tpu.memory_space<hbm>>, %arg4: memref<256x16384xf32, #tpu.memory_space<hbm>>, %arg5: memref<16384xi32, #tpu.memory_space<vmem>>, %arg6: memref<100000xf32, #tpu.memory_space<vmem>>, %arg7: memref<12288xf32, #tpu.memory_space<vmem>>, %arg8: memref<!tpu.dma_semaphore, #tpu.memory_space<semaphore_mem>>, %arg9: memref<!tpu.dma_semaphore, #tpu.memory_space<semaphore_mem>>) attributes {dimension_semantics = [#tpu.dimension_semantics<core_parallel>, #tpu.dimension_semantics<subcore_parallel>], iteration_bounds = array<i64: 2, 16>, scalar_prefetch = 0 : i64, scratch_operands = 5 : i64, tpu.core_type = #tpu.core_type<sc_vector_subcore>, window_params = [{transform_indices = #map}, {transform_indices = #map1}, {transform_indices = #map}]} {
    %mul3A = arith.constant 2 : i32
    %mul3A_0 = arith.muli %arg1, %mul3A : i32
    %add3A = arith.addi %mul3A_0, %arg0 : i32
    tpu.enqueue_dma source(%arg3 : memref<16384xi32, #tpu.memory_space<hbm>>) target(%arg5 : memref<16384xi32, #tpu.memory_space<vmem>>) target_semaphore(%arg9 : memref<!tpu.dma_semaphore, #tpu.memory_space<semaphore_mem>>)
    %mul3A_1 = arith.constant 8 : i32
    %mul3A_2 = arith.muli %add3A, %mul3A_1 : i32
    %dma_start3A = arith.constant 0 : i32
    %dma_start3A_3 = tpu.memref_slice %arg2[%mul3A_2, %dma_start3A] : memref<256x100000xf32, #tpu.memory_space<hbm>> -> memref<1x100000xf32, #tpu.memory_space<hbm>>
    %dma_start3A_4 = tpu.memref_squeeze %dma_start3A_3 : memref<1x100000xf32, #tpu.memory_space<hbm>> -> memref<100000xf32, #tpu.memory_space<hbm>>
    %dma_start3A_5 = arith.constant 0 : i32
    %dma_start3A_6 = tpu.memref_slice %arg2[%mul3A_2, %dma_start3A_5] : memref<256x100000xf32, #tpu.memory_space<hbm>> -> memref<1x100000xf32, #tpu.memory_space<hbm>>
    %dma_start3A_7 = tpu.memref_squeeze %dma_start3A_6 : memref<1x100000xf32, #tpu.memory_space<hbm>> -> memref<100000xf32, #tpu.memory_space<hbm>>
    tpu.enqueue_dma source(%dma_start3A_7 : memref<100000xf32, #tpu.memory_space<hbm>>) target(%arg6 : memref<100000xf32, #tpu.memory_space<vmem>>) target_semaphore(%arg9 : memref<!tpu.dma_semaphore, #tpu.memory_space<semaphore_mem>>)
    tpu.wait_dma2 semaphore(%arg9 : memref<!tpu.dma_semaphore, #tpu.memory_space<semaphore_mem>>) src(%arg3 : memref<16384xi32, #tpu.memory_space<hbm>>) dst(%arg5 : memref<16384xi32, #tpu.memory_space<vmem>>)
    %mul3A_8 = arith.constant 8 : i32
    %mul3A_9 = arith.muli %add3A, %mul3A_8 : i32
    %add3A_10 = arith.constant 0 : i32
    %add3A_11 = arith.addi %mul3A_9, %add3A_10 : i32
    %dma_wait3A = arith.constant 0 : i32
    %dma_wait3A_12 = tpu.memref_slice %arg2[%mul3A_2, %dma_wait3A] : memref<256x100000xf32, #tpu.memory_space<hbm>> -> memref<1x100000xf32, #tpu.memory_space<hbm>>
    %dma_wait3A_13 = tpu.memref_squeeze %dma_wait3A_12 : memref<1x100000xf32, #tpu.memory_space<hbm>> -> memref<100000xf32, #tpu.memory_space<hbm>>
    %dma_wait3A_14 = arith.constant 0 : i32
    %dma_wait3A_15 = tpu.memref_slice %arg2[%mul3A_2, %dma_wait3A_14] : memref<256x100000xf32, #tpu.memory_space<hbm>> -> memref<1x100000xf32, #tpu.memory_space<hbm>>
    %dma_wait3A_16 = tpu.memref_squeeze %dma_wait3A_15 : memref<1x100000xf32, #tpu.memory_space<hbm>> -> memref<100000xf32, #tpu.memory_space<hbm>>
    tpu.wait_dma2 semaphore(%arg9 : memref<!tpu.dma_semaphore, #tpu.memory_space<semaphore_mem>>) src(%dma_wait3A_16 : memref<100000xf32, #tpu.memory_space<hbm>>) dst(%arg6 : memref<100000xf32, #tpu.memory_space<vmem>>)
    %parallel_loop3A = arith.constant 0 : i32
    %parallel_loop3A_17 = arith.constant 4096 : i32
    %parallel_loop3A_18 = arith.constant 16 : i32
    scf.for %parallel_loop3A_878 = %parallel_loop3A to %parallel_loop3A_17 step %parallel_loop3A_18  : i32 {
      %parallel_loop3A_879 = arith.constant 0 : i32
      %parallel_loop3A_880 = arith.addi %parallel_loop3A_879, %parallel_loop3A_878 : i32
      %parallel_loop3A_881 = arith.index_cast %parallel_loop3A_880 : i32 to index
      %parallel_loop3A_882 = tpu.vector_load %arg5[%parallel_loop3A_881] {strides = array<i32>} : memref<16384xi32, #tpu.memory_space<vmem>>, vector<16xi32>,
      %parallel_loop3A_883 = tpu.vector_load_idx %arg6[%parallel_loop3A_882] : memref<100000xf32, #tpu.memory_space<vmem>>[vector<16xi32>], vector<16xf32>,
      %parallel_loop3A_884 = arith.constant 0 : i32
      %parallel_loop3A_885 = arith.addi %parallel_loop3A_884, %parallel_loop3A_878 : i32
      %parallel_loop3A_886 = arith.index_cast %parallel_loop3A_885 : i32 to index
      %parallel_loop3A_887 = tpu.vector_load %arg7[%parallel_loop3A_886] {strides = array<i32>} : memref<12288xf32, #tpu.memory_space<vmem>>, vector<16xf32>,
      tpu.vector_store %arg7[%parallel_loop3A_886], %parallel_loop3A_883 {strides = array<i32>} : memref<12288xf32, #tpu.memory_space<vmem>>, vector<16xf32>,
    } {sc.loop_unroll_factor = 8 : i64, sc.parallel_access}
    %dma_start3A_19 = arith.constant 0 : i32
    %dma_start3A_20 = tpu.memref_slice %arg7[%dma_start3A_19] : memref<12288xf32, #tpu.memory_space<vmem>> -> memref<4096xf32, #tpu.memory_space<vmem>>
    %dma_start3A_21 = arith.constant 0 : i32
    %dma_start3A_22 = tpu.memref_slice %arg4[%add3A_11, %dma_start3A_21] : memref<256x16384xf32, #tpu.memory_space<hbm>> -> memref<1x4096xf32, #tpu.memory_space<hbm>>
    %dma_start3A_23 = tpu.memref_squeeze %dma_start3A_22 : memref<1x4096xf32, #tpu.memory_space<hbm>> -> memref<4096xf32, #tpu.memory_space<hbm>>
    %dma_start3A_24 = arith.constant 0 : i32
    %dma_start3A_25 = tpu.memref_slice %arg4[%add3A_11, %dma_start3A_24] : memref<256x16384xf32, #tpu.memory_space<hbm>> -> memref<1x4096xf32, #tpu.memory_space<hbm>>
    %dma_start3A_26 = tpu.memref_squeeze %dma_start3A_25 : memref<1x4096xf32, #tpu.memory_space<hbm>> -> memref<4096xf32, #tpu.memory_space<hbm>>
    %dma_start3A_27 = arith.constant 0 : i32
    %dma_start3A_28 = tpu.memref_slice %arg7[%dma_start3A_27] : memref<12288xf32, #tpu.memory_space<vmem>> -> memref<4096xf32, #tpu.memory_space<vmem>>
    tpu.enqueue_dma source(%dma_start3A_28 : memref<4096xf32, #tpu.memory_space<vmem>>) target(%dma_start3A_26 : memref<4096xf32, #tpu.memory_space<hbm>>) target_semaphore(%arg8 : memref<!tpu.dma_semaphore, #tpu.memory_space<semaphore_mem>>)
    %parallel_loop3A_29 = arith.constant 0 : i32
    %parallel_loop3A_30 = arith.constant 4096 : i32
    %parallel_loop3A_31 = arith.constant 16 : i32
    scf.for %parallel_loop3A_878 = %parallel_loop3A_29 to %parallel_loop3A_30 step %parallel_loop3A_31  : i32 {
      %parallel_loop3A_879 = arith.constant 4096 : i32
      %parallel_loop3A_880 = arith.addi %parallel_loop3A_879, %parallel_loop3A_878 : i32
      %parallel_loop3A_881 = arith.index_cast %parallel_loop3A_880 : i32 to index
      %parallel_loop3A_882 = tpu.vector_load %arg5[%parallel_loop3A_881] {strides = array<i32>} : memref<16384xi32, #tpu.memory_space<vmem>>, vector<16xi32>,
      %parallel_loop3A_883 = tpu.vector_load_idx %arg6[%parallel_loop3A_882] : memref<100000xf32, #tpu.memory_space<vmem>>[vector<16xi32>], vector<16xf32>,
      %parallel_loop3A_884 = arith.constant 4096 : i32
      %parallel_loop3A_885 = arith.addi %parallel_loop3A_884, %parallel_loop3A_878 : i32
      %parallel_loop3A_886 = arith.index_cast %parallel_loop3A_885 : i32 to index
      %parallel_loop3A_887 = tpu.vector_load %arg7[%parallel_loop3A_886] {strides = array<i32>} : memref<12288xf32, #tpu.memory_space<vmem>>, vector<16xf32>,
      tpu.vector_store %arg7[%parallel_loop3A_886], %parallel_loop3A_883 {strides = array<i32>} : memref<12288xf32, #tpu.memory_space<vmem>>, vector<16xf32>,
    } {sc.loop_unroll_factor = 8 : i64, sc.parallel_access}
    %dma_start3A_32 = arith.constant 4096 : i32
    %dma_start3A_33 = tpu.memref_slice %arg7[%dma_start3A_32] : memref<12288xf32, #tpu.memory_space<vmem>> -> memref<4096xf32, #tpu.memory_space<vmem>>
    %dma_start3A_34 = arith.constant 4096 : i32
    %dma_start3A_35 = tpu.memref_slice %arg4[%add3A_11, %dma_start3A_34] : memref<256x16384xf32, #tpu.memory_space<hbm>> -> memref<1x4096xf32, #tpu.memory_space<hbm>>
    %dma_start3A_36 = tpu.memref_squeeze %dma_start3A_35 : memref<1x4096xf32, #tpu.memory_space<hbm>> -> memref<4096xf32, #tpu.memory_space<hbm>>
    %dma_start3A_37 = arith.constant 4096 : i32
    %dma_start3A_38 = tpu.memref_slice %arg4[%add3A_11, %dma_start3A_37] : memref<256x16384xf32, #tpu.memory_space<hbm>> -> memref<1x4096xf32, #tpu.memory_space<hbm>>
    %dma_start3A_39 = tpu.memref_squeeze %dma_start3A_38 : memref<1x4096xf32, #tpu.memory_space<hbm>> -> memref<4096xf32, #tpu.memory_space<hbm>>
    %dma_start3A_40 = arith.constant 4096 : i32
    %dma_start3A_41 = tpu.memref_slice %arg7[%dma_start3A_40] : memref<12288xf32, #tpu.memory_space<vmem>> -> memref<4096xf32, #tpu.memory_space<vmem>>
    tpu.enqueue_dma source(%dma_start3A_41 : memref<4096xf32, #tpu.memory_space<vmem>>) target(%dma_start3A_39 : memref<4096xf32, #tpu.memory_space<hbm>>) target_semaphore(%arg8 : memref<!tpu.dma_semaphore, #tpu.memory_space<semaphore_mem>>)
    %parallel_loop3A_42 = arith.constant 0 : i32
    %parallel_loop3A_43 = arith.constant 4096 : i32
    %parallel_loop3A_44 = arith.constant 16 : i32
    scf.for %parallel_loop3A_878 = %parallel_loop3A_42 to %parallel_loop3A_43 step %parallel_loop3A_44  : i32 {
      %parallel_loop3A_879 = arith.constant 8192 : i32
      %parallel_loop3A_880 = arith.addi %parallel_loop3A_879, %parallel_loop3A_878 : i32
      %parallel_loop3A_881 = arith.index_cast %parallel_loop3A_880 : i32 to index
      %parallel_loop3A_882 = tpu.vector_load %arg5[%parallel_loop3A_881] {strides = array<i32>} : memref<16384xi32, #tpu.memory_space<vmem>>, vector<16xi32>,
      %parallel_loop3A_883 = tpu.vector_load_idx %arg6[%parallel_loop3A_882] : memref<100000xf32, #tpu.memory_space<vmem>>[vector<16xi32>], vector<16xf32>,
      %parallel_loop3A_884 = arith.constant 8192 : i32
      %parallel_loop3A_885 = arith.addi %parallel_loop3A_884, %parallel_loop3A_878 : i32
      %parallel_loop3A_886 = arith.index_cast %parallel_loop3A_885 : i32 to index
      %parallel_loop3A_887 = tpu.vector_load %arg7[%parallel_loop3A_886] {strides = array<i32>} : memref<12288xf32, #tpu.memory_space<vmem>>, vector<16xf32>,
      tpu.vector_store %arg7[%parallel_loop3A_886], %parallel_loop3A_883 {strides = array<i32>} : memref<12288xf32, #tpu.memory_space<vmem>>, vector<16xf32>,
    } {sc.loop_unroll_factor = 8 : i64, sc.parallel_access}
    %dma_start3A_45 = arith.constant 8192 : i32
    %dma_start3A_46 = tpu.memref_slice %arg7[%dma_start3A_45] : memref<12288xf32, #tpu.memory_space<vmem>> -> memref<4096xf32, #tpu.memory_space<vmem>>
    %dma_start3A_47 = arith.constant 8192 : i32
    %dma_start3A_48 = tpu.memref_slice %arg4[%add3A_11, %dma_start3A_47] : memref<256x16384xf32, #tpu.memory_space<hbm>> -> memref<1x4096xf32, #tpu.memory_space<hbm>>
    %dma_start3A_49 = tpu.memref_squeeze %dma_start3A_48 : memref<1x4096xf32, #tpu.memory_space<hbm>> -> memref<4096xf32, #tpu.memory_space<hbm>>
    %dma_start3A_50 = arith.constant 8192 : i32
    %dma_start3A_51 = tpu.memref_slice %arg4[%add3A_11, %dma_start3A_50] : memref<256x16384xf32, #tpu.memory_space<hbm>> -> memref<1x4096xf32, #tpu.memory_space<hbm>>
    %dma_start3A_52 = tpu.memref_squeeze %dma_start3A_51 : memref<1x4096xf32, #tpu.memory_space<hbm>> -> memref<4096xf32, #tpu.memory_space<hbm>>
    %dma_start3A_53 = arith.constant 8192 : i32
    %dma_start3A_54 = tpu.memref_slice %arg7[%dma_start3A_53] : memref<12288xf32, #tpu.memory_space<vmem>> -> memref<4096xf32, #tpu.memory_space<vmem>>
    tpu.enqueue_dma source(%dma_start3A_54 : memref<4096xf32, #tpu.memory_space<vmem>>) target(%dma_start3A_52 : memref<4096xf32, #tpu.memory_space<hbm>>) target_semaphore(%arg8 : memref<!tpu.dma_semaphore, #tpu.memory_space<semaphore_mem>>)
    %dma_wait3A_55 = arith.constant 0 : i32
    %dma_wait3A_56 = tpu.memref_slice %arg7[%dma_wait3A_55] : memref<12288xf32, #tpu.memory_space<vmem>> -> memref<4096xf32, #tpu.memory_space<vmem>>
    %dma_wait3A_57 = arith.constant 0 : i32
    %dma_wait3A_58 = tpu.memref_slice %arg4[%add3A_11, %dma_wait3A_57] : memref<256x16384xf32, #tpu.memory_space<hbm>> -> memref<1x4096xf32, #tpu.memory_space<hbm>>
    %dma_wait3A_59 = tpu.memref_squeeze %dma_wait3A_58 : memref<1x4096xf32, #tpu.memory_space<hbm>> -> memref<4096xf32, #tpu.memory_space<hbm>>
    %dma_wait3A_60 = arith.constant 0 : i32
    %dma_wait3A_61 = tpu.memref_slice %arg4[%add3A_11, %dma_wait3A_60] : memref<256x16384xf32, #tpu.memory_space<hbm>> -> memref<1x4096xf32, #tpu.memory_space<hbm>>
    %dma_wait3A_62 = tpu.memref_squeeze %dma_wait3A_61 : memref<1x4096xf32, #tpu.memory_space<hbm>> -> memref<4096xf32, #tpu.memory_space<hbm>>
    %dma_wait3A_63 = arith.constant 0 : i32
    %dma_wait3A_64 = tpu.memref_slice %arg7[%dma_wait3A_63] : memref<12288xf32, #tpu.memory_space<vmem>> -> memref<4096xf32, #tpu.memory_space<vmem>>
    tpu.wait_dma2 semaphore(%arg8 : memref<!tpu.dma_semaphore, #tpu.memory_space<semaphore_mem>>) src(%dma_wait3A_64 : memref<4096xf32, #tpu.memory_space<vmem>>) dst(%dma_wait3A_62 : memref<4096xf32, #tpu.memory_space<hbm>>)
    %parallel_loop3A_65 = arith.constant 0 : i32
    %parallel_loop3A_66 = arith.constant 4096 : i32
    %parallel_loop3A_67 = arith.constant 16 : i32
    scf.for %parallel_loop3A_878 = %parallel_loop3A_65 to %parallel_loop3A_66 step %parallel_loop3A_67  : i32 {
      %parallel_loop3A_879 = arith.constant 12288 : i32
      %parallel_loop3A_880 = arith.addi %parallel_loop3A_879, %parallel_loop3A_878 : i32
      %parallel_loop3A_881 = arith.index_cast %parallel_loop3A_880 : i32 to index
      %parallel_loop3A_882 = tpu.vector_load %arg5[%parallel_loop3A_881] {strides = array<i32>} : memref<16384xi32, #tpu.memory_space<vmem>>, vector<16xi32>,
      %parallel_loop3A_883 = tpu.vector_load_idx %arg6[%parallel_loop3A_882] : memref<100000xf32, #tpu.memory_space<vmem>>[vector<16xi32>], vector<16xf32>,
      %parallel_loop3A_884 = arith.constant 0 : i32
      %parallel_loop3A_885 = arith.addi %parallel_loop3A_884, %parallel_loop3A_878 : i32
      %parallel_loop3A_886 = arith.index_cast %parallel_loop3A_885 : i32 to index
      %parallel_loop3A_887 = tpu.vector_load %arg7[%parallel_loop3A_886] {strides = array<i32>} : memref<12288xf32, #tpu.memory_space<vmem>>, vector<16xf32>,
      tpu.vector_store %arg7[%parallel_loop3A_886], %parallel_loop3A_883 {strides = array<i32>} : memref<12288xf32, #tpu.memory_space<vmem>>, vector<16xf32>,
    } {sc.loop_unroll_factor = 8 : i64, sc.parallel_access}
    %dma_start3A_68 = arith.constant 0 : i32
    %dma_start3A_69 = tpu.memref_slice %arg7[%dma_start3A_68] : memref<12288xf32, #tpu.memory_space<vmem>> -> memref<4096xf32, #tpu.memory_space<vmem>>
    %dma_start3A_70 = arith.constant 12288 : i32
    %dma_start3A_71 = tpu.memref_slice %arg4[%add3A_11, %dma_start3A_70] : memref<256x16384xf32, #tpu.memory_space<hbm>> -> memref<1x4096xf32, #tpu.memory_space<hbm>>
    %dma_start3A_72 = tpu.memref_squeeze %dma_start3A_71 : memref<1x4096xf32, #tpu.memory_space<hbm>> -> memref<4096xf32, #tpu.memory_space<hbm>>
    %dma_start3A_73 = arith.constant 12288 : i32
    %dma_start3A_74 = tpu.memref_slice %arg4[%add3A_11, %dma_start3A_73] : memref<256x16384xf32, #tpu.memory_space<hbm>> -> memref<1x4096xf32, #tpu.memory_space<hbm>>
    %dma_start3A_75 = tpu.memref_squeeze %dma_start3A_74 : memref<1x4096xf32, #tpu.memory_space<hbm>> -> memref<4096xf32, #tpu.memory_space<hbm>>
    %dma_start3A_76 = arith.constant 0 : i32
    %dma_start3A_77 = tpu.memref_slice %arg7[%dma_start3A_76] : memref<12288xf32, #tpu.memory_space<vmem>> -> memref<4096xf32, #tpu.memory_space<vmem>>
    tpu.enqueue_dma source(%dma_start3A_77 : memref<4096xf32, #tpu.memory_space<vmem>>) target(%dma_start3A_75 : memref<4096xf32, #tpu.memory_space<hbm>>) target_semaphore(%arg8 : memref<!tpu.dma_semaphore, #tpu.memory_space<semaphore_mem>>)
    %add3A_78 = arith.constant 1 : i32
    %add3A_79 = arith.addi %add3A_11, %add3A_78 : i32
    %dma_start3A_80 = arith.constant 0 : i32
    %dma_start3A_81 = tpu.memref_slice %arg2[%add3A_79, %dma_start3A_80] : memref<256x100000xf32, #tpu.memory_space<hbm>> -> memref<1x100000xf32, #tpu.memory_space<hbm>>
    %dma_start3A_82 = tpu.memref_squeeze %dma_start3A_81 : memref<1x100000xf32, #tpu.memory_space<hbm>> -> memref<100000xf32, #tpu.memory_space<hbm>>
    %dma_start3A_83 = arith.constant 0 : i32
    %dma_start3A_84 = tpu.memref_slice %arg2[%add3A_79, %dma_start3A_83] : memref<256x100000xf32, #tpu.memory_space<hbm>> -> memref<1x100000xf32, #tpu.memory_space<hbm>>
    %dma_start3A_85 = tpu.memref_squeeze %dma_start3A_84 : memref<1x100000xf32, #tpu.memory_space<hbm>> -> memref<100000xf32, #tpu.memory_space<hbm>>
    tpu.enqueue_dma source(%dma_start3A_85 : memref<100000xf32, #tpu.memory_space<hbm>>) target(%arg6 : memref<100000xf32, #tpu.memory_space<vmem>>) target_semaphore(%arg9 : memref<!tpu.dma_semaphore, #tpu.memory_space<semaphore_mem>>)
    %mul3A_86 = arith.constant 8 : i32
    %mul3A_87 = arith.muli %add3A, %mul3A_86 : i32
    %add3A_88 = arith.constant 1 : i32
    %add3A_89 = arith.addi %mul3A_87, %add3A_88 : i32
    %dma_wait3A_90 = arith.constant 0 : i32
    %dma_wait3A_91 = tpu.memref_slice %arg2[%add3A_79, %dma_wait3A_90] : memref<256x100000xf32, #tpu.memory_space<hbm>> -> memref<1x100000xf32, #tpu.memory_space<hbm>>
    %dma_wait3A_92 = tpu.memref_squeeze %dma_wait3A_91 : memref<1x100000xf32, #tpu.memory_space<hbm>> -> memref<100000xf32, #tpu.memory_space<hbm>>
    %dma_wait3A_93 = arith.constant 0 : i32
    %dma_wait3A_94 = tpu.memref_slice %arg2[%add3A_79, %dma_wait3A_93] : memref<256x100000xf32, #tpu.memory_space<hbm>> -> memref<1x100000xf32, #tpu.memory_space<hbm>>
    %dma_wait3A_95 = tpu.memref_squeeze %dma_wait3A_94 : memref<1x100000xf32, #tpu.memory_space<hbm>> -> memref<100000xf32, #tpu.memory_space<hbm>>
    tpu.wait_dma2 semaphore(%arg9 : memref<!tpu.dma_semaphore, #tpu.memory_space<semaphore_mem>>) src(%dma_wait3A_95 : memref<100000xf32, #tpu.memory_space<hbm>>) dst(%arg6 : memref<100000xf32, #tpu.memory_space<vmem>>)
    %dma_wait3A_96 = arith.constant 4096 : i32
    %dma_wait3A_97 = tpu.memref_slice %arg7[%dma_wait3A_96] : memref<12288xf32, #tpu.memory_space<vmem>> -> memref<4096xf32, #tpu.memory_space<vmem>>
    %dma_wait3A_98 = arith.constant 4096 : i32
    %dma_wait3A_99 = tpu.memref_slice %arg4[%add3A_11, %dma_wait3A_98] : memref<256x16384xf32, #tpu.memory_space<hbm>> -> memref<1x4096xf32, #tpu.memory_space<hbm>>
    %dma_wait3A_100 = tpu.memref_squeeze %dma_wait3A_99 : memref<1x4096xf32, #tpu.memory_space<hbm>> -> memref<4096xf32, #tpu.memory_space<hbm>>
    %dma_wait3A_101 = arith.constant 4096 : i32
    %dma_wait3A_102 = tpu.memref_slice %arg4[%add3A_11, %dma_wait3A_101] : memref<256x16384xf32, #tpu.memory_space<hbm>> -> memref<1x4096xf32, #tpu.memory_space<hbm>>
    %dma_wait3A_103 = tpu.memref_squeeze %dma_wait3A_102 : memref<1x4096xf32, #tpu.memory_space<hbm>> -> memref<4096xf32, #tpu.memory_space<hbm>>
    %dma_wait3A_104 = arith.constant 4096 : i32
    %dma_wait3A_105 = tpu.memref_slice %arg7[%dma_wait3A_104] : memref<12288xf32, #tpu.memory_space<vmem>> -> memref<4096xf32, #tpu.memory_space<vmem>>
    tpu.wait_dma2 semaphore(%arg8 : memref<!tpu.dma_semaphore, #tpu.memory_space<semaphore_mem>>) src(%dma_wait3A_105 : memref<4096xf32, #tpu.memory_space<vmem>>) dst(%dma_wait3A_103 : memref<4096xf32, #tpu.memory_space<hbm>>)
    %parallel_loop3A_106 = arith.constant 0 : i32
    %parallel_loop3A_107 = arith.constant 4096 : i32
    %parallel_loop3A_108 = arith.constant 16 : i32
    scf.for %parallel_loop3A_878 = %parallel_loop3A_106 to %parallel_loop3A_107 step %parallel_loop3A_108  : i32 {
      %parallel_loop3A_879 = arith.constant 0 : i32
      %parallel_loop3A_880 = arith.addi %parallel_loop3A_879, %parallel_loop3A_878 : i32
      %parallel_loop3A_881 = arith.index_cast %parallel_loop3A_880 : i32 to index
      %parallel_loop3A_882 = tpu.vector_load %arg5[%parallel_loop3A_881] {strides = array<i32>} : memref<16384xi32, #tpu.memory_space<vmem>>, vector<16xi32>,
      %parallel_loop3A_883 = tpu.vector_load_idx %arg6[%parallel_loop3A_882] : memref<100000xf32, #tpu.memory_space<vmem>>[vector<16xi32>], vector<16xf32>,
      %parallel_loop3A_884 = arith.constant 0 : i32
      %parallel_loop3A_885 = arith.addi %parallel_loop3A_884, %parallel_loop3A_878 : i32
      %parallel_loop3A_886 = arith.index_cast %parallel_loop3A_885 : i32 to index
      %parallel_loop3A_887 = tpu.vector_load %arg7[%parallel_loop3A_886] {strides = array<i32>} : memref<12288xf32, #tpu.memory_space<vmem>>, vector<16xf32>,
      tpu.vector_store %arg7[%parallel_loop3A_886], %parallel_loop3A_883 {strides = array<i32>} : memref<12288xf32, #tpu.memory_space<vmem>>, vector<16xf32>,
    } {sc.loop_unroll_factor = 8 : i64, sc.parallel_access}
    %dma_start3A_109 = arith.constant 0 : i32
    %dma_start3A_110 = tpu.memref_slice %arg7[%dma_start3A_109] : memref<12288xf32, #tpu.memory_space<vmem>> -> memref<4096xf32, #tpu.memory_space<vmem>>
    %dma_start3A_111 = arith.constant 0 : i32
    %dma_start3A_112 = tpu.memref_slice %arg4[%add3A_89, %dma_start3A_111] : memref<256x16384xf32, #tpu.memory_space<hbm>> -> memref<1x4096xf32, #tpu.memory_space<hbm>>
    %dma_start3A_113 = tpu.memref_squeeze %dma_start3A_112 : memref<1x4096xf32, #tpu.memory_space<hbm>> -> memref<4096xf32, #tpu.memory_space<hbm>>
    %dma_start3A_114 = arith.constant 0 : i32
    %dma_start3A_115 = tpu.memref_slice %arg4[%add3A_89, %dma_start3A_114] : memref<256x16384xf32, #tpu.memory_space<hbm>> -> memref<1x4096xf32, #tpu.memory_space<hbm>>
    %dma_start3A_116 = tpu.memref_squeeze %dma_start3A_115 : memref<1x4096xf32, #tpu.memory_space<hbm>> -> memref<4096xf32, #tpu.memory_space<hbm>>
    %dma_start3A_117 = arith.constant 0 : i32
    %dma_start3A_118 = tpu.memref_slice %arg7[%dma_start3A_117] : memref<12288xf32, #tpu.memory_space<vmem>> -> memref<4096xf32, #tpu.memory_space<vmem>>
    tpu.enqueue_dma source(%dma_start3A_118 : memref<4096xf32, #tpu.memory_space<vmem>>) target(%dma_start3A_116 : memref<4096xf32, #tpu.memory_space<hbm>>) target_semaphore(%arg8 : memref<!tpu.dma_semaphore, #tpu.memory_space<semaphore_mem>>)
    %dma_wait3A_119 = arith.constant 8192 : i32
    %dma_wait3A_120 = tpu.memref_slice %arg7[%dma_wait3A_119] : memref<12288xf32, #tpu.memory_space<vmem>> -> memref<4096xf32, #tpu.memory_space<vmem>>
    %dma_wait3A_121 = arith.constant 8192 : i32
    %dma_wait3A_122 = tpu.memref_slice %arg4[%add3A_11, %dma_wait3A_121] : memref<256x16384xf32, #tpu.memory_space<hbm>> -> memref<1x4096xf32, #tpu.memory_space<hbm>>
    %dma_wait3A_123 = tpu.memref_squeeze %dma_wait3A_122 : memref<1x4096xf32, #tpu.memory_space<hbm>> -> memref<4096xf32, #tpu.memory_space<hbm>>
    %dma_wait3A_124 = arith.constant 8192 : i32
    %dma_wait3A_125 = tpu.memref_slice %arg4[%add3A_11, %dma_wait3A_124] : memref<256x16384xf32, #tpu.memory_space<hbm>> -> memref<1x4096xf32, #tpu.memory_space<hbm>>
    %dma_wait3A_126 = tpu.memref_squeeze %dma_wait3A_125 : memref<1x4096xf32, #tpu.memory_space<hbm>> -> memref<4096xf32, #tpu.memory_space<hbm>>
    %dma_wait3A_127 = arith.constant 8192 : i32
    %dma_wait3A_128 = tpu.memref_slice %arg7[%dma_wait3A_127] : memref<12288xf32, #tpu.memory_space<vmem>> -> memref<4096xf32, #tpu.memory_space<vmem>>
    tpu.wait_dma2 semaphore(%arg8 : memref<!tpu.dma_semaphore, #tpu.memory_space<semaphore_mem>>) src(%dma_wait3A_128 : memref<4096xf32, #tpu.memory_space<vmem>>) dst(%dma_wait3A_126 : memref<4096xf32, #tpu.memory_space<hbm>>)
    %parallel_loop3A_129 = arith.constant 0 : i32
    %parallel_loop3A_130 = arith.constant 4096 : i32
    %parallel_loop3A_131 = arith.constant 16 : i32
    scf.for %parallel_loop3A_878 = %parallel_loop3A_129 to %parallel_loop3A_130 step %parallel_loop3A_131  : i32 {
      %parallel_loop3A_879 = arith.constant 4096 : i32
      %parallel_loop3A_880 = arith.addi %parallel_loop3A_879, %parallel_loop3A_878 : i32
      %parallel_loop3A_881 = arith.index_cast %parallel_loop3A_880 : i32 to index
      %parallel_loop3A_882 = tpu.vector_load %arg5[%parallel_loop3A_881] {strides = array<i32>} : memref<16384xi32, #tpu.memory_space<vmem>>, vector<16xi32>,
      %parallel_loop3A_883 = tpu.vector_load_idx %arg6[%parallel_loop3A_882] : memref<100000xf32, #tpu.memory_space<vmem>>[vector<16xi32>], vector<16xf32>,
      %parallel_loop3A_884 = arith.constant 4096 : i32
      %parallel_loop3A_885 = arith.addi %parallel_loop3A_884, %parallel_loop3A_878 : i32
      %parallel_loop3A_886 = arith.index_cast %parallel_loop3A_885 : i32 to index
      %parallel_loop3A_887 = tpu.vector_load %arg7[%parallel_loop3A_886] {strides = array<i32>} : memref<12288xf32, #tpu.memory_space<vmem>>, vector<16xf32>,
      tpu.vector_store %arg7[%parallel_loop3A_886], %parallel_loop3A_883 {strides = array<i32>} : memref<12288xf32, #tpu.memory_space<vmem>>, vector<16xf32>,
    } {sc.loop_unroll_factor = 8 : i64, sc.parallel_access}
    %dma_start3A_132 = arith.constant 4096 : i32
    %dma_start3A_133 = tpu.memref_slice %arg7[%dma_start3A_132] : memref<12288xf32, #tpu.memory_space<vmem>> -> memref<4096xf32, #tpu.memory_space<vmem>>
    %dma_start3A_134 = arith.constant 4096 : i32
    %dma_start3A_135 = tpu.memref_slice %arg4[%add3A_89, %dma_start3A_134] : memref<256x16384xf32, #tpu.memory_space<hbm>> -> memref<1x4096xf32, #tpu.memory_space<hbm>>
    %dma_start3A_136 = tpu.memref_squeeze %dma_start3A_135 : memref<1x4096xf32, #tpu.memory_space<hbm>> -> memref<4096xf32, #tpu.memory_space<hbm>>
    %dma_start3A_137 = arith.constant 4096 : i32
    %dma_start3A_138 = tpu.memref_slice %arg4[%add3A_89, %dma_start3A_137] : memref<256x16384xf32, #tpu.memory_space<hbm>> -> memref<1x4096xf32, #tpu.memory_space<hbm>>
    %dma_start3A_139 = tpu.memref_squeeze %dma_start3A_138 : memref<1x4096xf32, #tpu.memory_space<hbm>> -> memref<4096xf32, #tpu.memory_space<hbm>>
    %dma_start3A_140 = arith.constant 4096 : i32
    %dma_start3A_141 = tpu.memref_slice %arg7[%dma_start3A_140] : memref<12288xf32, #tpu.memory_space<vmem>> -> memref<4096xf32, #tpu.memory_space<vmem>>
    tpu.enqueue_dma source(%dma_start3A_141 : memref<4096xf32, #tpu.memory_space<vmem>>) target(%dma_start3A_139 : memref<4096xf32, #tpu.memory_space<hbm>>) target_semaphore(%arg8 : memref<!tpu.dma_semaphore, #tpu.memory_space<semaphore_mem>>)
    %dma_wait3A_142 = arith.constant 0 : i32
    %dma_wait3A_143 = tpu.memref_slice %arg7[%dma_wait3A_142] : memref<12288xf32, #tpu.memory_space<vmem>> -> memref<4096xf32, #tpu.memory_space<vmem>>
    %dma_wait3A_144 = arith.constant 12288 : i32
    %dma_wait3A_145 = tpu.memref_slice %arg4[%add3A_11, %dma_wait3A_144] : memref<256x16384xf32, #tpu.memory_space<hbm>> -> memref<1x4096xf32, #tpu.memory_space<hbm>>
    %dma_wait3A_146 = tpu.memref_squeeze %dma_wait3A_145 : memref<1x4096xf32, #tpu.memory_space<hbm>> -> memref<4096xf32, #tpu.memory_space<hbm>>
    %dma_wait3A_147 = arith.constant 12288 : i32
    %dma_wait3A_148 = tpu.memref_slice %arg4[%add3A_11, %dma_wait3A_147] : memref<256x16384xf32, #tpu.memory_space<hbm>> -> memref<1x4096xf32, #tpu.memory_space<hbm>>
    %dma_wait3A_149 = tpu.memref_squeeze %dma_wait3A_148 : memref<1x4096xf32, #tpu.memory_space<hbm>> -> memref<4096xf32, #tpu.memory_space<hbm>>
    %dma_wait3A_150 = arith.constant 0 : i32
    %dma_wait3A_151 = tpu.memref_slice %arg7[%dma_wait3A_150] : memref<12288xf32, #tpu.memory_space<vmem>> -> memref<4096xf32, #tpu.memory_space<vmem>>
    tpu.wait_dma2 semaphore(%arg8 : memref<!tpu.dma_semaphore, #tpu.memory_space<semaphore_mem>>) src(%dma_wait3A_151 : memref<4096xf32, #tpu.memory_space<vmem>>) dst(%dma_wait3A_149 : memref<4096xf32, #tpu.memory_space<hbm>>)
    %parallel_loop3A_152 = arith.constant 0 : i32
    %parallel_loop3A_153 = arith.constant 4096 : i32
    %parallel_loop3A_154 = arith.constant 16 : i32
    scf.for %parallel_loop3A_878 = %parallel_loop3A_152 to %parallel_loop3A_153 step %parallel_loop3A_154  : i32 {
      %parallel_loop3A_879 = arith.constant 8192 : i32
      %parallel_loop3A_880 = arith.addi %parallel_loop3A_879, %parallel_loop3A_878 : i32
      %parallel_loop3A_881 = arith.index_cast %parallel_loop3A_880 : i32 to index
      %parallel_loop3A_882 = tpu.vector_load %arg5[%parallel_loop3A_881] {strides = array<i32>} : memref<16384xi32, #tpu.memory_space<vmem>>, vector<16xi32>,
      %parallel_loop3A_883 = tpu.vector_load_idx %arg6[%parallel_loop3A_882] : memref<100000xf32, #tpu.memory_space<vmem>>[vector<16xi32>], vector<16xf32>,
      %parallel_loop3A_884 = arith.constant 8192 : i32
      %parallel_loop3A_885 = arith.addi %parallel_loop3A_884, %parallel_loop3A_878 : i32
      %parallel_loop3A_886 = arith.index_cast %parallel_loop3A_885 : i32 to index
      %parallel_loop3A_887 = tpu.vector_load %arg7[%parallel_loop3A_886] {strides = array<i32>} : memref<12288xf32, #tpu.memory_space<vmem>>, vector<16xf32>,
      tpu.vector_store %arg7[%parallel_loop3A_886], %parallel_loop3A_883 {strides = array<i32>} : memref<12288xf32, #tpu.memory_space<vmem>>, vector<16xf32>,
    } {sc.loop_unroll_factor = 8 : i64, sc.parallel_access}
    %dma_start3A_155 = arith.constant 8192 : i32
    %dma_start3A_156 = tpu.memref_slice %arg7[%dma_start3A_155] : memref<12288xf32, #tpu.memory_space<vmem>> -> memref<4096xf32, #tpu.memory_space<vmem>>
    %dma_start3A_157 = arith.constant 8192 : i32
    %dma_start3A_158 = tpu.memref_slice %arg4[%add3A_89, %dma_start3A_157] : memref<256x16384xf32, #tpu.memory_space<hbm>> -> memref<1x4096xf32, #tpu.memory_space<hbm>>
    %dma_start3A_159 = tpu.memref_squeeze %dma_start3A_158 : memref<1x4096xf32, #tpu.memory_space<hbm>> -> memref<4096xf32, #tpu.memory_space<hbm>>
    %dma_start3A_160 = arith.constant 8192 : i32
    %dma_start3A_161 = tpu.memref_slice %arg4[%add3A_89, %dma_start3A_160] : memref<256x16384xf32, #tpu.memory_space<hbm>> -> memref<1x4096xf32, #tpu.memory_space<hbm>>
    %dma_start3A_162 = tpu.memref_squeeze %dma_start3A_161 : memref<1x4096xf32, #tpu.memory_space<hbm>> -> memref<4096xf32, #tpu.memory_space<hbm>>
    %dma_start3A_163 = arith.constant 8192 : i32
    %dma_start3A_164 = tpu.memref_slice %arg7[%dma_start3A_163] : memref<12288xf32, #tpu.memory_space<vmem>> -> memref<4096xf32, #tpu.memory_space<vmem>>
    tpu.enqueue_dma source(%dma_start3A_164 : memref<4096xf32, #tpu.memory_space<vmem>>) target(%dma_start3A_162 : memref<4096xf32, #tpu.memory_space<hbm>>) target_semaphore(%arg8 : memref<!tpu.dma_semaphore, #tpu.memory_space<semaphore_mem>>)
    %dma_wait3A_165 = arith.constant 0 : i32
    %dma_wait3A_166 = tpu.memref_slice %arg7[%dma_wait3A_165] : memref<12288xf32, #tpu.memory_space<vmem>> -> memref<4096xf32, #tpu.memory_space<vmem>>
    %dma_wait3A_167 = arith.constant 0 : i32
    %dma_wait3A_168 = tpu.memref_slice %arg4[%add3A_89, %dma_wait3A_167] : memref<256x16384xf32, #tpu.memory_space<hbm>> -> memref<1x4096xf32, #tpu.memory_space<hbm>>
    %dma_wait3A_169 = tpu.memref_squeeze %dma_wait3A_168 : memref<1x4096xf32, #tpu.memory_space<hbm>> -> memref<4096xf32, #tpu.memory_space<hbm>>
    %dma_wait3A_170 = arith.constant 0 : i32
    %dma_wait3A_171 = tpu.memref_slice %arg4[%add3A_89, %dma_wait3A_170] : memref<256x16384xf32, #tpu.memory_space<hbm>> -> memref<1x4096xf32, #tpu.memory_space<hbm>>
    %dma_wait3A_172 = tpu.memref_squeeze %dma_wait3A_171 : memref<1x4096xf32, #tpu.memory_space<hbm>> -> memref<4096xf32, #tpu.memory_space<hbm>>
    %dma_wait3A_173 = arith.constant 0 : i32
    %dma_wait3A_174 = tpu.memref_slice %arg7[%dma_wait3A_173] : memref<12288xf32, #tpu.memory_space<vmem>> -> memref<4096xf32, #tpu.memory_space<vmem>>
    tpu.wait_dma2 semaphore(%arg8 : memref<!tpu.dma_semaphore, #tpu.memory_space<semaphore_mem>>) src(%dma_wait3A_174 : memref<4096xf32, #tpu.memory_space<vmem>>) dst(%dma_wait3A_172 : memref<4096xf32, #tpu.memory_space<hbm>>)
    %parallel_loop3A_175 = arith.constant 0 : i32
    %parallel_loop3A_176 = arith.constant 4096 : i32
    %parallel_loop3A_177 = arith.constant 16 : i32
    scf.for %parallel_loop3A_878 = %parallel_loop3A_175 to %parallel_loop3A_176 step %parallel_loop3A_177  : i32 {
      %parallel_loop3A_879 = arith.constant 12288 : i32
      %parallel_loop3A_880 = arith.addi %parallel_loop3A_879, %parallel_loop3A_878 : i32
      %parallel_loop3A_881 = arith.index_cast %parallel_loop3A_880 : i32 to index
      %parallel_loop3A_882 = tpu.vector_load %arg5[%parallel_loop3A_881] {strides = array<i32>} : memref<16384xi32, #tpu.memory_space<vmem>>, vector<16xi32>,
      %parallel_loop3A_883 = tpu.vector_load_idx %arg6[%parallel_loop3A_882] : memref<100000xf32, #tpu.memory_space<vmem>>[vector<16xi32>], vector<16xf32>,
      %parallel_loop3A_884 = arith.constant 0 : i32
      %parallel_loop3A_885 = arith.addi %parallel_loop3A_884, %parallel_loop3A_878 : i32
      %parallel_loop3A_886 = arith.index_cast %parallel_loop3A_885 : i32 to index
      %parallel_loop3A_887 = tpu.vector_load %arg7[%parallel_loop3A_886] {strides = array<i32>} : memref<12288xf32, #tpu.memory_space<vmem>>, vector<16xf32>,
      tpu.vector_store %arg7[%parallel_loop3A_886], %parallel_loop3A_883 {strides = array<i32>} : memref<12288xf32, #tpu.memory_space<vmem>>, vector<16xf32>,
    } {sc.loop_unroll_factor = 8 : i64, sc.parallel_access}
    %dma_start3A_178 = arith.constant 0 : i32
    %dma_start3A_179 = tpu.memref_slice %arg7[%dma_start3A_178] : memref<12288xf32, #tpu.memory_space<vmem>> -> memref<4096xf32, #tpu.memory_space<vmem>>
    %dma_start3A_180 = arith.constant 12288 : i32
    %dma_start3A_181 = tpu.memref_slice %arg4[%add3A_89, %dma_start3A_180] : memref<256x16384xf32, #tpu.memory_space<hbm>> -> memref<1x4096xf32, #tpu.memory_space<hbm>>
    %dma_start3A_182 = tpu.memref_squeeze %dma_start3A_181 : memref<1x4096xf32, #tpu.memory_space<hbm>> -> memref<4096xf32, #tpu.memory_space<hbm>>
    %dma_start3A_183 = arith.constant 12288 : i32
    %dma_start3A_184 = tpu.memref_slice %arg4[%add3A_89, %dma_start3A_183] : memref<256x16384xf32, #tpu.memory_space<hbm>> -> memref<1x4096xf32, #tpu.memory_space<hbm>>
    %dma_start3A_185 = tpu.memref_squeeze %dma_start3A_184 : memref<1x4096xf32, #tpu.memory_space<hbm>> -> memref<4096xf32, #tpu.memory_space<hbm>>
    %dma_start3A_186 = arith.constant 0 : i32
    %dma_start3A_187 = tpu.memref_slice %arg7[%dma_start3A_186] : memref<12288xf32, #tpu.memory_space<vmem>> -> memref<4096xf32, #tpu.memory_space<vmem>>
    tpu.enqueue_dma source(%dma_start3A_187 : memref<4096xf32, #tpu.memory_space<vmem>>) target(%dma_start3A_185 : memref<4096xf32, #tpu.memory_space<hbm>>) target_semaphore(%arg8 : memref<!tpu.dma_semaphore, #tpu.memory_space<semaphore_mem>>)
    %add3A_188 = arith.constant 1 : i32
    %add3A_189 = arith.addi %add3A_89, %add3A_188 : i32
    %dma_start3A_190 = arith.constant 0 : i32
    %dma_start3A_191 = tpu.memref_slice %arg2[%add3A_189, %dma_start3A_190] : memref<256x100000xf32, #tpu.memory_space<hbm>> -> memref<1x100000xf32, #tpu.memory_space<hbm>>
    %dma_start3A_192 = tpu.memref_squeeze %dma_start3A_191 : memref<1x100000xf32, #tpu.memory_space<hbm>> -> memref<100000xf32, #tpu.memory_space<hbm>>
    %dma_start3A_193 = arith.constant 0 : i32
    %dma_start3A_194 = tpu.memref_slice %arg2[%add3A_189, %dma_start3A_193] : memref<256x100000xf32, #tpu.memory_space<hbm>> -> memref<1x100000xf32, #tpu.memory_space<hbm>>
    %dma_start3A_195 = tpu.memref_squeeze %dma_start3A_194 : memref<1x100000xf32, #tpu.memory_space<hbm>> -> memref<100000xf32, #tpu.memory_space<hbm>>
    tpu.enqueue_dma source(%dma_start3A_195 : memref<100000xf32, #tpu.memory_space<hbm>>) target(%arg6 : memref<100000xf32, #tpu.memory_space<vmem>>) target_semaphore(%arg9 : memref<!tpu.dma_semaphore, #tpu.memory_space<semaphore_mem>>)
    %mul3A_196 = arith.constant 8 : i32
    %mul3A_197 = arith.muli %add3A, %mul3A_196 : i32
    %add3A_198 = arith.constant 2 : i32
    %add3A_199 = arith.addi %mul3A_197, %add3A_198 : i32
    %dma_wait3A_200 = arith.constant 0 : i32
    %dma_wait3A_201 = tpu.memref_slice %arg2[%add3A_189, %dma_wait3A_200] : memref<256x100000xf32, #tpu.memory_space<hbm>> -> memref<1x100000xf32, #tpu.memory_space<hbm>>
    %dma_wait3A_202 = tpu.memref_squeeze %dma_wait3A_201 : memref<1x100000xf32, #tpu.memory_space<hbm>> -> memref<100000xf32, #tpu.memory_space<hbm>>
    %dma_wait3A_203 = arith.constant 0 : i32
    %dma_wait3A_204 = tpu.memref_slice %arg2[%add3A_189, %dma_wait3A_203] : memref<256x100000xf32, #tpu.memory_space<hbm>> -> memref<1x100000xf32, #tpu.memory_space<hbm>>
    %dma_wait3A_205 = tpu.memref_squeeze %dma_wait3A_204 : memref<1x100000xf32, #tpu.memory_space<hbm>> -> memref<100000xf32, #tpu.memory_space<hbm>>
    tpu.wait_dma2 semaphore(%arg9 : memref<!tpu.dma_semaphore, #tpu.memory_space<semaphore_mem>>) src(%dma_wait3A_205 : memref<100000xf32, #tpu.memory_space<hbm>>) dst(%arg6 : memref<100000xf32, #tpu.memory_space<vmem>>)
    %dma_wait3A_206 = arith.constant 4096 : i32
    %dma_wait3A_207 = tpu.memref_slice %arg7[%dma_wait3A_206] : memref<12288xf32, #tpu.memory_space<vmem>> -> memref<4096xf32, #tpu.memory_space<vmem>>
    %dma_wait3A_208 = arith.constant 4096 : i32
    %dma_wait3A_209 = tpu.memref_slice %arg4[%add3A_89, %dma_wait3A_208] : memref<256x16384xf32, #tpu.memory_space<hbm>> -> memref<1x4096xf32, #tpu.memory_space<hbm>>
    %dma_wait3A_210 = tpu.memref_squeeze %dma_wait3A_209 : memref<1x4096xf32, #tpu.memory_space<hbm>> -> memref<4096xf32, #tpu.memory_space<hbm>>
    %dma_wait3A_211 = arith.constant 4096 : i32
    %dma_wait3A_212 = tpu.memref_slice %arg4[%add3A_89, %dma_wait3A_211] : memref<256x16384xf32, #tpu.memory_space<hbm>> -> memref<1x4096xf32, #tpu.memory_space<hbm>>
    %dma_wait3A_213 = tpu.memref_squeeze %dma_wait3A_212 : memref<1x4096xf32, #tpu.memory_space<hbm>> -> memref<4096xf32, #tpu.memory_space<hbm>>
    %dma_wait3A_214 = arith.constant 4096 : i32
    %dma_wait3A_215 = tpu.memref_slice %arg7[%dma_wait3A_214] : memref<12288xf32, #tpu.memory_space<vmem>> -> memref<4096xf32, #tpu.memory_space<vmem>>
    tpu.wait_dma2 semaphore(%arg8 : memref<!tpu.dma_semaphore, #tpu.memory_space<semaphore_mem>>) src(%dma_wait3A_215 : memref<4096xf32, #tpu.memory_space<vmem>>) dst(%dma_wait3A_213 : memref<4096xf32, #tpu.memory_space<hbm>>)
    %parallel_loop3A_216 = arith.constant 0 : i32
    %parallel_loop3A_217 = arith.constant 4096 : i32
    %parallel_loop3A_218 = arith.constant 16 : i32
    scf.for %parallel_loop3A_878 = %parallel_loop3A_216 to %parallel_loop3A_217 step %parallel_loop3A_218  : i32 {
      %parallel_loop3A_879 = arith.constant 0 : i32
      %parallel_loop3A_880 = arith.addi %parallel_loop3A_879, %parallel_loop3A_878 : i32
      %parallel_loop3A_881 = arith.index_cast %parallel_loop3A_880 : i32 to index
      %parallel_loop3A_882 = tpu.vector_load %arg5[%parallel_loop3A_881] {strides = array<i32>} : memref<16384xi32, #tpu.memory_space<vmem>>, vector<16xi32>,
      %parallel_loop3A_883 = tpu.vector_load_idx %arg6[%parallel_loop3A_882] : memref<100000xf32, #tpu.memory_space<vmem>>[vector<16xi32>], vector<16xf32>,
      %parallel_loop3A_884 = arith.constant 0 : i32
      %parallel_loop3A_885 = arith.addi %parallel_loop3A_884, %parallel_loop3A_878 : i32
      %parallel_loop3A_886 = arith.index_cast %parallel_loop3A_885 : i32 to index
      %parallel_loop3A_887 = tpu.vector_load %arg7[%parallel_loop3A_886] {strides = array<i32>} : memref<12288xf32, #tpu.memory_space<vmem>>, vector<16xf32>,
      tpu.vector_store %arg7[%parallel_loop3A_886], %parallel_loop3A_883 {strides = array<i32>} : memref<12288xf32, #tpu.memory_space<vmem>>, vector<16xf32>,
    } {sc.loop_unroll_factor = 8 : i64, sc.parallel_access}
    %dma_start3A_219 = arith.constant 0 : i32
    %dma_start3A_220 = tpu.memref_slice %arg7[%dma_start3A_219] : memref<12288xf32, #tpu.memory_space<vmem>> -> memref<4096xf32, #tpu.memory_space<vmem>>
    %dma_start3A_221 = arith.constant 0 : i32
    %dma_start3A_222 = tpu.memref_slice %arg4[%add3A_199, %dma_start3A_221] : memref<256x16384xf32, #tpu.memory_space<hbm>> -> memref<1x4096xf32, #tpu.memory_space<hbm>>
    %dma_start3A_223 = tpu.memref_squeeze %dma_start3A_222 : memref<1x4096xf32, #tpu.memory_space<hbm>> -> memref<4096xf32, #tpu.memory_space<hbm>>
    %dma_start3A_224 = arith.constant 0 : i32
    %dma_start3A_225 = tpu.memref_slice %arg4[%add3A_199, %dma_start3A_224] : memref<256x16384xf32, #tpu.memory_space<hbm>> -> memref<1x4096xf32, #tpu.memory_space<hbm>>
    %dma_start3A_226 = tpu.memref_squeeze %dma_start3A_225 : memref<1x4096xf32, #tpu.memory_space<hbm>> -> memref<4096xf32, #tpu.memory_space<hbm>>
    %dma_start3A_227 = arith.constant 0 : i32
    %dma_start3A_228 = tpu.memref_slice %arg7[%dma_start3A_227] : memref<12288xf32, #tpu.memory_space<vmem>> -> memref<4096xf32, #tpu.memory_space<vmem>>
    tpu.enqueue_dma source(%dma_start3A_228 : memref<4096xf32, #tpu.memory_space<vmem>>) target(%dma_start3A_226 : memref<4096xf32, #tpu.memory_space<hbm>>) target_semaphore(%arg8 : memref<!tpu.dma_semaphore, #tpu.memory_space<semaphore_mem>>)
    %dma_wait3A_229 = arith.constant 8192 : i32
    %dma_wait3A_230 = tpu.memref_slice %arg7[%dma_wait3A_229] : memref<12288xf32, #tpu.memory_space<vmem>> -> memref<4096xf32, #tpu.memory_space<vmem>>
    %dma_wait3A_231 = arith.constant 8192 : i32
    %dma_wait3A_232 = tpu.memref_slice %arg4[%add3A_89, %dma_wait3A_231] : memref<256x16384xf32, #tpu.memory_space<hbm>> -> memref<1x4096xf32, #tpu.memory_space<hbm>>
    %dma_wait3A_233 = tpu.memref_squeeze %dma_wait3A_232 : memref<1x4096xf32, #tpu.memory_space<hbm>> -> memref<4096xf32, #tpu.memory_space<hbm>>
    %dma_wait3A_234 = arith.constant 8192 : i32
    %dma_wait3A_235 = tpu.memref_slice %arg4[%add3A_89, %dma_wait3A_234] : memref<256x16384xf32, #tpu.memory_space<hbm>> -> memref<1x4096xf32, #tpu.memory_space<hbm>>
    %dma_wait3A_236 = tpu.memref_squeeze %dma_wait3A_235 : memref<1x4096xf32, #tpu.memory_space<hbm>> -> memref<4096xf32, #tpu.memory_space<hbm>>
    %dma_wait3A_237 = arith.constant 8192 : i32
    %dma_wait3A_238 = tpu.memref_slice %arg7[%dma_wait3A_237] : memref<12288xf32, #tpu.memory_space<vmem>> -> memref<4096xf32, #tpu.memory_space<vmem>>
    tpu.wait_dma2 semaphore(%arg8 : memref<!tpu.dma_semaphore, #tpu.memory_space<semaphore_mem>>) src(%dma_wait3A_238 : memref<4096xf32, #tpu.memory_space<vmem>>) dst(%dma_wait3A_236 : memref<4096xf32, #tpu.memory_space<hbm>>)
    %parallel_loop3A_239 = arith.constant 0 : i32
    %parallel_loop3A_240 = arith.constant 4096 : i32
    %parallel_loop3A_241 = arith.constant 16 : i32
    scf.for %parallel_loop3A_878 = %parallel_loop3A_239 to %parallel_loop3A_240 step %parallel_loop3A_241  : i32 {
      %parallel_loop3A_879 = arith.constant 4096 : i32
      %parallel_loop3A_880 = arith.addi %parallel_loop3A_879, %parallel_loop3A_878 : i32
      %parallel_loop3A_881 = arith.index_cast %parallel_loop3A_880 : i32 to index
      %parallel_loop3A_882 = tpu.vector_load %arg5[%parallel_loop3A_881] {strides = array<i32>} : memref<16384xi32, #tpu.memory_space<vmem>>, vector<16xi32>,
      %parallel_loop3A_883 = tpu.vector_load_idx %arg6[%parallel_loop3A_882] : memref<100000xf32, #tpu.memory_space<vmem>>[vector<16xi32>], vector<16xf32>,
      %parallel_loop3A_884 = arith.constant 4096 : i32
      %parallel_loop3A_885 = arith.addi %parallel_loop3A_884, %parallel_loop3A_878 : i32
      %parallel_loop3A_886 = arith.index_cast %parallel_loop3A_885 : i32 to index
      %parallel_loop3A_887 = tpu.vector_load %arg7[%parallel_loop3A_886] {strides = array<i32>} : memref<12288xf32, #tpu.memory_space<vmem>>, vector<16xf32>,
      tpu.vector_store %arg7[%parallel_loop3A_886], %parallel_loop3A_883 {strides = array<i32>} : memref<12288xf32, #tpu.memory_space<vmem>>, vector<16xf32>,
    } {sc.loop_unroll_factor = 8 : i64, sc.parallel_access}
    %dma_start3A_242 = arith.constant 4096 : i32
    %dma_start3A_243 = tpu.memref_slice %arg7[%dma_start3A_242] : memref<12288xf32, #tpu.memory_space<vmem>> -> memref<4096xf32, #tpu.memory_space<vmem>>
    %dma_start3A_244 = arith.constant 4096 : i32
    %dma_start3A_245 = tpu.memref_slice %arg4[%add3A_199, %dma_start3A_244] : memref<256x16384xf32, #tpu.memory_space<hbm>> -> memref<1x4096xf32, #tpu.memory_space<hbm>>
    %dma_start3A_246 = tpu.memref_squeeze %dma_start3A_245 : memref<1x4096xf32, #tpu.memory_space<hbm>> -> memref<4096xf32, #tpu.memory_space<hbm>>
    %dma_start3A_247 = arith.constant 4096 : i32
    %dma_start3A_248 = tpu.memref_slice %arg4[%add3A_199, %dma_start3A_247] : memref<256x16384xf32, #tpu.memory_space<hbm>> -> memref<1x4096xf32, #tpu.memory_space<hbm>>
    %dma_start3A_249 = tpu.memref_squeeze %dma_start3A_248 : memref<1x4096xf32, #tpu.memory_space<hbm>> -> memref<4096xf32, #tpu.memory_space<hbm>>
    %dma_start3A_250 = arith.constant 4096 : i32
    %dma_start3A_251 = tpu.memref_slice %arg7[%dma_start3A_250] : memref<12288xf32, #tpu.memory_space<vmem>> -> memref<4096xf32, #tpu.memory_space<vmem>>
    tpu.enqueue_dma source(%dma_start3A_251 : memref<4096xf32, #tpu.memory_space<vmem>>) target(%dma_start3A_249 : memref<4096xf32, #tpu.memory_space<hbm>>) target_semaphore(%arg8 : memref<!tpu.dma_semaphore, #tpu.memory_space<semaphore_mem>>)
    %dma_wait3A_252 = arith.constant 0 : i32
    %dma_wait3A_253 = tpu.memref_slice %arg7[%dma_wait3A_252] : memref<12288xf32, #tpu.memory_space<vmem>> -> memref<4096xf32, #tpu.memory_space<vmem>>
    %dma_wait3A_254 = arith.constant 12288 : i32
    %dma_wait3A_255 = tpu.memref_slice %arg4[%add3A_89, %dma_wait3A_254] : memref<256x16384xf32, #tpu.memory_space<hbm>> -> memref<1x4096xf32, #tpu.memory_space<hbm>>
    %dma_wait3A_256 = tpu.memref_squeeze %dma_wait3A_255 : memref<1x4096xf32, #tpu.memory_space<hbm>> -> memref<4096xf32, #tpu.memory_space<hbm>>
    %dma_wait3A_257 = arith.constant 12288 : i32
    %dma_wait3A_258 = tpu.memref_slice %arg4[%add3A_89, %dma_wait3A_257] : memref<256x16384xf32, #tpu.memory_space<hbm>> -> memref<1x4096xf32, #tpu.memory_space<hbm>>
    %dma_wait3A_259 = tpu.memref_squeeze %dma_wait3A_258 : memref<1x4096xf32, #tpu.memory_space<hbm>> -> memref<4096xf32, #tpu.memory_space<hbm>>
    %dma_wait3A_260 = arith.constant 0 : i32
    %dma_wait3A_261 = tpu.memref_slice %arg7[%dma_wait3A_260] : memref<12288xf32, #tpu.memory_space<vmem>> -> memref<4096xf32, #tpu.memory_space<vmem>>
    tpu.wait_dma2 semaphore(%arg8 : memref<!tpu.dma_semaphore, #tpu.memory_space<semaphore_mem>>) src(%dma_wait3A_261 : memref<4096xf32, #tpu.memory_space<vmem>>) dst(%dma_wait3A_259 : memref<4096xf32, #tpu.memory_space<hbm>>)
    %parallel_loop3A_262 = arith.constant 0 : i32
    %parallel_loop3A_263 = arith.constant 4096 : i32
    %parallel_loop3A_264 = arith.constant 16 : i32
    scf.for %parallel_loop3A_878 = %parallel_loop3A_262 to %parallel_loop3A_263 step %parallel_loop3A_264  : i32 {
      %parallel_loop3A_879 = arith.constant 8192 : i32
      %parallel_loop3A_880 = arith.addi %parallel_loop3A_879, %parallel_loop3A_878 : i32
      %parallel_loop3A_881 = arith.index_cast %parallel_loop3A_880 : i32 to index
      %parallel_loop3A_882 = tpu.vector_load %arg5[%parallel_loop3A_881] {strides = array<i32>} : memref<16384xi32, #tpu.memory_space<vmem>>, vector<16xi32>,
      %parallel_loop3A_883 = tpu.vector_load_idx %arg6[%parallel_loop3A_882] : memref<100000xf32, #tpu.memory_space<vmem>>[vector<16xi32>], vector<16xf32>,
      %parallel_loop3A_884 = arith.constant 8192 : i32
      %parallel_loop3A_885 = arith.addi %parallel_loop3A_884, %parallel_loop3A_878 : i32
      %parallel_loop3A_886 = arith.index_cast %parallel_loop3A_885 : i32 to index
      %parallel_loop3A_887 = tpu.vector_load %arg7[%parallel_loop3A_886] {strides = array<i32>} : memref<12288xf32, #tpu.memory_space<vmem>>, vector<16xf32>,
      tpu.vector_store %arg7[%parallel_loop3A_886], %parallel_loop3A_883 {strides = array<i32>} : memref<12288xf32, #tpu.memory_space<vmem>>, vector<16xf32>,
    } {sc.loop_unroll_factor = 8 : i64, sc.parallel_access}
    %dma_start3A_265 = arith.constant 8192 : i32
    %dma_start3A_266 = tpu.memref_slice %arg7[%dma_start3A_265] : memref<12288xf32, #tpu.memory_space<vmem>> -> memref<4096xf32, #tpu.memory_space<vmem>>
    %dma_start3A_267 = arith.constant 8192 : i32
    %dma_start3A_268 = tpu.memref_slice %arg4[%add3A_199, %dma_start3A_267] : memref<256x16384xf32, #tpu.memory_space<hbm>> -> memref<1x4096xf32, #tpu.memory_space<hbm>>
    %dma_start3A_269 = tpu.memref_squeeze %dma_start3A_268 : memref<1x4096xf32, #tpu.memory_space<hbm>> -> memref<4096xf32, #tpu.memory_space<hbm>>
    %dma_start3A_270 = arith.constant 8192 : i32
    %dma_start3A_271 = tpu.memref_slice %arg4[%add3A_199, %dma_start3A_270] : memref<256x16384xf32, #tpu.memory_space<hbm>> -> memref<1x4096xf32, #tpu.memory_space<hbm>>
    %dma_start3A_272 = tpu.memref_squeeze %dma_start3A_271 : memref<1x4096xf32, #tpu.memory_space<hbm>> -> memref<4096xf32, #tpu.memory_space<hbm>>
    %dma_start3A_273 = arith.constant 8192 : i32
    %dma_start3A_274 = tpu.memref_slice %arg7[%dma_start3A_273] : memref<12288xf32, #tpu.memory_space<vmem>> -> memref<4096xf32, #tpu.memory_space<vmem>>
    tpu.enqueue_dma source(%dma_start3A_274 : memref<4096xf32, #tpu.memory_space<vmem>>) target(%dma_start3A_272 : memref<4096xf32, #tpu.memory_space<hbm>>) target_semaphore(%arg8 : memref<!tpu.dma_semaphore, #tpu.memory_space<semaphore_mem>>)
    %dma_wait3A_275 = arith.constant 0 : i32
    %dma_wait3A_276 = tpu.memref_slice %arg7[%dma_wait3A_275] : memref<12288xf32, #tpu.memory_space<vmem>> -> memref<4096xf32, #tpu.memory_space<vmem>>
    %dma_wait3A_277 = arith.constant 0 : i32
    %dma_wait3A_278 = tpu.memref_slice %arg4[%add3A_199, %dma_wait3A_277] : memref<256x16384xf32, #tpu.memory_space<hbm>> -> memref<1x4096xf32, #tpu.memory_space<hbm>>
    %dma_wait3A_279 = tpu.memref_squeeze %dma_wait3A_278 : memref<1x4096xf32, #tpu.memory_space<hbm>> -> memref<4096xf32, #tpu.memory_space<hbm>>
    %dma_wait3A_280 = arith.constant 0 : i32
    %dma_wait3A_281 = tpu.memref_slice %arg4[%add3A_199, %dma_wait3A_280] : memref<256x16384xf32, #tpu.memory_space<hbm>> -> memref<1x4096xf32, #tpu.memory_space<hbm>>
    %dma_wait3A_282 = tpu.memref_squeeze %dma_wait3A_281 : memref<1x4096xf32, #tpu.memory_space<hbm>> -> memref<4096xf32, #tpu.memory_space<hbm>>
    %dma_wait3A_283 = arith.constant 0 : i32
    %dma_wait3A_284 = tpu.memref_slice %arg7[%dma_wait3A_283] : memref<12288xf32, #tpu.memory_space<vmem>> -> memref<4096xf32, #tpu.memory_space<vmem>>
    tpu.wait_dma2 semaphore(%arg8 : memref<!tpu.dma_semaphore, #tpu.memory_space<semaphore_mem>>) src(%dma_wait3A_284 : memref<4096xf32, #tpu.memory_space<vmem>>) dst(%dma_wait3A_282 : memref<4096xf32, #tpu.memory_space<hbm>>)
    %parallel_loop3A_285 = arith.constant 0 : i32
    %parallel_loop3A_286 = arith.constant 4096 : i32
    %parallel_loop3A_287 = arith.constant 16 : i32
    scf.for %parallel_loop3A_878 = %parallel_loop3A_285 to %parallel_loop3A_286 step %parallel_loop3A_287  : i32 {
      %parallel_loop3A_879 = arith.constant 12288 : i32
      %parallel_loop3A_880 = arith.addi %parallel_loop3A_879, %parallel_loop3A_878 : i32
      %parallel_loop3A_881 = arith.index_cast %parallel_loop3A_880 : i32 to index
      %parallel_loop3A_882 = tpu.vector_load %arg5[%parallel_loop3A_881] {strides = array<i32>} : memref<16384xi32, #tpu.memory_space<vmem>>, vector<16xi32>,
      %parallel_loop3A_883 = tpu.vector_load_idx %arg6[%parallel_loop3A_882] : memref<100000xf32, #tpu.memory_space<vmem>>[vector<16xi32>], vector<16xf32>,
      %parallel_loop3A_884 = arith.constant 0 : i32
      %parallel_loop3A_885 = arith.addi %parallel_loop3A_884, %parallel_loop3A_878 : i32
      %parallel_loop3A_886 = arith.index_cast %parallel_loop3A_885 : i32 to index
      %parallel_loop3A_887 = tpu.vector_load %arg7[%parallel_loop3A_886] {strides = array<i32>} : memref<12288xf32, #tpu.memory_space<vmem>>, vector<16xf32>,
      tpu.vector_store %arg7[%parallel_loop3A_886], %parallel_loop3A_883 {strides = array<i32>} : memref<12288xf32, #tpu.memory_space<vmem>>, vector<16xf32>,
    } {sc.loop_unroll_factor = 8 : i64, sc.parallel_access}
    %dma_start3A_288 = arith.constant 0 : i32
    %dma_start3A_289 = tpu.memref_slice %arg7[%dma_start3A_288] : memref<12288xf32, #tpu.memory_space<vmem>> -> memref<4096xf32, #tpu.memory_space<vmem>>
    %dma_start3A_290 = arith.constant 12288 : i32
    %dma_start3A_291 = tpu.memref_slice %arg4[%add3A_199, %dma_start3A_290] : memref<256x16384xf32, #tpu.memory_space<hbm>> -> memref<1x4096xf32, #tpu.memory_space<hbm>>
    %dma_start3A_292 = tpu.memref_squeeze %dma_start3A_291 : memref<1x4096xf32, #tpu.memory_space<hbm>> -> memref<4096xf32, #tpu.memory_space<hbm>>
    %dma_start3A_293 = arith.constant 12288 : i32
    %dma_start3A_294 = tpu.memref_slice %arg4[%add3A_199, %dma_start3A_293] : memref<256x16384xf32, #tpu.memory_space<hbm>> -> memref<1x4096xf32, #tpu.memory_space<hbm>>
    %dma_start3A_295 = tpu.memref_squeeze %dma_start3A_294 : memref<1x4096xf32, #tpu.memory_space<hbm>> -> memref<4096xf32, #tpu.memory_space<hbm>>
    %dma_start3A_296 = arith.constant 0 : i32
    %dma_start3A_297 = tpu.memref_slice %arg7[%dma_start3A_296] : memref<12288xf32, #tpu.memory_space<vmem>> -> memref<4096xf32, #tpu.memory_space<vmem>>
    tpu.enqueue_dma source(%dma_start3A_297 : memref<4096xf32, #tpu.memory_space<vmem>>) target(%dma_start3A_295 : memref<4096xf32, #tpu.memory_space<hbm>>) target_semaphore(%arg8 : memref<!tpu.dma_semaphore, #tpu.memory_space<semaphore_mem>>)
    %add3A_298 = arith.constant 1 : i32
    %add3A_299 = arith.addi %add3A_199, %add3A_298 : i32
    %dma_start3A_300 = arith.constant 0 : i32
    %dma_start3A_301 = tpu.memref_slice %arg2[%add3A_299, %dma_start3A_300] : memref<256x100000xf32, #tpu.memory_space<hbm>> -> memref<1x100000xf32, #tpu.memory_space<hbm>>
    %dma_start3A_302 = tpu.memref_squeeze %dma_start3A_301 : memref<1x100000xf32, #tpu.memory_space<hbm>> -> memref<100000xf32, #tpu.memory_space<hbm>>
    %dma_start3A_303 = arith.constant 0 : i32
    %dma_start3A_304 = tpu.memref_slice %arg2[%add3A_299, %dma_start3A_303] : memref<256x100000xf32, #tpu.memory_space<hbm>> -> memref<1x100000xf32, #tpu.memory_space<hbm>>
    %dma_start3A_305 = tpu.memref_squeeze %dma_start3A_304 : memref<1x100000xf32, #tpu.memory_space<hbm>> -> memref<100000xf32, #tpu.memory_space<hbm>>
    tpu.enqueue_dma source(%dma_start3A_305 : memref<100000xf32, #tpu.memory_space<hbm>>) target(%arg6 : memref<100000xf32, #tpu.memory_space<vmem>>) target_semaphore(%arg9 : memref<!tpu.dma_semaphore, #tpu.memory_space<semaphore_mem>>)
    %mul3A_306 = arith.constant 8 : i32
    %mul3A_307 = arith.muli %add3A, %mul3A_306 : i32
    %add3A_308 = arith.constant 3 : i32
    %add3A_309 = arith.addi %mul3A_307, %add3A_308 : i32
    %dma_wait3A_310 = arith.constant 0 : i32
    %dma_wait3A_311 = tpu.memref_slice %arg2[%add3A_299, %dma_wait3A_310] : memref<256x100000xf32, #tpu.memory_space<hbm>> -> memref<1x100000xf32, #tpu.memory_space<hbm>>
    %dma_wait3A_312 = tpu.memref_squeeze %dma_wait3A_311 : memref<1x100000xf32, #tpu.memory_space<hbm>> -> memref<100000xf32, #tpu.memory_space<hbm>>
    %dma_wait3A_313 = arith.constant 0 : i32
    %dma_wait3A_314 = tpu.memref_slice %arg2[%add3A_299, %dma_wait3A_313] : memref<256x100000xf32, #tpu.memory_space<hbm>> -> memref<1x100000xf32, #tpu.memory_space<hbm>>
    %dma_wait3A_315 = tpu.memref_squeeze %dma_wait3A_314 : memref<1x100000xf32, #tpu.memory_space<hbm>> -> memref<100000xf32, #tpu.memory_space<hbm>>
    tpu.wait_dma2 semaphore(%arg9 : memref<!tpu.dma_semaphore, #tpu.memory_space<semaphore_mem>>) src(%dma_wait3A_315 : memref<100000xf32, #tpu.memory_space<hbm>>) dst(%arg6 : memref<100000xf32, #tpu.memory_space<vmem>>)
    %dma_wait3A_316 = arith.constant 4096 : i32
    %dma_wait3A_317 = tpu.memref_slice %arg7[%dma_wait3A_316] : memref<12288xf32, #tpu.memory_space<vmem>> -> memref<4096xf32, #tpu.memory_space<vmem>>
    %dma_wait3A_318 = arith.constant 4096 : i32
    %dma_wait3A_319 = tpu.memref_slice %arg4[%add3A_199, %dma_wait3A_318] : memref<256x16384xf32, #tpu.memory_space<hbm>> -> memref<1x4096xf32, #tpu.memory_space<hbm>>
    %dma_wait3A_320 = tpu.memref_squeeze %dma_wait3A_319 : memref<1x4096xf32, #tpu.memory_space<hbm>> -> memref<4096xf32, #tpu.memory_space<hbm>>
    %dma_wait3A_321 = arith.constant 4096 : i32
    %dma_wait3A_322 = tpu.memref_slice %arg4[%add3A_199, %dma_wait3A_321] : memref<256x16384xf32, #tpu.memory_space<hbm>> -> memref<1x4096xf32, #tpu.memory_space<hbm>>
    %dma_wait3A_323 = tpu.memref_squeeze %dma_wait3A_322 : memref<1x4096xf32, #tpu.memory_space<hbm>> -> memref<4096xf32, #tpu.memory_space<hbm>>
    %dma_wait3A_324 = arith.constant 4096 : i32
    %dma_wait3A_325 = tpu.memref_slice %arg7[%dma_wait3A_324] : memref<12288xf32, #tpu.memory_space<vmem>> -> memref<4096xf32, #tpu.memory_space<vmem>>
    tpu.wait_dma2 semaphore(%arg8 : memref<!tpu.dma_semaphore, #tpu.memory_space<semaphore_mem>>) src(%dma_wait3A_325 : memref<4096xf32, #tpu.memory_space<vmem>>) dst(%dma_wait3A_323 : memref<4096xf32, #tpu.memory_space<hbm>>)
    %parallel_loop3A_326 = arith.constant 0 : i32
    %parallel_loop3A_327 = arith.constant 4096 : i32
    %parallel_loop3A_328 = arith.constant 16 : i32
    scf.for %parallel_loop3A_878 = %parallel_loop3A_326 to %parallel_loop3A_327 step %parallel_loop3A_328  : i32 {
      %parallel_loop3A_879 = arith.constant 0 : i32
      %parallel_loop3A_880 = arith.addi %parallel_loop3A_879, %parallel_loop3A_878 : i32
      %parallel_loop3A_881 = arith.index_cast %parallel_loop3A_880 : i32 to index
      %parallel_loop3A_882 = tpu.vector_load %arg5[%parallel_loop3A_881] {strides = array<i32>} : memref<16384xi32, #tpu.memory_space<vmem>>, vector<16xi32>,
      %parallel_loop3A_883 = tpu.vector_load_idx %arg6[%parallel_loop3A_882] : memref<100000xf32, #tpu.memory_space<vmem>>[vector<16xi32>], vector<16xf32>,
      %parallel_loop3A_884 = arith.constant 0 : i32
      %parallel_loop3A_885 = arith.addi %parallel_loop3A_884, %parallel_loop3A_878 : i32
      %parallel_loop3A_886 = arith.index_cast %parallel_loop3A_885 : i32 to index
      %parallel_loop3A_887 = tpu.vector_load %arg7[%parallel_loop3A_886] {strides = array<i32>} : memref<12288xf32, #tpu.memory_space<vmem>>, vector<16xf32>,
      tpu.vector_store %arg7[%parallel_loop3A_886], %parallel_loop3A_883 {strides = array<i32>} : memref<12288xf32, #tpu.memory_space<vmem>>, vector<16xf32>,
    } {sc.loop_unroll_factor = 8 : i64, sc.parallel_access}
    %dma_start3A_329 = arith.constant 0 : i32
    %dma_start3A_330 = tpu.memref_slice %arg7[%dma_start3A_329] : memref<12288xf32, #tpu.memory_space<vmem>> -> memref<4096xf32, #tpu.memory_space<vmem>>
    %dma_start3A_331 = arith.constant 0 : i32
    %dma_start3A_332 = tpu.memref_slice %arg4[%add3A_309, %dma_start3A_331] : memref<256x16384xf32, #tpu.memory_space<hbm>> -> memref<1x4096xf32, #tpu.memory_space<hbm>>
    %dma_start3A_333 = tpu.memref_squeeze %dma_start3A_332 : memref<1x4096xf32, #tpu.memory_space<hbm>> -> memref<4096xf32, #tpu.memory_space<hbm>>
    %dma_start3A_334 = arith.constant 0 : i32
    %dma_start3A_335 = tpu.memref_slice %arg4[%add3A_309, %dma_start3A_334] : memref<256x16384xf32, #tpu.memory_space<hbm>> -> memref<1x4096xf32, #tpu.memory_space<hbm>>
    %dma_start3A_336 = tpu.memref_squeeze %dma_start3A_335 : memref<1x4096xf32, #tpu.memory_space<hbm>> -> memref<4096xf32, #tpu.memory_space<hbm>>
    %dma_start3A_337 = arith.constant 0 : i32
    %dma_start3A_338 = tpu.memref_slice %arg7[%dma_start3A_337] : memref<12288xf32, #tpu.memory_space<vmem>> -> memref<4096xf32, #tpu.memory_space<vmem>>
    tpu.enqueue_dma source(%dma_start3A_338 : memref<4096xf32, #tpu.memory_space<vmem>>) target(%dma_start3A_336 : memref<4096xf32, #tpu.memory_space<hbm>>) target_semaphore(%arg8 : memref<!tpu.dma_semaphore, #tpu.memory_space<semaphore_mem>>)
    %dma_wait3A_339 = arith.constant 8192 : i32
    %dma_wait3A_340 = tpu.memref_slice %arg7[%dma_wait3A_339] : memref<12288xf32, #tpu.memory_space<vmem>> -> memref<4096xf32, #tpu.memory_space<vmem>>
    %dma_wait3A_341 = arith.constant 8192 : i32
    %dma_wait3A_342 = tpu.memref_slice %arg4[%add3A_199, %dma_wait3A_341] : memref<256x16384xf32, #tpu.memory_space<hbm>> -> memref<1x4096xf32, #tpu.memory_space<hbm>>
    %dma_wait3A_343 = tpu.memref_squeeze %dma_wait3A_342 : memref<1x4096xf32, #tpu.memory_space<hbm>> -> memref<4096xf32, #tpu.memory_space<hbm>>
    %dma_wait3A_344 = arith.constant 8192 : i32
    %dma_wait3A_345 = tpu.memref_slice %arg4[%add3A_199, %dma_wait3A_344] : memref<256x16384xf32, #tpu.memory_space<hbm>> -> memref<1x4096xf32, #tpu.memory_space<hbm>>
    %dma_wait3A_346 = tpu.memref_squeeze %dma_wait3A_345 : memref<1x4096xf32, #tpu.memory_space<hbm>> -> memref<4096xf32, #tpu.memory_space<hbm>>
    %dma_wait3A_347 = arith.constant 8192 : i32
    %dma_wait3A_348 = tpu.memref_slice %arg7[%dma_wait3A_347] : memref<12288xf32, #tpu.memory_space<vmem>> -> memref<4096xf32, #tpu.memory_space<vmem>>
    tpu.wait_dma2 semaphore(%arg8 : memref<!tpu.dma_semaphore, #tpu.memory_space<semaphore_mem>>) src(%dma_wait3A_348 : memref<4096xf32, #tpu.memory_space<vmem>>) dst(%dma_wait3A_346 : memref<4096xf32, #tpu.memory_space<hbm>>)
    %parallel_loop3A_349 = arith.constant 0 : i32
    %parallel_loop3A_350 = arith.constant 4096 : i32
    %parallel_loop3A_351 = arith.constant 16 : i32
    scf.for %parallel_loop3A_878 = %parallel_loop3A_349 to %parallel_loop3A_350 step %parallel_loop3A_351  : i32 {
      %parallel_loop3A_879 = arith.constant 4096 : i32
      %parallel_loop3A_880 = arith.addi %parallel_loop3A_879, %parallel_loop3A_878 : i32
      %parallel_loop3A_881 = arith.index_cast %parallel_loop3A_880 : i32 to index
      %parallel_loop3A_882 = tpu.vector_load %arg5[%parallel_loop3A_881] {strides = array<i32>} : memref<16384xi32, #tpu.memory_space<vmem>>, vector<16xi32>,
      %parallel_loop3A_883 = tpu.vector_load_idx %arg6[%parallel_loop3A_882] : memref<100000xf32, #tpu.memory_space<vmem>>[vector<16xi32>], vector<16xf32>,
      %parallel_loop3A_884 = arith.constant 4096 : i32
      %parallel_loop3A_885 = arith.addi %parallel_loop3A_884, %parallel_loop3A_878 : i32
      %parallel_loop3A_886 = arith.index_cast %parallel_loop3A_885 : i32 to index
      %parallel_loop3A_887 = tpu.vector_load %arg7[%parallel_loop3A_886] {strides = array<i32>} : memref<12288xf32, #tpu.memory_space<vmem>>, vector<16xf32>,
      tpu.vector_store %arg7[%parallel_loop3A_886], %parallel_loop3A_883 {strides = array<i32>} : memref<12288xf32, #tpu.memory_space<vmem>>, vector<16xf32>,
    } {sc.loop_unroll_factor = 8 : i64, sc.parallel_access}
    %dma_start3A_352 = arith.constant 4096 : i32
    %dma_start3A_353 = tpu.memref_slice %arg7[%dma_start3A_352] : memref<12288xf32, #tpu.memory_space<vmem>> -> memref<4096xf32, #tpu.memory_space<vmem>>
    %dma_start3A_354 = arith.constant 4096 : i32
    %dma_start3A_355 = tpu.memref_slice %arg4[%add3A_309, %dma_start3A_354] : memref<256x16384xf32, #tpu.memory_space<hbm>> -> memref<1x4096xf32, #tpu.memory_space<hbm>>
    %dma_start3A_356 = tpu.memref_squeeze %dma_start3A_355 : memref<1x4096xf32, #tpu.memory_space<hbm>> -> memref<4096xf32, #tpu.memory_space<hbm>>
    %dma_start3A_357 = arith.constant 4096 : i32
    %dma_start3A_358 = tpu.memref_slice %arg4[%add3A_309, %dma_start3A_357] : memref<256x16384xf32, #tpu.memory_space<hbm>> -> memref<1x4096xf32, #tpu.memory_space<hbm>>
    %dma_start3A_359 = tpu.memref_squeeze %dma_start3A_358 : memref<1x4096xf32, #tpu.memory_space<hbm>> -> memref<4096xf32, #tpu.memory_space<hbm>>
    %dma_start3A_360 = arith.constant 4096 : i32
    %dma_start3A_361 = tpu.memref_slice %arg7[%dma_start3A_360] : memref<12288xf32, #tpu.memory_space<vmem>> -> memref<4096xf32, #tpu.memory_space<vmem>>
    tpu.enqueue_dma source(%dma_start3A_361 : memref<4096xf32, #tpu.memory_space<vmem>>) target(%dma_start3A_359 : memref<4096xf32, #tpu.memory_space<hbm>>) target_semaphore(%arg8 : memref<!tpu.dma_semaphore, #tpu.memory_space<semaphore_mem>>)
    %dma_wait3A_362 = arith.constant 0 : i32
    %dma_wait3A_363 = tpu.memref_slice %arg7[%dma_wait3A_362] : memref<12288xf32, #tpu.memory_space<vmem>> -> memref<4096xf32, #tpu.memory_space<vmem>>
    %dma_wait3A_364 = arith.constant 12288 : i32
    %dma_wait3A_365 = tpu.memref_slice %arg4[%add3A_199, %dma_wait3A_364] : memref<256x16384xf32, #tpu.memory_space<hbm>> -> memref<1x4096xf32, #tpu.memory_space<hbm>>
    %dma_wait3A_366 = tpu.memref_squeeze %dma_wait3A_365 : memref<1x4096xf32, #tpu.memory_space<hbm>> -> memref<4096xf32, #tpu.memory_space<hbm>>
    %dma_wait3A_367 = arith.constant 12288 : i32
    %dma_wait3A_368 = tpu.memref_slice %arg4[%add3A_199, %dma_wait3A_367] : memref<256x16384xf32, #tpu.memory_space<hbm>> -> memref<1x4096xf32, #tpu.memory_space<hbm>>
    %dma_wait3A_369 = tpu.memref_squeeze %dma_wait3A_368 : memref<1x4096xf32, #tpu.memory_space<hbm>> -> memref<4096xf32, #tpu.memory_space<hbm>>
    %dma_wait3A_370 = arith.constant 0 : i32
    %dma_wait3A_371 = tpu.memref_slice %arg7[%dma_wait3A_370] : memref<12288xf32, #tpu.memory_space<vmem>> -> memref<4096xf32, #tpu.memory_space<vmem>>
    tpu.wait_dma2 semaphore(%arg8 : memref<!tpu.dma_semaphore, #tpu.memory_space<semaphore_mem>>) src(%dma_wait3A_371 : memref<4096xf32, #tpu.memory_space<vmem>>) dst(%dma_wait3A_369 : memref<4096xf32, #tpu.memory_space<hbm>>)
    %parallel_loop3A_372 = arith.constant 0 : i32
    %parallel_loop3A_373 = arith.constant 4096 : i32
    %parallel_loop3A_374 = arith.constant 16 : i32
    scf.for %parallel_loop3A_878 = %parallel_loop3A_372 to %parallel_loop3A_373 step %parallel_loop3A_374  : i32 {
      %parallel_loop3A_879 = arith.constant 8192 : i32
      %parallel_loop3A_880 = arith.addi %parallel_loop3A_879, %parallel_loop3A_878 : i32
      %parallel_loop3A_881 = arith.index_cast %parallel_loop3A_880 : i32 to index
      %parallel_loop3A_882 = tpu.vector_load %arg5[%parallel_loop3A_881] {strides = array<i32>} : memref<16384xi32, #tpu.memory_space<vmem>>, vector<16xi32>,
      %parallel_loop3A_883 = tpu.vector_load_idx %arg6[%parallel_loop3A_882] : memref<100000xf32, #tpu.memory_space<vmem>>[vector<16xi32>], vector<16xf32>,
      %parallel_loop3A_884 = arith.constant 8192 : i32
      %parallel_loop3A_885 = arith.addi %parallel_loop3A_884, %parallel_loop3A_878 : i32
      %parallel_loop3A_886 = arith.index_cast %parallel_loop3A_885 : i32 to index
      %parallel_loop3A_887 = tpu.vector_load %arg7[%parallel_loop3A_886] {strides = array<i32>} : memref<12288xf32, #tpu.memory_space<vmem>>, vector<16xf32>,
      tpu.vector_store %arg7[%parallel_loop3A_886], %parallel_loop3A_883 {strides = array<i32>} : memref<12288xf32, #tpu.memory_space<vmem>>, vector<16xf32>,
    } {sc.loop_unroll_factor = 8 : i64, sc.parallel_access}
    %dma_start3A_375 = arith.constant 8192 : i32
    %dma_start3A_376 = tpu.memref_slice %arg7[%dma_start3A_375] : memref<12288xf32, #tpu.memory_space<vmem>> -> memref<4096xf32, #tpu.memory_space<vmem>>
    %dma_start3A_377 = arith.constant 8192 : i32
    %dma_start3A_378 = tpu.memref_slice %arg4[%add3A_309, %dma_start3A_377] : memref<256x16384xf32, #tpu.memory_space<hbm>> -> memref<1x4096xf32, #tpu.memory_space<hbm>>
    %dma_start3A_379 = tpu.memref_squeeze %dma_start3A_378 : memref<1x4096xf32, #tpu.memory_space<hbm>> -> memref<4096xf32, #tpu.memory_space<hbm>>
    %dma_start3A_380 = arith.constant 8192 : i32
    %dma_start3A_381 = tpu.memref_slice %arg4[%add3A_309, %dma_start3A_380] : memref<256x16384xf32, #tpu.memory_space<hbm>> -> memref<1x4096xf32, #tpu.memory_space<hbm>>
    %dma_start3A_382 = tpu.memref_squeeze %dma_start3A_381 : memref<1x4096xf32, #tpu.memory_space<hbm>> -> memref<4096xf32, #tpu.memory_space<hbm>>
    %dma_start3A_383 = arith.constant 8192 : i32
    %dma_start3A_384 = tpu.memref_slice %arg7[%dma_start3A_383] : memref<12288xf32, #tpu.memory_space<vmem>> -> memref<4096xf32, #tpu.memory_space<vmem>>
    tpu.enqueue_dma source(%dma_start3A_384 : memref<4096xf32, #tpu.memory_space<vmem>>) target(%dma_start3A_382 : memref<4096xf32, #tpu.memory_space<hbm>>) target_semaphore(%arg8 : memref<!tpu.dma_semaphore, #tpu.memory_space<semaphore_mem>>)
    %dma_wait3A_385 = arith.constant 0 : i32
    %dma_wait3A_386 = tpu.memref_slice %arg7[%dma_wait3A_385] : memref<12288xf32, #tpu.memory_space<vmem>> -> memref<4096xf32, #tpu.memory_space<vmem>>
    %dma_wait3A_387 = arith.constant 0 : i32
    %dma_wait3A_388 = tpu.memref_slice %arg4[%add3A_309, %dma_wait3A_387] : memref<256x16384xf32, #tpu.memory_space<hbm>> -> memref<1x4096xf32, #tpu.memory_space<hbm>>
    %dma_wait3A_389 = tpu.memref_squeeze %dma_wait3A_388 : memref<1x4096xf32, #tpu.memory_space<hbm>> -> memref<4096xf32, #tpu.memory_space<hbm>>
    %dma_wait3A_390 = arith.constant 0 : i32
    %dma_wait3A_391 = tpu.memref_slice %arg4[%add3A_309, %dma_wait3A_390] : memref<256x16384xf32, #tpu.memory_space<hbm>> -> memref<1x4096xf32, #tpu.memory_space<hbm>>
    %dma_wait3A_392 = tpu.memref_squeeze %dma_wait3A_391 : memref<1x4096xf32, #tpu.memory_space<hbm>> -> memref<4096xf32, #tpu.memory_space<hbm>>
    %dma_wait3A_393 = arith.constant 0 : i32
    %dma_wait3A_394 = tpu.memref_slice %arg7[%dma_wait3A_393] : memref<12288xf32, #tpu.memory_space<vmem>> -> memref<4096xf32, #tpu.memory_space<vmem>>
    tpu.wait_dma2 semaphore(%arg8 : memref<!tpu.dma_semaphore, #tpu.memory_space<semaphore_mem>>) src(%dma_wait3A_394 : memref<4096xf32, #tpu.memory_space<vmem>>) dst(%dma_wait3A_392 : memref<4096xf32, #tpu.memory_space<hbm>>)
    %parallel_loop3A_395 = arith.constant 0 : i32
    %parallel_loop3A_396 = arith.constant 4096 : i32
    %parallel_loop3A_397 = arith.constant 16 : i32
    scf.for %parallel_loop3A_878 = %parallel_loop3A_395 to %parallel_loop3A_396 step %parallel_loop3A_397  : i32 {
      %parallel_loop3A_879 = arith.constant 12288 : i32
      %parallel_loop3A_880 = arith.addi %parallel_loop3A_879, %parallel_loop3A_878 : i32
      %parallel_loop3A_881 = arith.index_cast %parallel_loop3A_880 : i32 to index
      %parallel_loop3A_882 = tpu.vector_load %arg5[%parallel_loop3A_881] {strides = array<i32>} : memref<16384xi32, #tpu.memory_space<vmem>>, vector<16xi32>,
      %parallel_loop3A_883 = tpu.vector_load_idx %arg6[%parallel_loop3A_882] : memref<100000xf32, #tpu.memory_space<vmem>>[vector<16xi32>], vector<16xf32>,
      %parallel_loop3A_884 = arith.constant 0 : i32
      %parallel_loop3A_885 = arith.addi %parallel_loop3A_884, %parallel_loop3A_878 : i32
      %parallel_loop3A_886 = arith.index_cast %parallel_loop3A_885 : i32 to index
      %parallel_loop3A_887 = tpu.vector_load %arg7[%parallel_loop3A_886] {strides = array<i32>} : memref<12288xf32, #tpu.memory_space<vmem>>, vector<16xf32>,
      tpu.vector_store %arg7[%parallel_loop3A_886], %parallel_loop3A_883 {strides = array<i32>} : memref<12288xf32, #tpu.memory_space<vmem>>, vector<16xf32>,
    } {sc.loop_unroll_factor = 8 : i64, sc.parallel_access}
    %dma_start3A_398 = arith.constant 0 : i32
    %dma_start3A_399 = tpu.memref_slice %arg7[%dma_start3A_398] : memref<12288xf32, #tpu.memory_space<vmem>> -> memref<4096xf32, #tpu.memory_space<vmem>>
    %dma_start3A_400 = arith.constant 12288 : i32
    %dma_start3A_401 = tpu.memref_slice %arg4[%add3A_309, %dma_start3A_400] : memref<256x16384xf32, #tpu.memory_space<hbm>> -> memref<1x4096xf32, #tpu.memory_space<hbm>>
    %dma_start3A_402 = tpu.memref_squeeze %dma_start3A_401 : memref<1x4096xf32, #tpu.memory_space<hbm>> -> memref<4096xf32, #tpu.memory_space<hbm>>
    %dma_start3A_403 = arith.constant 12288 : i32
    %dma_start3A_404 = tpu.memref_slice %arg4[%add3A_309, %dma_start3A_403] : memref<256x16384xf32, #tpu.memory_space<hbm>> -> memref<1x4096xf32, #tpu.memory_space<hbm>>
    %dma_start3A_405 = tpu.memref_squeeze %dma_start3A_404 : memref<1x4096xf32, #tpu.memory_space<hbm>> -> memref<4096xf32, #tpu.memory_space<hbm>>
    %dma_start3A_406 = arith.constant 0 : i32
    %dma_start3A_407 = tpu.memref_slice %arg7[%dma_start3A_406] : memref<12288xf32, #tpu.memory_space<vmem>> -> memref<4096xf32, #tpu.memory_space<vmem>>
    tpu.enqueue_dma source(%dma_start3A_407 : memref<4096xf32, #tpu.memory_space<vmem>>) target(%dma_start3A_405 : memref<4096xf32, #tpu.memory_space<hbm>>) target_semaphore(%arg8 : memref<!tpu.dma_semaphore, #tpu.memory_space<semaphore_mem>>)
    %add3A_408 = arith.constant 1 : i32
    %add3A_409 = arith.addi %add3A_309, %add3A_408 : i32
    %dma_start3A_410 = arith.constant 0 : i32
    %dma_start3A_411 = tpu.memref_slice %arg2[%add3A_409, %dma_start3A_410] : memref<256x100000xf32, #tpu.memory_space<hbm>> -> memref<1x100000xf32, #tpu.memory_space<hbm>>
    %dma_start3A_412 = tpu.memref_squeeze %dma_start3A_411 : memref<1x100000xf32, #tpu.memory_space<hbm>> -> memref<100000xf32, #tpu.memory_space<hbm>>
    %dma_start3A_413 = arith.constant 0 : i32
    %dma_start3A_414 = tpu.memref_slice %arg2[%add3A_409, %dma_start3A_413] : memref<256x100000xf32, #tpu.memory_space<hbm>> -> memref<1x100000xf32, #tpu.memory_space<hbm>>
    %dma_start3A_415 = tpu.memref_squeeze %dma_start3A_414 : memref<1x100000xf32, #tpu.memory_space<hbm>> -> memref<100000xf32, #tpu.memory_space<hbm>>
    tpu.enqueue_dma source(%dma_start3A_415 : memref<100000xf32, #tpu.memory_space<hbm>>) target(%arg6 : memref<100000xf32, #tpu.memory_space<vmem>>) target_semaphore(%arg9 : memref<!tpu.dma_semaphore, #tpu.memory_space<semaphore_mem>>)
    %mul3A_416 = arith.constant 8 : i32
    %mul3A_417 = arith.muli %add3A, %mul3A_416 : i32
    %add3A_418 = arith.constant 4 : i32
    %add3A_419 = arith.addi %mul3A_417, %add3A_418 : i32
    %dma_wait3A_420 = arith.constant 0 : i32
    %dma_wait3A_421 = tpu.memref_slice %arg2[%add3A_409, %dma_wait3A_420] : memref<256x100000xf32, #tpu.memory_space<hbm>> -> memref<1x100000xf32, #tpu.memory_space<hbm>>
    %dma_wait3A_422 = tpu.memref_squeeze %dma_wait3A_421 : memref<1x100000xf32, #tpu.memory_space<hbm>> -> memref<100000xf32, #tpu.memory_space<hbm>>
    %dma_wait3A_423 = arith.constant 0 : i32
    %dma_wait3A_424 = tpu.memref_slice %arg2[%add3A_409, %dma_wait3A_423] : memref<256x100000xf32, #tpu.memory_space<hbm>> -> memref<1x100000xf32, #tpu.memory_space<hbm>>
    %dma_wait3A_425 = tpu.memref_squeeze %dma_wait3A_424 : memref<1x100000xf32, #tpu.memory_space<hbm>> -> memref<100000xf32, #tpu.memory_space<hbm>>
    tpu.wait_dma2 semaphore(%arg9 : memref<!tpu.dma_semaphore, #tpu.memory_space<semaphore_mem>>) src(%dma_wait3A_425 : memref<100000xf32, #tpu.memory_space<hbm>>) dst(%arg6 : memref<100000xf32, #tpu.memory_space<vmem>>)
    %dma_wait3A_426 = arith.constant 4096 : i32
    %dma_wait3A_427 = tpu.memref_slice %arg7[%dma_wait3A_426] : memref<12288xf32, #tpu.memory_space<vmem>> -> memref<4096xf32, #tpu.memory_space<vmem>>
    %dma_wait3A_428 = arith.constant 4096 : i32
    %dma_wait3A_429 = tpu.memref_slice %arg4[%add3A_309, %dma_wait3A_428] : memref<256x16384xf32, #tpu.memory_space<hbm>> -> memref<1x4096xf32, #tpu.memory_space<hbm>>
    %dma_wait3A_430 = tpu.memref_squeeze %dma_wait3A_429 : memref<1x4096xf32, #tpu.memory_space<hbm>> -> memref<4096xf32, #tpu.memory_space<hbm>>
    %dma_wait3A_431 = arith.constant 4096 : i32
    %dma_wait3A_432 = tpu.memref_slice %arg4[%add3A_309, %dma_wait3A_431] : memref<256x16384xf32, #tpu.memory_space<hbm>> -> memref<1x4096xf32, #tpu.memory_space<hbm>>
    %dma_wait3A_433 = tpu.memref_squeeze %dma_wait3A_432 : memref<1x4096xf32, #tpu.memory_space<hbm>> -> memref<4096xf32, #tpu.memory_space<hbm>>
    %dma_wait3A_434 = arith.constant 4096 : i32
    %dma_wait3A_435 = tpu.memref_slice %arg7[%dma_wait3A_434] : memref<12288xf32, #tpu.memory_space<vmem>> -> memref<4096xf32, #tpu.memory_space<vmem>>
    tpu.wait_dma2 semaphore(%arg8 : memref<!tpu.dma_semaphore, #tpu.memory_space<semaphore_mem>>) src(%dma_wait3A_435 : memref<4096xf32, #tpu.memory_space<vmem>>) dst(%dma_wait3A_433 : memref<4096xf32, #tpu.memory_space<hbm>>)
    %parallel_loop3A_436 = arith.constant 0 : i32
    %parallel_loop3A_437 = arith.constant 4096 : i32
    %parallel_loop3A_438 = arith.constant 16 : i32
    scf.for %parallel_loop3A_878 = %parallel_loop3A_436 to %parallel_loop3A_437 step %parallel_loop3A_438  : i32 {
      %parallel_loop3A_879 = arith.constant 0 : i32
      %parallel_loop3A_880 = arith.addi %parallel_loop3A_879, %parallel_loop3A_878 : i32
      %parallel_loop3A_881 = arith.index_cast %parallel_loop3A_880 : i32 to index
      %parallel_loop3A_882 = tpu.vector_load %arg5[%parallel_loop3A_881] {strides = array<i32>} : memref<16384xi32, #tpu.memory_space<vmem>>, vector<16xi32>,
      %parallel_loop3A_883 = tpu.vector_load_idx %arg6[%parallel_loop3A_882] : memref<100000xf32, #tpu.memory_space<vmem>>[vector<16xi32>], vector<16xf32>,
      %parallel_loop3A_884 = arith.constant 0 : i32
      %parallel_loop3A_885 = arith.addi %parallel_loop3A_884, %parallel_loop3A_878 : i32
      %parallel_loop3A_886 = arith.index_cast %parallel_loop3A_885 : i32 to index
      %parallel_loop3A_887 = tpu.vector_load %arg7[%parallel_loop3A_886] {strides = array<i32>} : memref<12288xf32, #tpu.memory_space<vmem>>, vector<16xf32>,
      tpu.vector_store %arg7[%parallel_loop3A_886], %parallel_loop3A_883 {strides = array<i32>} : memref<12288xf32, #tpu.memory_space<vmem>>, vector<16xf32>,
    } {sc.loop_unroll_factor = 8 : i64, sc.parallel_access}
    %dma_start3A_439 = arith.constant 0 : i32
    %dma_start3A_440 = tpu.memref_slice %arg7[%dma_start3A_439] : memref<12288xf32, #tpu.memory_space<vmem>> -> memref<4096xf32, #tpu.memory_space<vmem>>
    %dma_start3A_441 = arith.constant 0 : i32
    %dma_start3A_442 = tpu.memref_slice %arg4[%add3A_419, %dma_start3A_441] : memref<256x16384xf32, #tpu.memory_space<hbm>> -> memref<1x4096xf32, #tpu.memory_space<hbm>>
    %dma_start3A_443 = tpu.memref_squeeze %dma_start3A_442 : memref<1x4096xf32, #tpu.memory_space<hbm>> -> memref<4096xf32, #tpu.memory_space<hbm>>
    %dma_start3A_444 = arith.constant 0 : i32
    %dma_start3A_445 = tpu.memref_slice %arg4[%add3A_419, %dma_start3A_444] : memref<256x16384xf32, #tpu.memory_space<hbm>> -> memref<1x4096xf32, #tpu.memory_space<hbm>>
    %dma_start3A_446 = tpu.memref_squeeze %dma_start3A_445 : memref<1x4096xf32, #tpu.memory_space<hbm>> -> memref<4096xf32, #tpu.memory_space<hbm>>
    %dma_start3A_447 = arith.constant 0 : i32
    %dma_start3A_448 = tpu.memref_slice %arg7[%dma_start3A_447] : memref<12288xf32, #tpu.memory_space<vmem>> -> memref<4096xf32, #tpu.memory_space<vmem>>
    tpu.enqueue_dma source(%dma_start3A_448 : memref<4096xf32, #tpu.memory_space<vmem>>) target(%dma_start3A_446 : memref<4096xf32, #tpu.memory_space<hbm>>) target_semaphore(%arg8 : memref<!tpu.dma_semaphore, #tpu.memory_space<semaphore_mem>>)
    %dma_wait3A_449 = arith.constant 8192 : i32
    %dma_wait3A_450 = tpu.memref_slice %arg7[%dma_wait3A_449] : memref<12288xf32, #tpu.memory_space<vmem>> -> memref<4096xf32, #tpu.memory_space<vmem>>
    %dma_wait3A_451 = arith.constant 8192 : i32
    %dma_wait3A_452 = tpu.memref_slice %arg4[%add3A_309, %dma_wait3A_451] : memref<256x16384xf32, #tpu.memory_space<hbm>> -> memref<1x4096xf32, #tpu.memory_space<hbm>>
    %dma_wait3A_453 = tpu.memref_squeeze %dma_wait3A_452 : memref<1x4096xf32, #tpu.memory_space<hbm>> -> memref<4096xf32, #tpu.memory_space<hbm>>
    %dma_wait3A_454 = arith.constant 8192 : i32
    %dma_wait3A_455 = tpu.memref_slice %arg4[%add3A_309, %dma_wait3A_454] : memref<256x16384xf32, #tpu.memory_space<hbm>> -> memref<1x4096xf32, #tpu.memory_space<hbm>>
    %dma_wait3A_456 = tpu.memref_squeeze %dma_wait3A_455 : memref<1x4096xf32, #tpu.memory_space<hbm>> -> memref<4096xf32, #tpu.memory_space<hbm>>
    %dma_wait3A_457 = arith.constant 8192 : i32
    %dma_wait3A_458 = tpu.memref_slice %arg7[%dma_wait3A_457] : memref<12288xf32, #tpu.memory_space<vmem>> -> memref<4096xf32, #tpu.memory_space<vmem>>
    tpu.wait_dma2 semaphore(%arg8 : memref<!tpu.dma_semaphore, #tpu.memory_space<semaphore_mem>>) src(%dma_wait3A_458 : memref<4096xf32, #tpu.memory_space<vmem>>) dst(%dma_wait3A_456 : memref<4096xf32, #tpu.memory_space<hbm>>)
    %parallel_loop3A_459 = arith.constant 0 : i32
    %parallel_loop3A_460 = arith.constant 4096 : i32
    %parallel_loop3A_461 = arith.constant 16 : i32
    scf.for %parallel_loop3A_878 = %parallel_loop3A_459 to %parallel_loop3A_460 step %parallel_loop3A_461  : i32 {
      %parallel_loop3A_879 = arith.constant 4096 : i32
      %parallel_loop3A_880 = arith.addi %parallel_loop3A_879, %parallel_loop3A_878 : i32
      %parallel_loop3A_881 = arith.index_cast %parallel_loop3A_880 : i32 to index
      %parallel_loop3A_882 = tpu.vector_load %arg5[%parallel_loop3A_881] {strides = array<i32>} : memref<16384xi32, #tpu.memory_space<vmem>>, vector<16xi32>,
      %parallel_loop3A_883 = tpu.vector_load_idx %arg6[%parallel_loop3A_882] : memref<100000xf32, #tpu.memory_space<vmem>>[vector<16xi32>], vector<16xf32>,
      %parallel_loop3A_884 = arith.constant 4096 : i32
      %parallel_loop3A_885 = arith.addi %parallel_loop3A_884, %parallel_loop3A_878 : i32
      %parallel_loop3A_886 = arith.index_cast %parallel_loop3A_885 : i32 to index
      %parallel_loop3A_887 = tpu.vector_load %arg7[%parallel_loop3A_886] {strides = array<i32>} : memref<12288xf32, #tpu.memory_space<vmem>>, vector<16xf32>,
      tpu.vector_store %arg7[%parallel_loop3A_886], %parallel_loop3A_883 {strides = array<i32>} : memref<12288xf32, #tpu.memory_space<vmem>>, vector<16xf32>,
    } {sc.loop_unroll_factor = 8 : i64, sc.parallel_access}
    %dma_start3A_462 = arith.constant 4096 : i32
    %dma_start3A_463 = tpu.memref_slice %arg7[%dma_start3A_462] : memref<12288xf32, #tpu.memory_space<vmem>> -> memref<4096xf32, #tpu.memory_space<vmem>>
    %dma_start3A_464 = arith.constant 4096 : i32
    %dma_start3A_465 = tpu.memref_slice %arg4[%add3A_419, %dma_start3A_464] : memref<256x16384xf32, #tpu.memory_space<hbm>> -> memref<1x4096xf32, #tpu.memory_space<hbm>>
    %dma_start3A_466 = tpu.memref_squeeze %dma_start3A_465 : memref<1x4096xf32, #tpu.memory_space<hbm>> -> memref<4096xf32, #tpu.memory_space<hbm>>
    %dma_start3A_467 = arith.constant 4096 : i32
    %dma_start3A_468 = tpu.memref_slice %arg4[%add3A_419, %dma_start3A_467] : memref<256x16384xf32, #tpu.memory_space<hbm>> -> memref<1x4096xf32, #tpu.memory_space<hbm>>
    %dma_start3A_469 = tpu.memref_squeeze %dma_start3A_468 : memref<1x4096xf32, #tpu.memory_space<hbm>> -> memref<4096xf32, #tpu.memory_space<hbm>>
    %dma_start3A_470 = arith.constant 4096 : i32
    %dma_start3A_471 = tpu.memref_slice %arg7[%dma_start3A_470] : memref<12288xf32, #tpu.memory_space<vmem>> -> memref<4096xf32, #tpu.memory_space<vmem>>
    tpu.enqueue_dma source(%dma_start3A_471 : memref<4096xf32, #tpu.memory_space<vmem>>) target(%dma_start3A_469 : memref<4096xf32, #tpu.memory_space<hbm>>) target_semaphore(%arg8 : memref<!tpu.dma_semaphore, #tpu.memory_space<semaphore_mem>>)
    %dma_wait3A_472 = arith.constant 0 : i32
    %dma_wait3A_473 = tpu.memref_slice %arg7[%dma_wait3A_472] : memref<12288xf32, #tpu.memory_space<vmem>> -> memref<4096xf32, #tpu.memory_space<vmem>>
    %dma_wait3A_474 = arith.constant 12288 : i32
    %dma_wait3A_475 = tpu.memref_slice %arg4[%add3A_309, %dma_wait3A_474] : memref<256x16384xf32, #tpu.memory_space<hbm>> -> memref<1x4096xf32, #tpu.memory_space<hbm>>
    %dma_wait3A_476 = tpu.memref_squeeze %dma_wait3A_475 : memref<1x4096xf32, #tpu.memory_space<hbm>> -> memref<4096xf32, #tpu.memory_space<hbm>>
    %dma_wait3A_477 = arith.constant 12288 : i32
    %dma_wait3A_478 = tpu.memref_slice %arg4[%add3A_309, %dma_wait3A_477] : memref<256x16384xf32, #tpu.memory_space<hbm>> -> memref<1x4096xf32, #tpu.memory_space<hbm>>
    %dma_wait3A_479 = tpu.memref_squeeze %dma_wait3A_478 : memref<1x4096xf32, #tpu.memory_space<hbm>> -> memref<4096xf32, #tpu.memory_space<hbm>>
    %dma_wait3A_480 = arith.constant 0 : i32
    %dma_wait3A_481 = tpu.memref_slice %arg7[%dma_wait3A_480] : memref<12288xf32, #tpu.memory_space<vmem>> -> memref<4096xf32, #tpu.memory_space<vmem>>
    tpu.wait_dma2 semaphore(%arg8 : memref<!tpu.dma_semaphore, #tpu.memory_space<semaphore_mem>>) src(%dma_wait3A_481 : memref<4096xf32, #tpu.memory_space<vmem>>) dst(%dma_wait3A_479 : memref<4096xf32, #tpu.memory_space<hbm>>)
    %parallel_loop3A_482 = arith.constant 0 : i32
    %parallel_loop3A_483 = arith.constant 4096 : i32
    %parallel_loop3A_484 = arith.constant 16 : i32
    scf.for %parallel_loop3A_878 = %parallel_loop3A_482 to %parallel_loop3A_483 step %parallel_loop3A_484  : i32 {
      %parallel_loop3A_879 = arith.constant 8192 : i32
      %parallel_loop3A_880 = arith.addi %parallel_loop3A_879, %parallel_loop3A_878 : i32
      %parallel_loop3A_881 = arith.index_cast %parallel_loop3A_880 : i32 to index
      %parallel_loop3A_882 = tpu.vector_load %arg5[%parallel_loop3A_881] {strides = array<i32>} : memref<16384xi32, #tpu.memory_space<vmem>>, vector<16xi32>,
      %parallel_loop3A_883 = tpu.vector_load_idx %arg6[%parallel_loop3A_882] : memref<100000xf32, #tpu.memory_space<vmem>>[vector<16xi32>], vector<16xf32>,
      %parallel_loop3A_884 = arith.constant 8192 : i32
      %parallel_loop3A_885 = arith.addi %parallel_loop3A_884, %parallel_loop3A_878 : i32
      %parallel_loop3A_886 = arith.index_cast %parallel_loop3A_885 : i32 to index
      %parallel_loop3A_887 = tpu.vector_load %arg7[%parallel_loop3A_886] {strides = array<i32>} : memref<12288xf32, #tpu.memory_space<vmem>>, vector<16xf32>,
      tpu.vector_store %arg7[%parallel_loop3A_886], %parallel_loop3A_883 {strides = array<i32>} : memref<12288xf32, #tpu.memory_space<vmem>>, vector<16xf32>,
    } {sc.loop_unroll_factor = 8 : i64, sc.parallel_access}
    %dma_start3A_485 = arith.constant 8192 : i32
    %dma_start3A_486 = tpu.memref_slice %arg7[%dma_start3A_485] : memref<12288xf32, #tpu.memory_space<vmem>> -> memref<4096xf32, #tpu.memory_space<vmem>>
    %dma_start3A_487 = arith.constant 8192 : i32
    %dma_start3A_488 = tpu.memref_slice %arg4[%add3A_419, %dma_start3A_487] : memref<256x16384xf32, #tpu.memory_space<hbm>> -> memref<1x4096xf32, #tpu.memory_space<hbm>>
    %dma_start3A_489 = tpu.memref_squeeze %dma_start3A_488 : memref<1x4096xf32, #tpu.memory_space<hbm>> -> memref<4096xf32, #tpu.memory_space<hbm>>
    %dma_start3A_490 = arith.constant 8192 : i32
    %dma_start3A_491 = tpu.memref_slice %arg4[%add3A_419, %dma_start3A_490] : memref<256x16384xf32, #tpu.memory_space<hbm>> -> memref<1x4096xf32, #tpu.memory_space<hbm>>
    %dma_start3A_492 = tpu.memref_squeeze %dma_start3A_491 : memref<1x4096xf32, #tpu.memory_space<hbm>> -> memref<4096xf32, #tpu.memory_space<hbm>>
    %dma_start3A_493 = arith.constant 8192 : i32
    %dma_start3A_494 = tpu.memref_slice %arg7[%dma_start3A_493] : memref<12288xf32, #tpu.memory_space<vmem>> -> memref<4096xf32, #tpu.memory_space<vmem>>
    tpu.enqueue_dma source(%dma_start3A_494 : memref<4096xf32, #tpu.memory_space<vmem>>) target(%dma_start3A_492 : memref<4096xf32, #tpu.memory_space<hbm>>) target_semaphore(%arg8 : memref<!tpu.dma_semaphore, #tpu.memory_space<semaphore_mem>>)
    %dma_wait3A_495 = arith.constant 0 : i32
    %dma_wait3A_496 = tpu.memref_slice %arg7[%dma_wait3A_495] : memref<12288xf32, #tpu.memory_space<vmem>> -> memref<4096xf32, #tpu.memory_space<vmem>>
    %dma_wait3A_497 = arith.constant 0 : i32
    %dma_wait3A_498 = tpu.memref_slice %arg4[%add3A_419, %dma_wait3A_497] : memref<256x16384xf32, #tpu.memory_space<hbm>> -> memref<1x4096xf32, #tpu.memory_space<hbm>>
    %dma_wait3A_499 = tpu.memref_squeeze %dma_wait3A_498 : memref<1x4096xf32, #tpu.memory_space<hbm>> -> memref<4096xf32, #tpu.memory_space<hbm>>
    %dma_wait3A_500 = arith.constant 0 : i32
    %dma_wait3A_501 = tpu.memref_slice %arg4[%add3A_419, %dma_wait3A_500] : memref<256x16384xf32, #tpu.memory_space<hbm>> -> memref<1x4096xf32, #tpu.memory_space<hbm>>
    %dma_wait3A_502 = tpu.memref_squeeze %dma_wait3A_501 : memref<1x4096xf32, #tpu.memory_space<hbm>> -> memref<4096xf32, #tpu.memory_space<hbm>>
    %dma_wait3A_503 = arith.constant 0 : i32
    %dma_wait3A_504 = tpu.memref_slice %arg7[%dma_wait3A_503] : memref<12288xf32, #tpu.memory_space<vmem>> -> memref<4096xf32, #tpu.memory_space<vmem>>
    tpu.wait_dma2 semaphore(%arg8 : memref<!tpu.dma_semaphore, #tpu.memory_space<semaphore_mem>>) src(%dma_wait3A_504 : memref<4096xf32, #tpu.memory_space<vmem>>) dst(%dma_wait3A_502 : memref<4096xf32, #tpu.memory_space<hbm>>)
    %parallel_loop3A_505 = arith.constant 0 : i32
    %parallel_loop3A_506 = arith.constant 4096 : i32
    %parallel_loop3A_507 = arith.constant 16 : i32
    scf.for %parallel_loop3A_878 = %parallel_loop3A_505 to %parallel_loop3A_506 step %parallel_loop3A_507  : i32 {
      %parallel_loop3A_879 = arith.constant 12288 : i32
      %parallel_loop3A_880 = arith.addi %parallel_loop3A_879, %parallel_loop3A_878 : i32
      %parallel_loop3A_881 = arith.index_cast %parallel_loop3A_880 : i32 to index
      %parallel_loop3A_882 = tpu.vector_load %arg5[%parallel_loop3A_881] {strides = array<i32>} : memref<16384xi32, #tpu.memory_space<vmem>>, vector<16xi32>,
      %parallel_loop3A_883 = tpu.vector_load_idx %arg6[%parallel_loop3A_882] : memref<100000xf32, #tpu.memory_space<vmem>>[vector<16xi32>], vector<16xf32>,
      %parallel_loop3A_884 = arith.constant 0 : i32
      %parallel_loop3A_885 = arith.addi %parallel_loop3A_884, %parallel_loop3A_878 : i32
      %parallel_loop3A_886 = arith.index_cast %parallel_loop3A_885 : i32 to index
      %parallel_loop3A_887 = tpu.vector_load %arg7[%parallel_loop3A_886] {strides = array<i32>} : memref<12288xf32, #tpu.memory_space<vmem>>, vector<16xf32>,
      tpu.vector_store %arg7[%parallel_loop3A_886], %parallel_loop3A_883 {strides = array<i32>} : memref<12288xf32, #tpu.memory_space<vmem>>, vector<16xf32>,
    } {sc.loop_unroll_factor = 8 : i64, sc.parallel_access}
    %dma_start3A_508 = arith.constant 0 : i32
    %dma_start3A_509 = tpu.memref_slice %arg7[%dma_start3A_508] : memref<12288xf32, #tpu.memory_space<vmem>> -> memref<4096xf32, #tpu.memory_space<vmem>>
    %dma_start3A_510 = arith.constant 12288 : i32
    %dma_start3A_511 = tpu.memref_slice %arg4[%add3A_419, %dma_start3A_510] : memref<256x16384xf32, #tpu.memory_space<hbm>> -> memref<1x4096xf32, #tpu.memory_space<hbm>>
    %dma_start3A_512 = tpu.memref_squeeze %dma_start3A_511 : memref<1x4096xf32, #tpu.memory_space<hbm>> -> memref<4096xf32, #tpu.memory_space<hbm>>
    %dma_start3A_513 = arith.constant 12288 : i32
    %dma_start3A_514 = tpu.memref_slice %arg4[%add3A_419, %dma_start3A_513] : memref<256x16384xf32, #tpu.memory_space<hbm>> -> memref<1x4096xf32, #tpu.memory_space<hbm>>
    %dma_start3A_515 = tpu.memref_squeeze %dma_start3A_514 : memref<1x4096xf32, #tpu.memory_space<hbm>> -> memref<4096xf32, #tpu.memory_space<hbm>>
    %dma_start3A_516 = arith.constant 0 : i32
    %dma_start3A_517 = tpu.memref_slice %arg7[%dma_start3A_516] : memref<12288xf32, #tpu.memory_space<vmem>> -> memref<4096xf32, #tpu.memory_space<vmem>>
    tpu.enqueue_dma source(%dma_start3A_517 : memref<4096xf32, #tpu.memory_space<vmem>>) target(%dma_start3A_515 : memref<4096xf32, #tpu.memory_space<hbm>>) target_semaphore(%arg8 : memref<!tpu.dma_semaphore, #tpu.memory_space<semaphore_mem>>)
    %add3A_518 = arith.constant 1 : i32
    %add3A_519 = arith.addi %add3A_419, %add3A_518 : i32
    %dma_start3A_520 = arith.constant 0 : i32
    %dma_start3A_521 = tpu.memref_slice %arg2[%add3A_519, %dma_start3A_520] : memref<256x100000xf32, #tpu.memory_space<hbm>> -> memref<1x100000xf32, #tpu.memory_space<hbm>>
    %dma_start3A_522 = tpu.memref_squeeze %dma_start3A_521 : memref<1x100000xf32, #tpu.memory_space<hbm>> -> memref<100000xf32, #tpu.memory_space<hbm>>
    %dma_start3A_523 = arith.constant 0 : i32
    %dma_start3A_524 = tpu.memref_slice %arg2[%add3A_519, %dma_start3A_523] : memref<256x100000xf32, #tpu.memory_space<hbm>> -> memref<1x100000xf32, #tpu.memory_space<hbm>>
    %dma_start3A_525 = tpu.memref_squeeze %dma_start3A_524 : memref<1x100000xf32, #tpu.memory_space<hbm>> -> memref<100000xf32, #tpu.memory_space<hbm>>
    tpu.enqueue_dma source(%dma_start3A_525 : memref<100000xf32, #tpu.memory_space<hbm>>) target(%arg6 : memref<100000xf32, #tpu.memory_space<vmem>>) target_semaphore(%arg9 : memref<!tpu.dma_semaphore, #tpu.memory_space<semaphore_mem>>)
    %mul3A_526 = arith.constant 8 : i32
    %mul3A_527 = arith.muli %add3A, %mul3A_526 : i32
    %add3A_528 = arith.constant 5 : i32
    %add3A_529 = arith.addi %mul3A_527, %add3A_528 : i32
    %dma_wait3A_530 = arith.constant 0 : i32
    %dma_wait3A_531 = tpu.memref_slice %arg2[%add3A_519, %dma_wait3A_530] : memref<256x100000xf32, #tpu.memory_space<hbm>> -> memref<1x100000xf32, #tpu.memory_space<hbm>>
    %dma_wait3A_532 = tpu.memref_squeeze %dma_wait3A_531 : memref<1x100000xf32, #tpu.memory_space<hbm>> -> memref<100000xf32, #tpu.memory_space<hbm>>
    %dma_wait3A_533 = arith.constant 0 : i32
    %dma_wait3A_534 = tpu.memref_slice %arg2[%add3A_519, %dma_wait3A_533] : memref<256x100000xf32, #tpu.memory_space<hbm>> -> memref<1x100000xf32, #tpu.memory_space<hbm>>
    %dma_wait3A_535 = tpu.memref_squeeze %dma_wait3A_534 : memref<1x100000xf32, #tpu.memory_space<hbm>> -> memref<100000xf32, #tpu.memory_space<hbm>>
    tpu.wait_dma2 semaphore(%arg9 : memref<!tpu.dma_semaphore, #tpu.memory_space<semaphore_mem>>) src(%dma_wait3A_535 : memref<100000xf32, #tpu.memory_space<hbm>>) dst(%arg6 : memref<100000xf32, #tpu.memory_space<vmem>>)
    %dma_wait3A_536 = arith.constant 4096 : i32
    %dma_wait3A_537 = tpu.memref_slice %arg7[%dma_wait3A_536] : memref<12288xf32, #tpu.memory_space<vmem>> -> memref<4096xf32, #tpu.memory_space<vmem>>
    %dma_wait3A_538 = arith.constant 4096 : i32
    %dma_wait3A_539 = tpu.memref_slice %arg4[%add3A_419, %dma_wait3A_538] : memref<256x16384xf32, #tpu.memory_space<hbm>> -> memref<1x4096xf32, #tpu.memory_space<hbm>>
    %dma_wait3A_540 = tpu.memref_squeeze %dma_wait3A_539 : memref<1x4096xf32, #tpu.memory_space<hbm>> -> memref<4096xf32, #tpu.memory_space<hbm>>
    %dma_wait3A_541 = arith.constant 4096 : i32
    %dma_wait3A_542 = tpu.memref_slice %arg4[%add3A_419, %dma_wait3A_541] : memref<256x16384xf32, #tpu.memory_space<hbm>> -> memref<1x4096xf32, #tpu.memory_space<hbm>>
    %dma_wait3A_543 = tpu.memref_squeeze %dma_wait3A_542 : memref<1x4096xf32, #tpu.memory_space<hbm>> -> memref<4096xf32, #tpu.memory_space<hbm>>
    %dma_wait3A_544 = arith.constant 4096 : i32
    %dma_wait3A_545 = tpu.memref_slice %arg7[%dma_wait3A_544] : memref<12288xf32, #tpu.memory_space<vmem>> -> memref<4096xf32, #tpu.memory_space<vmem>>
    tpu.wait_dma2 semaphore(%arg8 : memref<!tpu.dma_semaphore, #tpu.memory_space<semaphore_mem>>) src(%dma_wait3A_545 : memref<4096xf32, #tpu.memory_space<vmem>>) dst(%dma_wait3A_543 : memref<4096xf32, #tpu.memory_space<hbm>>)
    %parallel_loop3A_546 = arith.constant 0 : i32
    %parallel_loop3A_547 = arith.constant 4096 : i32
    %parallel_loop3A_548 = arith.constant 16 : i32
    scf.for %parallel_loop3A_878 = %parallel_loop3A_546 to %parallel_loop3A_547 step %parallel_loop3A_548  : i32 {
      %parallel_loop3A_879 = arith.constant 0 : i32
      %parallel_loop3A_880 = arith.addi %parallel_loop3A_879, %parallel_loop3A_878 : i32
      %parallel_loop3A_881 = arith.index_cast %parallel_loop3A_880 : i32 to index
      %parallel_loop3A_882 = tpu.vector_load %arg5[%parallel_loop3A_881] {strides = array<i32>} : memref<16384xi32, #tpu.memory_space<vmem>>, vector<16xi32>,
      %parallel_loop3A_883 = tpu.vector_load_idx %arg6[%parallel_loop3A_882] : memref<100000xf32, #tpu.memory_space<vmem>>[vector<16xi32>], vector<16xf32>,
      %parallel_loop3A_884 = arith.constant 0 : i32
      %parallel_loop3A_885 = arith.addi %parallel_loop3A_884, %parallel_loop3A_878 : i32
      %parallel_loop3A_886 = arith.index_cast %parallel_loop3A_885 : i32 to index
      %parallel_loop3A_887 = tpu.vector_load %arg7[%parallel_loop3A_886] {strides = array<i32>} : memref<12288xf32, #tpu.memory_space<vmem>>, vector<16xf32>,
      tpu.vector_store %arg7[%parallel_loop3A_886], %parallel_loop3A_883 {strides = array<i32>} : memref<12288xf32, #tpu.memory_space<vmem>>, vector<16xf32>,
    } {sc.loop_unroll_factor = 8 : i64, sc.parallel_access}
    %dma_start3A_549 = arith.constant 0 : i32
    %dma_start3A_550 = tpu.memref_slice %arg7[%dma_start3A_549] : memref<12288xf32, #tpu.memory_space<vmem>> -> memref<4096xf32, #tpu.memory_space<vmem>>
    %dma_start3A_551 = arith.constant 0 : i32
    %dma_start3A_552 = tpu.memref_slice %arg4[%add3A_529, %dma_start3A_551] : memref<256x16384xf32, #tpu.memory_space<hbm>> -> memref<1x4096xf32, #tpu.memory_space<hbm>>
    %dma_start3A_553 = tpu.memref_squeeze %dma_start3A_552 : memref<1x4096xf32, #tpu.memory_space<hbm>> -> memref<4096xf32, #tpu.memory_space<hbm>>
    %dma_start3A_554 = arith.constant 0 : i32
    %dma_start3A_555 = tpu.memref_slice %arg4[%add3A_529, %dma_start3A_554] : memref<256x16384xf32, #tpu.memory_space<hbm>> -> memref<1x4096xf32, #tpu.memory_space<hbm>>
    %dma_start3A_556 = tpu.memref_squeeze %dma_start3A_555 : memref<1x4096xf32, #tpu.memory_space<hbm>> -> memref<4096xf32, #tpu.memory_space<hbm>>
    %dma_start3A_557 = arith.constant 0 : i32
    %dma_start3A_558 = tpu.memref_slice %arg7[%dma_start3A_557] : memref<12288xf32, #tpu.memory_space<vmem>> -> memref<4096xf32, #tpu.memory_space<vmem>>
    tpu.enqueue_dma source(%dma_start3A_558 : memref<4096xf32, #tpu.memory_space<vmem>>) target(%dma_start3A_556 : memref<4096xf32, #tpu.memory_space<hbm>>) target_semaphore(%arg8 : memref<!tpu.dma_semaphore, #tpu.memory_space<semaphore_mem>>)
    %dma_wait3A_559 = arith.constant 8192 : i32
    %dma_wait3A_560 = tpu.memref_slice %arg7[%dma_wait3A_559] : memref<12288xf32, #tpu.memory_space<vmem>> -> memref<4096xf32, #tpu.memory_space<vmem>>
    %dma_wait3A_561 = arith.constant 8192 : i32
    %dma_wait3A_562 = tpu.memref_slice %arg4[%add3A_419, %dma_wait3A_561] : memref<256x16384xf32, #tpu.memory_space<hbm>> -> memref<1x4096xf32, #tpu.memory_space<hbm>>
    %dma_wait3A_563 = tpu.memref_squeeze %dma_wait3A_562 : memref<1x4096xf32, #tpu.memory_space<hbm>> -> memref<4096xf32, #tpu.memory_space<hbm>>
    %dma_wait3A_564 = arith.constant 8192 : i32
    %dma_wait3A_565 = tpu.memref_slice %arg4[%add3A_419, %dma_wait3A_564] : memref<256x16384xf32, #tpu.memory_space<hbm>> -> memref<1x4096xf32, #tpu.memory_space<hbm>>
    %dma_wait3A_566 = tpu.memref_squeeze %dma_wait3A_565 : memref<1x4096xf32, #tpu.memory_space<hbm>> -> memref<4096xf32, #tpu.memory_space<hbm>>
    %dma_wait3A_567 = arith.constant 8192 : i32
    %dma_wait3A_568 = tpu.memref_slice %arg7[%dma_wait3A_567] : memref<12288xf32, #tpu.memory_space<vmem>> -> memref<4096xf32, #tpu.memory_space<vmem>>
    tpu.wait_dma2 semaphore(%arg8 : memref<!tpu.dma_semaphore, #tpu.memory_space<semaphore_mem>>) src(%dma_wait3A_568 : memref<4096xf32, #tpu.memory_space<vmem>>) dst(%dma_wait3A_566 : memref<4096xf32, #tpu.memory_space<hbm>>)
    %parallel_loop3A_569 = arith.constant 0 : i32
    %parallel_loop3A_570 = arith.constant 4096 : i32
    %parallel_loop3A_571 = arith.constant 16 : i32
    scf.for %parallel_loop3A_878 = %parallel_loop3A_569 to %parallel_loop3A_570 step %parallel_loop3A_571  : i32 {
      %parallel_loop3A_879 = arith.constant 4096 : i32
      %parallel_loop3A_880 = arith.addi %parallel_loop3A_879, %parallel_loop3A_878 : i32
      %parallel_loop3A_881 = arith.index_cast %parallel_loop3A_880 : i32 to index
      %parallel_loop3A_882 = tpu.vector_load %arg5[%parallel_loop3A_881] {strides = array<i32>} : memref<16384xi32, #tpu.memory_space<vmem>>, vector<16xi32>,
      %parallel_loop3A_883 = tpu.vector_load_idx %arg6[%parallel_loop3A_882] : memref<100000xf32, #tpu.memory_space<vmem>>[vector<16xi32>], vector<16xf32>,
      %parallel_loop3A_884 = arith.constant 4096 : i32
      %parallel_loop3A_885 = arith.addi %parallel_loop3A_884, %parallel_loop3A_878 : i32
      %parallel_loop3A_886 = arith.index_cast %parallel_loop3A_885 : i32 to index
      %parallel_loop3A_887 = tpu.vector_load %arg7[%parallel_loop3A_886] {strides = array<i32>} : memref<12288xf32, #tpu.memory_space<vmem>>, vector<16xf32>,
      tpu.vector_store %arg7[%parallel_loop3A_886], %parallel_loop3A_883 {strides = array<i32>} : memref<12288xf32, #tpu.memory_space<vmem>>, vector<16xf32>,
    } {sc.loop_unroll_factor = 8 : i64, sc.parallel_access}
    %dma_start3A_572 = arith.constant 4096 : i32
    %dma_start3A_573 = tpu.memref_slice %arg7[%dma_start3A_572] : memref<12288xf32, #tpu.memory_space<vmem>> -> memref<4096xf32, #tpu.memory_space<vmem>>
    %dma_start3A_574 = arith.constant 4096 : i32
    %dma_start3A_575 = tpu.memref_slice %arg4[%add3A_529, %dma_start3A_574] : memref<256x16384xf32, #tpu.memory_space<hbm>> -> memref<1x4096xf32, #tpu.memory_space<hbm>>
    %dma_start3A_576 = tpu.memref_squeeze %dma_start3A_575 : memref<1x4096xf32, #tpu.memory_space<hbm>> -> memref<4096xf32, #tpu.memory_space<hbm>>
    %dma_start3A_577 = arith.constant 4096 : i32
    %dma_start3A_578 = tpu.memref_slice %arg4[%add3A_529, %dma_start3A_577] : memref<256x16384xf32, #tpu.memory_space<hbm>> -> memref<1x4096xf32, #tpu.memory_space<hbm>>
    %dma_start3A_579 = tpu.memref_squeeze %dma_start3A_578 : memref<1x4096xf32, #tpu.memory_space<hbm>> -> memref<4096xf32, #tpu.memory_space<hbm>>
    %dma_start3A_580 = arith.constant 4096 : i32
    %dma_start3A_581 = tpu.memref_slice %arg7[%dma_start3A_580] : memref<12288xf32, #tpu.memory_space<vmem>> -> memref<4096xf32, #tpu.memory_space<vmem>>
    tpu.enqueue_dma source(%dma_start3A_581 : memref<4096xf32, #tpu.memory_space<vmem>>) target(%dma_start3A_579 : memref<4096xf32, #tpu.memory_space<hbm>>) target_semaphore(%arg8 : memref<!tpu.dma_semaphore, #tpu.memory_space<semaphore_mem>>)
    %dma_wait3A_582 = arith.constant 0 : i32
    %dma_wait3A_583 = tpu.memref_slice %arg7[%dma_wait3A_582] : memref<12288xf32, #tpu.memory_space<vmem>> -> memref<4096xf32, #tpu.memory_space<vmem>>
    %dma_wait3A_584 = arith.constant 12288 : i32
    %dma_wait3A_585 = tpu.memref_slice %arg4[%add3A_419, %dma_wait3A_584] : memref<256x16384xf32, #tpu.memory_space<hbm>> -> memref<1x4096xf32, #tpu.memory_space<hbm>>
    %dma_wait3A_586 = tpu.memref_squeeze %dma_wait3A_585 : memref<1x4096xf32, #tpu.memory_space<hbm>> -> memref<4096xf32, #tpu.memory_space<hbm>>
    %dma_wait3A_587 = arith.constant 12288 : i32
    %dma_wait3A_588 = tpu.memref_slice %arg4[%add3A_419, %dma_wait3A_587] : memref<256x16384xf32, #tpu.memory_space<hbm>> -> memref<1x4096xf32, #tpu.memory_space<hbm>>
    %dma_wait3A_589 = tpu.memref_squeeze %dma_wait3A_588 : memref<1x4096xf32, #tpu.memory_space<hbm>> -> memref<4096xf32, #tpu.memory_space<hbm>>
    %dma_wait3A_590 = arith.constant 0 : i32
    %dma_wait3A_591 = tpu.memref_slice %arg7[%dma_wait3A_590] : memref<12288xf32, #tpu.memory_space<vmem>> -> memref<4096xf32, #tpu.memory_space<vmem>>
    tpu.wait_dma2 semaphore(%arg8 : memref<!tpu.dma_semaphore, #tpu.memory_space<semaphore_mem>>) src(%dma_wait3A_591 : memref<4096xf32, #tpu.memory_space<vmem>>) dst(%dma_wait3A_589 : memref<4096xf32, #tpu.memory_space<hbm>>)
    %parallel_loop3A_592 = arith.constant 0 : i32
    %parallel_loop3A_593 = arith.constant 4096 : i32
    %parallel_loop3A_594 = arith.constant 16 : i32
    scf.for %parallel_loop3A_878 = %parallel_loop3A_592 to %parallel_loop3A_593 step %parallel_loop3A_594  : i32 {
      %parallel_loop3A_879 = arith.constant 8192 : i32
      %parallel_loop3A_880 = arith.addi %parallel_loop3A_879, %parallel_loop3A_878 : i32
      %parallel_loop3A_881 = arith.index_cast %parallel_loop3A_880 : i32 to index
      %parallel_loop3A_882 = tpu.vector_load %arg5[%parallel_loop3A_881] {strides = array<i32>} : memref<16384xi32, #tpu.memory_space<vmem>>, vector<16xi32>,
      %parallel_loop3A_883 = tpu.vector_load_idx %arg6[%parallel_loop3A_882] : memref<100000xf32, #tpu.memory_space<vmem>>[vector<16xi32>], vector<16xf32>,
      %parallel_loop3A_884 = arith.constant 8192 : i32
      %parallel_loop3A_885 = arith.addi %parallel_loop3A_884, %parallel_loop3A_878 : i32
      %parallel_loop3A_886 = arith.index_cast %parallel_loop3A_885 : i32 to index
      %parallel_loop3A_887 = tpu.vector_load %arg7[%parallel_loop3A_886] {strides = array<i32>} : memref<12288xf32, #tpu.memory_space<vmem>>, vector<16xf32>,
      tpu.vector_store %arg7[%parallel_loop3A_886], %parallel_loop3A_883 {strides = array<i32>} : memref<12288xf32, #tpu.memory_space<vmem>>, vector<16xf32>,
    } {sc.loop_unroll_factor = 8 : i64, sc.parallel_access}
    %dma_start3A_595 = arith.constant 8192 : i32
    %dma_start3A_596 = tpu.memref_slice %arg7[%dma_start3A_595] : memref<12288xf32, #tpu.memory_space<vmem>> -> memref<4096xf32, #tpu.memory_space<vmem>>
    %dma_start3A_597 = arith.constant 8192 : i32
    %dma_start3A_598 = tpu.memref_slice %arg4[%add3A_529, %dma_start3A_597] : memref<256x16384xf32, #tpu.memory_space<hbm>> -> memref<1x4096xf32, #tpu.memory_space<hbm>>
    %dma_start3A_599 = tpu.memref_squeeze %dma_start3A_598 : memref<1x4096xf32, #tpu.memory_space<hbm>> -> memref<4096xf32, #tpu.memory_space<hbm>>
    %dma_start3A_600 = arith.constant 8192 : i32
    %dma_start3A_601 = tpu.memref_slice %arg4[%add3A_529, %dma_start3A_600] : memref<256x16384xf32, #tpu.memory_space<hbm>> -> memref<1x4096xf32, #tpu.memory_space<hbm>>
    %dma_start3A_602 = tpu.memref_squeeze %dma_start3A_601 : memref<1x4096xf32, #tpu.memory_space<hbm>> -> memref<4096xf32, #tpu.memory_space<hbm>>
    %dma_start3A_603 = arith.constant 8192 : i32
    %dma_start3A_604 = tpu.memref_slice %arg7[%dma_start3A_603] : memref<12288xf32, #tpu.memory_space<vmem>> -> memref<4096xf32, #tpu.memory_space<vmem>>
    tpu.enqueue_dma source(%dma_start3A_604 : memref<4096xf32, #tpu.memory_space<vmem>>) target(%dma_start3A_602 : memref<4096xf32, #tpu.memory_space<hbm>>) target_semaphore(%arg8 : memref<!tpu.dma_semaphore, #tpu.memory_space<semaphore_mem>>)
    %dma_wait3A_605 = arith.constant 0 : i32
    %dma_wait3A_606 = tpu.memref_slice %arg7[%dma_wait3A_605] : memref<12288xf32, #tpu.memory_space<vmem>> -> memref<4096xf32, #tpu.memory_space<vmem>>
    %dma_wait3A_607 = arith.constant 0 : i32
    %dma_wait3A_608 = tpu.memref_slice %arg4[%add3A_529, %dma_wait3A_607] : memref<256x16384xf32, #tpu.memory_space<hbm>> -> memref<1x4096xf32, #tpu.memory_space<hbm>>
    %dma_wait3A_609 = tpu.memref_squeeze %dma_wait3A_608 : memref<1x4096xf32, #tpu.memory_space<hbm>> -> memref<4096xf32, #tpu.memory_space<hbm>>
    %dma_wait3A_610 = arith.constant 0 : i32
    %dma_wait3A_611 = tpu.memref_slice %arg4[%add3A_529, %dma_wait3A_610] : memref<256x16384xf32, #tpu.memory_space<hbm>> -> memref<1x4096xf32, #tpu.memory_space<hbm>>
    %dma_wait3A_612 = tpu.memref_squeeze %dma_wait3A_611 : memref<1x4096xf32, #tpu.memory_space<hbm>> -> memref<4096xf32, #tpu.memory_space<hbm>>
    %dma_wait3A_613 = arith.constant 0 : i32
    %dma_wait3A_614 = tpu.memref_slice %arg7[%dma_wait3A_613] : memref<12288xf32, #tpu.memory_space<vmem>> -> memref<4096xf32, #tpu.memory_space<vmem>>
    tpu.wait_dma2 semaphore(%arg8 : memref<!tpu.dma_semaphore, #tpu.memory_space<semaphore_mem>>) src(%dma_wait3A_614 : memref<4096xf32, #tpu.memory_space<vmem>>) dst(%dma_wait3A_612 : memref<4096xf32, #tpu.memory_space<hbm>>)
    %parallel_loop3A_615 = arith.constant 0 : i32
    %parallel_loop3A_616 = arith.constant 4096 : i32
    %parallel_loop3A_617 = arith.constant 16 : i32
    scf.for %parallel_loop3A_878 = %parallel_loop3A_615 to %parallel_loop3A_616 step %parallel_loop3A_617  : i32 {
      %parallel_loop3A_879 = arith.constant 12288 : i32
      %parallel_loop3A_880 = arith.addi %parallel_loop3A_879, %parallel_loop3A_878 : i32
      %parallel_loop3A_881 = arith.index_cast %parallel_loop3A_880 : i32 to index
      %parallel_loop3A_882 = tpu.vector_load %arg5[%parallel_loop3A_881] {strides = array<i32>} : memref<16384xi32, #tpu.memory_space<vmem>>, vector<16xi32>,
      %parallel_loop3A_883 = tpu.vector_load_idx %arg6[%parallel_loop3A_882] : memref<100000xf32, #tpu.memory_space<vmem>>[vector<16xi32>], vector<16xf32>,
      %parallel_loop3A_884 = arith.constant 0 : i32
      %parallel_loop3A_885 = arith.addi %parallel_loop3A_884, %parallel_loop3A_878 : i32
      %parallel_loop3A_886 = arith.index_cast %parallel_loop3A_885 : i32 to index
      %parallel_loop3A_887 = tpu.vector_load %arg7[%parallel_loop3A_886] {strides = array<i32>} : memref<12288xf32, #tpu.memory_space<vmem>>, vector<16xf32>,
      tpu.vector_store %arg7[%parallel_loop3A_886], %parallel_loop3A_883 {strides = array<i32>} : memref<12288xf32, #tpu.memory_space<vmem>>, vector<16xf32>,
    } {sc.loop_unroll_factor = 8 : i64, sc.parallel_access}
    %dma_start3A_618 = arith.constant 0 : i32
    %dma_start3A_619 = tpu.memref_slice %arg7[%dma_start3A_618] : memref<12288xf32, #tpu.memory_space<vmem>> -> memref<4096xf32, #tpu.memory_space<vmem>>
    %dma_start3A_620 = arith.constant 12288 : i32
    %dma_start3A_621 = tpu.memref_slice %arg4[%add3A_529, %dma_start3A_620] : memref<256x16384xf32, #tpu.memory_space<hbm>> -> memref<1x4096xf32, #tpu.memory_space<hbm>>
    %dma_start3A_622 = tpu.memref_squeeze %dma_start3A_621 : memref<1x4096xf32, #tpu.memory_space<hbm>> -> memref<4096xf32, #tpu.memory_space<hbm>>
    %dma_start3A_623 = arith.constant 12288 : i32
    %dma_start3A_624 = tpu.memref_slice %arg4[%add3A_529, %dma_start3A_623] : memref<256x16384xf32, #tpu.memory_space<hbm>> -> memref<1x4096xf32, #tpu.memory_space<hbm>>
    %dma_start3A_625 = tpu.memref_squeeze %dma_start3A_624 : memref<1x4096xf32, #tpu.memory_space<hbm>> -> memref<4096xf32, #tpu.memory_space<hbm>>
    %dma_start3A_626 = arith.constant 0 : i32
    %dma_start3A_627 = tpu.memref_slice %arg7[%dma_start3A_626] : memref<12288xf32, #tpu.memory_space<vmem>> -> memref<4096xf32, #tpu.memory_space<vmem>>
    tpu.enqueue_dma source(%dma_start3A_627 : memref<4096xf32, #tpu.memory_space<vmem>>) target(%dma_start3A_625 : memref<4096xf32, #tpu.memory_space<hbm>>) target_semaphore(%arg8 : memref<!tpu.dma_semaphore, #tpu.memory_space<semaphore_mem>>)
    %add3A_628 = arith.constant 1 : i32
    %add3A_629 = arith.addi %add3A_529, %add3A_628 : i32
    %dma_start3A_630 = arith.constant 0 : i32
    %dma_start3A_631 = tpu.memref_slice %arg2[%add3A_629, %dma_start3A_630] : memref<256x100000xf32, #tpu.memory_space<hbm>> -> memref<1x100000xf32, #tpu.memory_space<hbm>>
    %dma_start3A_632 = tpu.memref_squeeze %dma_start3A_631 : memref<1x100000xf32, #tpu.memory_space<hbm>> -> memref<100000xf32, #tpu.memory_space<hbm>>
    %dma_start3A_633 = arith.constant 0 : i32
    %dma_start3A_634 = tpu.memref_slice %arg2[%add3A_629, %dma_start3A_633] : memref<256x100000xf32, #tpu.memory_space<hbm>> -> memref<1x100000xf32, #tpu.memory_space<hbm>>
    %dma_start3A_635 = tpu.memref_squeeze %dma_start3A_634 : memref<1x100000xf32, #tpu.memory_space<hbm>> -> memref<100000xf32, #tpu.memory_space<hbm>>
    tpu.enqueue_dma source(%dma_start3A_635 : memref<100000xf32, #tpu.memory_space<hbm>>) target(%arg6 : memref<100000xf32, #tpu.memory_space<vmem>>) target_semaphore(%arg9 : memref<!tpu.dma_semaphore, #tpu.memory_space<semaphore_mem>>)
    %mul3A_636 = arith.constant 8 : i32
    %mul3A_637 = arith.muli %add3A, %mul3A_636 : i32
    %add3A_638 = arith.constant 6 : i32
    %add3A_639 = arith.addi %mul3A_637, %add3A_638 : i32
    %dma_wait3A_640 = arith.constant 0 : i32
    %dma_wait3A_641 = tpu.memref_slice %arg2[%add3A_629, %dma_wait3A_640] : memref<256x100000xf32, #tpu.memory_space<hbm>> -> memref<1x100000xf32, #tpu.memory_space<hbm>>
    %dma_wait3A_642 = tpu.memref_squeeze %dma_wait3A_641 : memref<1x100000xf32, #tpu.memory_space<hbm>> -> memref<100000xf32, #tpu.memory_space<hbm>>
    %dma_wait3A_643 = arith.constant 0 : i32
    %dma_wait3A_644 = tpu.memref_slice %arg2[%add3A_629, %dma_wait3A_643] : memref<256x100000xf32, #tpu.memory_space<hbm>> -> memref<1x100000xf32, #tpu.memory_space<hbm>>
    %dma_wait3A_645 = tpu.memref_squeeze %dma_wait3A_644 : memref<1x100000xf32, #tpu.memory_space<hbm>> -> memref<100000xf32, #tpu.memory_space<hbm>>
    tpu.wait_dma2 semaphore(%arg9 : memref<!tpu.dma_semaphore, #tpu.memory_space<semaphore_mem>>) src(%dma_wait3A_645 : memref<100000xf32, #tpu.memory_space<hbm>>) dst(%arg6 : memref<100000xf32, #tpu.memory_space<vmem>>)
    %dma_wait3A_646 = arith.constant 4096 : i32
    %dma_wait3A_647 = tpu.memref_slice %arg7[%dma_wait3A_646] : memref<12288xf32, #tpu.memory_space<vmem>> -> memref<4096xf32, #tpu.memory_space<vmem>>
    %dma_wait3A_648 = arith.constant 4096 : i32
    %dma_wait3A_649 = tpu.memref_slice %arg4[%add3A_529, %dma_wait3A_648] : memref<256x16384xf32, #tpu.memory_space<hbm>> -> memref<1x4096xf32, #tpu.memory_space<hbm>>
    %dma_wait3A_650 = tpu.memref_squeeze %dma_wait3A_649 : memref<1x4096xf32, #tpu.memory_space<hbm>> -> memref<4096xf32, #tpu.memory_space<hbm>>
    %dma_wait3A_651 = arith.constant 4096 : i32
    %dma_wait3A_652 = tpu.memref_slice %arg4[%add3A_529, %dma_wait3A_651] : memref<256x16384xf32, #tpu.memory_space<hbm>> -> memref<1x4096xf32, #tpu.memory_space<hbm>>
    %dma_wait3A_653 = tpu.memref_squeeze %dma_wait3A_652 : memref<1x4096xf32, #tpu.memory_space<hbm>> -> memref<4096xf32, #tpu.memory_space<hbm>>
    %dma_wait3A_654 = arith.constant 4096 : i32
    %dma_wait3A_655 = tpu.memref_slice %arg7[%dma_wait3A_654] : memref<12288xf32, #tpu.memory_space<vmem>> -> memref<4096xf32, #tpu.memory_space<vmem>>
    tpu.wait_dma2 semaphore(%arg8 : memref<!tpu.dma_semaphore, #tpu.memory_space<semaphore_mem>>) src(%dma_wait3A_655 : memref<4096xf32, #tpu.memory_space<vmem>>) dst(%dma_wait3A_653 : memref<4096xf32, #tpu.memory_space<hbm>>)
    %parallel_loop3A_656 = arith.constant 0 : i32
    %parallel_loop3A_657 = arith.constant 4096 : i32
    %parallel_loop3A_658 = arith.constant 16 : i32
    scf.for %parallel_loop3A_878 = %parallel_loop3A_656 to %parallel_loop3A_657 step %parallel_loop3A_658  : i32 {
      %parallel_loop3A_879 = arith.constant 0 : i32
      %parallel_loop3A_880 = arith.addi %parallel_loop3A_879, %parallel_loop3A_878 : i32
      %parallel_loop3A_881 = arith.index_cast %parallel_loop3A_880 : i32 to index
      %parallel_loop3A_882 = tpu.vector_load %arg5[%parallel_loop3A_881] {strides = array<i32>} : memref<16384xi32, #tpu.memory_space<vmem>>, vector<16xi32>,
      %parallel_loop3A_883 = tpu.vector_load_idx %arg6[%parallel_loop3A_882] : memref<100000xf32, #tpu.memory_space<vmem>>[vector<16xi32>], vector<16xf32>,
      %parallel_loop3A_884 = arith.constant 0 : i32
      %parallel_loop3A_885 = arith.addi %parallel_loop3A_884, %parallel_loop3A_878 : i32
      %parallel_loop3A_886 = arith.index_cast %parallel_loop3A_885 : i32 to index
      %parallel_loop3A_887 = tpu.vector_load %arg7[%parallel_loop3A_886] {strides = array<i32>} : memref<12288xf32, #tpu.memory_space<vmem>>, vector<16xf32>,
      tpu.vector_store %arg7[%parallel_loop3A_886], %parallel_loop3A_883 {strides = array<i32>} : memref<12288xf32, #tpu.memory_space<vmem>>, vector<16xf32>,
    } {sc.loop_unroll_factor = 8 : i64, sc.parallel_access}
    %dma_start3A_659 = arith.constant 0 : i32
    %dma_start3A_660 = tpu.memref_slice %arg7[%dma_start3A_659] : memref<12288xf32, #tpu.memory_space<vmem>> -> memref<4096xf32, #tpu.memory_space<vmem>>
    %dma_start3A_661 = arith.constant 0 : i32
    %dma_start3A_662 = tpu.memref_slice %arg4[%add3A_639, %dma_start3A_661] : memref<256x16384xf32, #tpu.memory_space<hbm>> -> memref<1x4096xf32, #tpu.memory_space<hbm>>
    %dma_start3A_663 = tpu.memref_squeeze %dma_start3A_662 : memref<1x4096xf32, #tpu.memory_space<hbm>> -> memref<4096xf32, #tpu.memory_space<hbm>>
    %dma_start3A_664 = arith.constant 0 : i32
    %dma_start3A_665 = tpu.memref_slice %arg4[%add3A_639, %dma_start3A_664] : memref<256x16384xf32, #tpu.memory_space<hbm>> -> memref<1x4096xf32, #tpu.memory_space<hbm>>
    %dma_start3A_666 = tpu.memref_squeeze %dma_start3A_665 : memref<1x4096xf32, #tpu.memory_space<hbm>> -> memref<4096xf32, #tpu.memory_space<hbm>>
    %dma_start3A_667 = arith.constant 0 : i32
    %dma_start3A_668 = tpu.memref_slice %arg7[%dma_start3A_667] : memref<12288xf32, #tpu.memory_space<vmem>> -> memref<4096xf32, #tpu.memory_space<vmem>>
    tpu.enqueue_dma source(%dma_start3A_668 : memref<4096xf32, #tpu.memory_space<vmem>>) target(%dma_start3A_666 : memref<4096xf32, #tpu.memory_space<hbm>>) target_semaphore(%arg8 : memref<!tpu.dma_semaphore, #tpu.memory_space<semaphore_mem>>)
    %dma_wait3A_669 = arith.constant 8192 : i32
    %dma_wait3A_670 = tpu.memref_slice %arg7[%dma_wait3A_669] : memref<12288xf32, #tpu.memory_space<vmem>> -> memref<4096xf32, #tpu.memory_space<vmem>>
    %dma_wait3A_671 = arith.constant 8192 : i32
    %dma_wait3A_672 = tpu.memref_slice %arg4[%add3A_529, %dma_wait3A_671] : memref<256x16384xf32, #tpu.memory_space<hbm>> -> memref<1x4096xf32, #tpu.memory_space<hbm>>
    %dma_wait3A_673 = tpu.memref_squeeze %dma_wait3A_672 : memref<1x4096xf32, #tpu.memory_space<hbm>> -> memref<4096xf32, #tpu.memory_space<hbm>>
    %dma_wait3A_674 = arith.constant 8192 : i32
    %dma_wait3A_675 = tpu.memref_slice %arg4[%add3A_529, %dma_wait3A_674] : memref<256x16384xf32, #tpu.memory_space<hbm>> -> memref<1x4096xf32, #tpu.memory_space<hbm>>
    %dma_wait3A_676 = tpu.memref_squeeze %dma_wait3A_675 : memref<1x4096xf32, #tpu.memory_space<hbm>> -> memref<4096xf32, #tpu.memory_space<hbm>>
    %dma_wait3A_677 = arith.constant 8192 : i32
    %dma_wait3A_678 = tpu.memref_slice %arg7[%dma_wait3A_677] : memref<12288xf32, #tpu.memory_space<vmem>> -> memref<4096xf32, #tpu.memory_space<vmem>>
    tpu.wait_dma2 semaphore(%arg8 : memref<!tpu.dma_semaphore, #tpu.memory_space<semaphore_mem>>) src(%dma_wait3A_678 : memref<4096xf32, #tpu.memory_space<vmem>>) dst(%dma_wait3A_676 : memref<4096xf32, #tpu.memory_space<hbm>>)
    %parallel_loop3A_679 = arith.constant 0 : i32
    %parallel_loop3A_680 = arith.constant 4096 : i32
    %parallel_loop3A_681 = arith.constant 16 : i32
    scf.for %parallel_loop3A_878 = %parallel_loop3A_679 to %parallel_loop3A_680 step %parallel_loop3A_681  : i32 {
      %parallel_loop3A_879 = arith.constant 4096 : i32
      %parallel_loop3A_880 = arith.addi %parallel_loop3A_879, %parallel_loop3A_878 : i32
      %parallel_loop3A_881 = arith.index_cast %parallel_loop3A_880 : i32 to index
      %parallel_loop3A_882 = tpu.vector_load %arg5[%parallel_loop3A_881] {strides = array<i32>} : memref<16384xi32, #tpu.memory_space<vmem>>, vector<16xi32>,
      %parallel_loop3A_883 = tpu.vector_load_idx %arg6[%parallel_loop3A_882] : memref<100000xf32, #tpu.memory_space<vmem>>[vector<16xi32>], vector<16xf32>,
      %parallel_loop3A_884 = arith.constant 4096 : i32
      %parallel_loop3A_885 = arith.addi %parallel_loop3A_884, %parallel_loop3A_878 : i32
      %parallel_loop3A_886 = arith.index_cast %parallel_loop3A_885 : i32 to index
      %parallel_loop3A_887 = tpu.vector_load %arg7[%parallel_loop3A_886] {strides = array<i32>} : memref<12288xf32, #tpu.memory_space<vmem>>, vector<16xf32>,
      tpu.vector_store %arg7[%parallel_loop3A_886], %parallel_loop3A_883 {strides = array<i32>} : memref<12288xf32, #tpu.memory_space<vmem>>, vector<16xf32>,
    } {sc.loop_unroll_factor = 8 : i64, sc.parallel_access}
    %dma_start3A_682 = arith.constant 4096 : i32
    %dma_start3A_683 = tpu.memref_slice %arg7[%dma_start3A_682] : memref<12288xf32, #tpu.memory_space<vmem>> -> memref<4096xf32, #tpu.memory_space<vmem>>
    %dma_start3A_684 = arith.constant 4096 : i32
    %dma_start3A_685 = tpu.memref_slice %arg4[%add3A_639, %dma_start3A_684] : memref<256x16384xf32, #tpu.memory_space<hbm>> -> memref<1x4096xf32, #tpu.memory_space<hbm>>
    %dma_start3A_686 = tpu.memref_squeeze %dma_start3A_685 : memref<1x4096xf32, #tpu.memory_space<hbm>> -> memref<4096xf32, #tpu.memory_space<hbm>>
    %dma_start3A_687 = arith.constant 4096 : i32
    %dma_start3A_688 = tpu.memref_slice %arg4[%add3A_639, %dma_start3A_687] : memref<256x16384xf32, #tpu.memory_space<hbm>> -> memref<1x4096xf32, #tpu.memory_space<hbm>>
    %dma_start3A_689 = tpu.memref_squeeze %dma_start3A_688 : memref<1x4096xf32, #tpu.memory_space<hbm>> -> memref<4096xf32, #tpu.memory_space<hbm>>
    %dma_start3A_690 = arith.constant 4096 : i32
    %dma_start3A_691 = tpu.memref_slice %arg7[%dma_start3A_690] : memref<12288xf32, #tpu.memory_space<vmem>> -> memref<4096xf32, #tpu.memory_space<vmem>>
    tpu.enqueue_dma source(%dma_start3A_691 : memref<4096xf32, #tpu.memory_space<vmem>>) target(%dma_start3A_689 : memref<4096xf32, #tpu.memory_space<hbm>>) target_semaphore(%arg8 : memref<!tpu.dma_semaphore, #tpu.memory_space<semaphore_mem>>)
    %dma_wait3A_692 = arith.constant 0 : i32
    %dma_wait3A_693 = tpu.memref_slice %arg7[%dma_wait3A_692] : memref<12288xf32, #tpu.memory_space<vmem>> -> memref<4096xf32, #tpu.memory_space<vmem>>
    %dma_wait3A_694 = arith.constant 12288 : i32
    %dma_wait3A_695 = tpu.memref_slice %arg4[%add3A_529, %dma_wait3A_694] : memref<256x16384xf32, #tpu.memory_space<hbm>> -> memref<1x4096xf32, #tpu.memory_space<hbm>>
    %dma_wait3A_696 = tpu.memref_squeeze %dma_wait3A_695 : memref<1x4096xf32, #tpu.memory_space<hbm>> -> memref<4096xf32, #tpu.memory_space<hbm>>
    %dma_wait3A_697 = arith.constant 12288 : i32
    %dma_wait3A_698 = tpu.memref_slice %arg4[%add3A_529, %dma_wait3A_697] : memref<256x16384xf32, #tpu.memory_space<hbm>> -> memref<1x4096xf32, #tpu.memory_space<hbm>>
    %dma_wait3A_699 = tpu.memref_squeeze %dma_wait3A_698 : memref<1x4096xf32, #tpu.memory_space<hbm>> -> memref<4096xf32, #tpu.memory_space<hbm>>
    %dma_wait3A_700 = arith.constant 0 : i32
    %dma_wait3A_701 = tpu.memref_slice %arg7[%dma_wait3A_700] : memref<12288xf32, #tpu.memory_space<vmem>> -> memref<4096xf32, #tpu.memory_space<vmem>>
    tpu.wait_dma2 semaphore(%arg8 : memref<!tpu.dma_semaphore, #tpu.memory_space<semaphore_mem>>) src(%dma_wait3A_701 : memref<4096xf32, #tpu.memory_space<vmem>>) dst(%dma_wait3A_699 : memref<4096xf32, #tpu.memory_space<hbm>>)
    %parallel_loop3A_702 = arith.constant 0 : i32
    %parallel_loop3A_703 = arith.constant 4096 : i32
    %parallel_loop3A_704 = arith.constant 16 : i32
    scf.for %parallel_loop3A_878 = %parallel_loop3A_702 to %parallel_loop3A_703 step %parallel_loop3A_704  : i32 {
      %parallel_loop3A_879 = arith.constant 8192 : i32
      %parallel_loop3A_880 = arith.addi %parallel_loop3A_879, %parallel_loop3A_878 : i32
      %parallel_loop3A_881 = arith.index_cast %parallel_loop3A_880 : i32 to index
      %parallel_loop3A_882 = tpu.vector_load %arg5[%parallel_loop3A_881] {strides = array<i32>} : memref<16384xi32, #tpu.memory_space<vmem>>, vector<16xi32>,
      %parallel_loop3A_883 = tpu.vector_load_idx %arg6[%parallel_loop3A_882] : memref<100000xf32, #tpu.memory_space<vmem>>[vector<16xi32>], vector<16xf32>,
      %parallel_loop3A_884 = arith.constant 8192 : i32
      %parallel_loop3A_885 = arith.addi %parallel_loop3A_884, %parallel_loop3A_878 : i32
      %parallel_loop3A_886 = arith.index_cast %parallel_loop3A_885 : i32 to index
      %parallel_loop3A_887 = tpu.vector_load %arg7[%parallel_loop3A_886] {strides = array<i32>} : memref<12288xf32, #tpu.memory_space<vmem>>, vector<16xf32>,
      tpu.vector_store %arg7[%parallel_loop3A_886], %parallel_loop3A_883 {strides = array<i32>} : memref<12288xf32, #tpu.memory_space<vmem>>, vector<16xf32>,
    } {sc.loop_unroll_factor = 8 : i64, sc.parallel_access}
    %dma_start3A_705 = arith.constant 8192 : i32
    %dma_start3A_706 = tpu.memref_slice %arg7[%dma_start3A_705] : memref<12288xf32, #tpu.memory_space<vmem>> -> memref<4096xf32, #tpu.memory_space<vmem>>
    %dma_start3A_707 = arith.constant 8192 : i32
    %dma_start3A_708 = tpu.memref_slice %arg4[%add3A_639, %dma_start3A_707] : memref<256x16384xf32, #tpu.memory_space<hbm>> -> memref<1x4096xf32, #tpu.memory_space<hbm>>
    %dma_start3A_709 = tpu.memref_squeeze %dma_start3A_708 : memref<1x4096xf32, #tpu.memory_space<hbm>> -> memref<4096xf32, #tpu.memory_space<hbm>>
    %dma_start3A_710 = arith.constant 8192 : i32
    %dma_start3A_711 = tpu.memref_slice %arg4[%add3A_639, %dma_start3A_710] : memref<256x16384xf32, #tpu.memory_space<hbm>> -> memref<1x4096xf32, #tpu.memory_space<hbm>>
    %dma_start3A_712 = tpu.memref_squeeze %dma_start3A_711 : memref<1x4096xf32, #tpu.memory_space<hbm>> -> memref<4096xf32, #tpu.memory_space<hbm>>
    %dma_start3A_713 = arith.constant 8192 : i32
    %dma_start3A_714 = tpu.memref_slice %arg7[%dma_start3A_713] : memref<12288xf32, #tpu.memory_space<vmem>> -> memref<4096xf32, #tpu.memory_space<vmem>>
    tpu.enqueue_dma source(%dma_start3A_714 : memref<4096xf32, #tpu.memory_space<vmem>>) target(%dma_start3A_712 : memref<4096xf32, #tpu.memory_space<hbm>>) target_semaphore(%arg8 : memref<!tpu.dma_semaphore, #tpu.memory_space<semaphore_mem>>)
    %dma_wait3A_715 = arith.constant 0 : i32
    %dma_wait3A_716 = tpu.memref_slice %arg7[%dma_wait3A_715] : memref<12288xf32, #tpu.memory_space<vmem>> -> memref<4096xf32, #tpu.memory_space<vmem>>
    %dma_wait3A_717 = arith.constant 0 : i32
    %dma_wait3A_718 = tpu.memref_slice %arg4[%add3A_639, %dma_wait3A_717] : memref<256x16384xf32, #tpu.memory_space<hbm>> -> memref<1x4096xf32, #tpu.memory_space<hbm>>
    %dma_wait3A_719 = tpu.memref_squeeze %dma_wait3A_718 : memref<1x4096xf32, #tpu.memory_space<hbm>> -> memref<4096xf32, #tpu.memory_space<hbm>>
    %dma_wait3A_720 = arith.constant 0 : i32
    %dma_wait3A_721 = tpu.memref_slice %arg4[%add3A_639, %dma_wait3A_720] : memref<256x16384xf32, #tpu.memory_space<hbm>> -> memref<1x4096xf32, #tpu.memory_space<hbm>>
    %dma_wait3A_722 = tpu.memref_squeeze %dma_wait3A_721 : memref<1x4096xf32, #tpu.memory_space<hbm>> -> memref<4096xf32, #tpu.memory_space<hbm>>
    %dma_wait3A_723 = arith.constant 0 : i32
    %dma_wait3A_724 = tpu.memref_slice %arg7[%dma_wait3A_723] : memref<12288xf32, #tpu.memory_space<vmem>> -> memref<4096xf32, #tpu.memory_space<vmem>>
    tpu.wait_dma2 semaphore(%arg8 : memref<!tpu.dma_semaphore, #tpu.memory_space<semaphore_mem>>) src(%dma_wait3A_724 : memref<4096xf32, #tpu.memory_space<vmem>>) dst(%dma_wait3A_722 : memref<4096xf32, #tpu.memory_space<hbm>>)
    %parallel_loop3A_725 = arith.constant 0 : i32
    %parallel_loop3A_726 = arith.constant 4096 : i32
    %parallel_loop3A_727 = arith.constant 16 : i32
    scf.for %parallel_loop3A_878 = %parallel_loop3A_725 to %parallel_loop3A_726 step %parallel_loop3A_727  : i32 {
      %parallel_loop3A_879 = arith.constant 12288 : i32
      %parallel_loop3A_880 = arith.addi %parallel_loop3A_879, %parallel_loop3A_878 : i32
      %parallel_loop3A_881 = arith.index_cast %parallel_loop3A_880 : i32 to index
      %parallel_loop3A_882 = tpu.vector_load %arg5[%parallel_loop3A_881] {strides = array<i32>} : memref<16384xi32, #tpu.memory_space<vmem>>, vector<16xi32>,
      %parallel_loop3A_883 = tpu.vector_load_idx %arg6[%parallel_loop3A_882] : memref<100000xf32, #tpu.memory_space<vmem>>[vector<16xi32>], vector<16xf32>,
      %parallel_loop3A_884 = arith.constant 0 : i32
      %parallel_loop3A_885 = arith.addi %parallel_loop3A_884, %parallel_loop3A_878 : i32
      %parallel_loop3A_886 = arith.index_cast %parallel_loop3A_885 : i32 to index
      %parallel_loop3A_887 = tpu.vector_load %arg7[%parallel_loop3A_886] {strides = array<i32>} : memref<12288xf32, #tpu.memory_space<vmem>>, vector<16xf32>,
      tpu.vector_store %arg7[%parallel_loop3A_886], %parallel_loop3A_883 {strides = array<i32>} : memref<12288xf32, #tpu.memory_space<vmem>>, vector<16xf32>,
    } {sc.loop_unroll_factor = 8 : i64, sc.parallel_access}
    %dma_start3A_728 = arith.constant 0 : i32
    %dma_start3A_729 = tpu.memref_slice %arg7[%dma_start3A_728] : memref<12288xf32, #tpu.memory_space<vmem>> -> memref<4096xf32, #tpu.memory_space<vmem>>
    %dma_start3A_730 = arith.constant 12288 : i32
    %dma_start3A_731 = tpu.memref_slice %arg4[%add3A_639, %dma_start3A_730] : memref<256x16384xf32, #tpu.memory_space<hbm>> -> memref<1x4096xf32, #tpu.memory_space<hbm>>
    %dma_start3A_732 = tpu.memref_squeeze %dma_start3A_731 : memref<1x4096xf32, #tpu.memory_space<hbm>> -> memref<4096xf32, #tpu.memory_space<hbm>>
    %dma_start3A_733 = arith.constant 12288 : i32
    %dma_start3A_734 = tpu.memref_slice %arg4[%add3A_639, %dma_start3A_733] : memref<256x16384xf32, #tpu.memory_space<hbm>> -> memref<1x4096xf32, #tpu.memory_space<hbm>>
    %dma_start3A_735 = tpu.memref_squeeze %dma_start3A_734 : memref<1x4096xf32, #tpu.memory_space<hbm>> -> memref<4096xf32, #tpu.memory_space<hbm>>
    %dma_start3A_736 = arith.constant 0 : i32
    %dma_start3A_737 = tpu.memref_slice %arg7[%dma_start3A_736] : memref<12288xf32, #tpu.memory_space<vmem>> -> memref<4096xf32, #tpu.memory_space<vmem>>
    tpu.enqueue_dma source(%dma_start3A_737 : memref<4096xf32, #tpu.memory_space<vmem>>) target(%dma_start3A_735 : memref<4096xf32, #tpu.memory_space<hbm>>) target_semaphore(%arg8 : memref<!tpu.dma_semaphore, #tpu.memory_space<semaphore_mem>>)
    %add3A_738 = arith.constant 1 : i32
    %add3A_739 = arith.addi %add3A_639, %add3A_738 : i32
    %dma_start3A_740 = arith.constant 0 : i32
    %dma_start3A_741 = tpu.memref_slice %arg2[%add3A_739, %dma_start3A_740] : memref<256x100000xf32, #tpu.memory_space<hbm>> -> memref<1x100000xf32, #tpu.memory_space<hbm>>
    %dma_start3A_742 = tpu.memref_squeeze %dma_start3A_741 : memref<1x100000xf32, #tpu.memory_space<hbm>> -> memref<100000xf32, #tpu.memory_space<hbm>>
    %dma_start3A_743 = arith.constant 0 : i32
    %dma_start3A_744 = tpu.memref_slice %arg2[%add3A_739, %dma_start3A_743] : memref<256x100000xf32, #tpu.memory_space<hbm>> -> memref<1x100000xf32, #tpu.memory_space<hbm>>
    %dma_start3A_745 = tpu.memref_squeeze %dma_start3A_744 : memref<1x100000xf32, #tpu.memory_space<hbm>> -> memref<100000xf32, #tpu.memory_space<hbm>>
    tpu.enqueue_dma source(%dma_start3A_745 : memref<100000xf32, #tpu.memory_space<hbm>>) target(%arg6 : memref<100000xf32, #tpu.memory_space<vmem>>) target_semaphore(%arg9 : memref<!tpu.dma_semaphore, #tpu.memory_space<semaphore_mem>>)
    %mul3A_746 = arith.constant 8 : i32
    %mul3A_747 = arith.muli %add3A, %mul3A_746 : i32
    %add3A_748 = arith.constant 7 : i32
    %add3A_749 = arith.addi %mul3A_747, %add3A_748 : i32
    %dma_wait3A_750 = arith.constant 0 : i32
    %dma_wait3A_751 = tpu.memref_slice %arg2[%add3A_739, %dma_wait3A_750] : memref<256x100000xf32, #tpu.memory_space<hbm>> -> memref<1x100000xf32, #tpu.memory_space<hbm>>
    %dma_wait3A_752 = tpu.memref_squeeze %dma_wait3A_751 : memref<1x100000xf32, #tpu.memory_space<hbm>> -> memref<100000xf32, #tpu.memory_space<hbm>>
    %dma_wait3A_753 = arith.constant 0 : i32
    %dma_wait3A_754 = tpu.memref_slice %arg2[%add3A_739, %dma_wait3A_753] : memref<256x100000xf32, #tpu.memory_space<hbm>> -> memref<1x100000xf32, #tpu.memory_space<hbm>>
    %dma_wait3A_755 = tpu.memref_squeeze %dma_wait3A_754 : memref<1x100000xf32, #tpu.memory_space<hbm>> -> memref<100000xf32, #tpu.memory_space<hbm>>
    tpu.wait_dma2 semaphore(%arg9 : memref<!tpu.dma_semaphore, #tpu.memory_space<semaphore_mem>>) src(%dma_wait3A_755 : memref<100000xf32, #tpu.memory_space<hbm>>) dst(%arg6 : memref<100000xf32, #tpu.memory_space<vmem>>)
    %dma_wait3A_756 = arith.constant 4096 : i32
    %dma_wait3A_757 = tpu.memref_slice %arg7[%dma_wait3A_756] : memref<12288xf32, #tpu.memory_space<vmem>> -> memref<4096xf32, #tpu.memory_space<vmem>>
    %dma_wait3A_758 = arith.constant 4096 : i32
    %dma_wait3A_759 = tpu.memref_slice %arg4[%add3A_639, %dma_wait3A_758] : memref<256x16384xf32, #tpu.memory_space<hbm>> -> memref<1x4096xf32, #tpu.memory_space<hbm>>
    %dma_wait3A_760 = tpu.memref_squeeze %dma_wait3A_759 : memref<1x4096xf32, #tpu.memory_space<hbm>> -> memref<4096xf32, #tpu.memory_space<hbm>>
    %dma_wait3A_761 = arith.constant 4096 : i32
    %dma_wait3A_762 = tpu.memref_slice %arg4[%add3A_639, %dma_wait3A_761] : memref<256x16384xf32, #tpu.memory_space<hbm>> -> memref<1x4096xf32, #tpu.memory_space<hbm>>
    %dma_wait3A_763 = tpu.memref_squeeze %dma_wait3A_762 : memref<1x4096xf32, #tpu.memory_space<hbm>> -> memref<4096xf32, #tpu.memory_space<hbm>>
    %dma_wait3A_764 = arith.constant 4096 : i32
    %dma_wait3A_765 = tpu.memref_slice %arg7[%dma_wait3A_764] : memref<12288xf32, #tpu.memory_space<vmem>> -> memref<4096xf32, #tpu.memory_space<vmem>>
    tpu.wait_dma2 semaphore(%arg8 : memref<!tpu.dma_semaphore, #tpu.memory_space<semaphore_mem>>) src(%dma_wait3A_765 : memref<4096xf32, #tpu.memory_space<vmem>>) dst(%dma_wait3A_763 : memref<4096xf32, #tpu.memory_space<hbm>>)
    %parallel_loop3A_766 = arith.constant 0 : i32
    %parallel_loop3A_767 = arith.constant 4096 : i32
    %parallel_loop3A_768 = arith.constant 16 : i32
    scf.for %parallel_loop3A_878 = %parallel_loop3A_766 to %parallel_loop3A_767 step %parallel_loop3A_768  : i32 {
      %parallel_loop3A_879 = arith.constant 0 : i32
      %parallel_loop3A_880 = arith.addi %parallel_loop3A_879, %parallel_loop3A_878 : i32
      %parallel_loop3A_881 = arith.index_cast %parallel_loop3A_880 : i32 to index
      %parallel_loop3A_882 = tpu.vector_load %arg5[%parallel_loop3A_881] {strides = array<i32>} : memref<16384xi32, #tpu.memory_space<vmem>>, vector<16xi32>,
      %parallel_loop3A_883 = tpu.vector_load_idx %arg6[%parallel_loop3A_882] : memref<100000xf32, #tpu.memory_space<vmem>>[vector<16xi32>], vector<16xf32>,
      %parallel_loop3A_884 = arith.constant 0 : i32
      %parallel_loop3A_885 = arith.addi %parallel_loop3A_884, %parallel_loop3A_878 : i32
      %parallel_loop3A_886 = arith.index_cast %parallel_loop3A_885 : i32 to index
      %parallel_loop3A_887 = tpu.vector_load %arg7[%parallel_loop3A_886] {strides = array<i32>} : memref<12288xf32, #tpu.memory_space<vmem>>, vector<16xf32>,
      tpu.vector_store %arg7[%parallel_loop3A_886], %parallel_loop3A_883 {strides = array<i32>} : memref<12288xf32, #tpu.memory_space<vmem>>, vector<16xf32>,
    } {sc.loop_unroll_factor = 8 : i64, sc.parallel_access}
    %dma_start3A_769 = arith.constant 0 : i32
    %dma_start3A_770 = tpu.memref_slice %arg7[%dma_start3A_769] : memref<12288xf32, #tpu.memory_space<vmem>> -> memref<4096xf32, #tpu.memory_space<vmem>>
    %dma_start3A_771 = arith.constant 0 : i32
    %dma_start3A_772 = tpu.memref_slice %arg4[%add3A_749, %dma_start3A_771] : memref<256x16384xf32, #tpu.memory_space<hbm>> -> memref<1x4096xf32, #tpu.memory_space<hbm>>
    %dma_start3A_773 = tpu.memref_squeeze %dma_start3A_772 : memref<1x4096xf32, #tpu.memory_space<hbm>> -> memref<4096xf32, #tpu.memory_space<hbm>>
    %dma_start3A_774 = arith.constant 0 : i32
    %dma_start3A_775 = tpu.memref_slice %arg4[%add3A_749, %dma_start3A_774] : memref<256x16384xf32, #tpu.memory_space<hbm>> -> memref<1x4096xf32, #tpu.memory_space<hbm>>
    %dma_start3A_776 = tpu.memref_squeeze %dma_start3A_775 : memref<1x4096xf32, #tpu.memory_space<hbm>> -> memref<4096xf32, #tpu.memory_space<hbm>>
    %dma_start3A_777 = arith.constant 0 : i32
    %dma_start3A_778 = tpu.memref_slice %arg7[%dma_start3A_777] : memref<12288xf32, #tpu.memory_space<vmem>> -> memref<4096xf32, #tpu.memory_space<vmem>>
    tpu.enqueue_dma source(%dma_start3A_778 : memref<4096xf32, #tpu.memory_space<vmem>>) target(%dma_start3A_776 : memref<4096xf32, #tpu.memory_space<hbm>>) target_semaphore(%arg8 : memref<!tpu.dma_semaphore, #tpu.memory_space<semaphore_mem>>)
    %dma_wait3A_779 = arith.constant 8192 : i32
    %dma_wait3A_780 = tpu.memref_slice %arg7[%dma_wait3A_779] : memref<12288xf32, #tpu.memory_space<vmem>> -> memref<4096xf32, #tpu.memory_space<vmem>>
    %dma_wait3A_781 = arith.constant 8192 : i32
    %dma_wait3A_782 = tpu.memref_slice %arg4[%add3A_639, %dma_wait3A_781] : memref<256x16384xf32, #tpu.memory_space<hbm>> -> memref<1x4096xf32, #tpu.memory_space<hbm>>
    %dma_wait3A_783 = tpu.memref_squeeze %dma_wait3A_782 : memref<1x4096xf32, #tpu.memory_space<hbm>> -> memref<4096xf32, #tpu.memory_space<hbm>>
    %dma_wait3A_784 = arith.constant 8192 : i32
    %dma_wait3A_785 = tpu.memref_slice %arg4[%add3A_639, %dma_wait3A_784] : memref<256x16384xf32, #tpu.memory_space<hbm>> -> memref<1x4096xf32, #tpu.memory_space<hbm>>
    %dma_wait3A_786 = tpu.memref_squeeze %dma_wait3A_785 : memref<1x4096xf32, #tpu.memory_space<hbm>> -> memref<4096xf32, #tpu.memory_space<hbm>>
    %dma_wait3A_787 = arith.constant 8192 : i32
    %dma_wait3A_788 = tpu.memref_slice %arg7[%dma_wait3A_787] : memref<12288xf32, #tpu.memory_space<vmem>> -> memref<4096xf32, #tpu.memory_space<vmem>>
    tpu.wait_dma2 semaphore(%arg8 : memref<!tpu.dma_semaphore, #tpu.memory_space<semaphore_mem>>) src(%dma_wait3A_788 : memref<4096xf32, #tpu.memory_space<vmem>>) dst(%dma_wait3A_786 : memref<4096xf32, #tpu.memory_space<hbm>>)
    %parallel_loop3A_789 = arith.constant 0 : i32
    %parallel_loop3A_790 = arith.constant 4096 : i32
    %parallel_loop3A_791 = arith.constant 16 : i32
    scf.for %parallel_loop3A_878 = %parallel_loop3A_789 to %parallel_loop3A_790 step %parallel_loop3A_791  : i32 {
      %parallel_loop3A_879 = arith.constant 4096 : i32
      %parallel_loop3A_880 = arith.addi %parallel_loop3A_879, %parallel_loop3A_878 : i32
      %parallel_loop3A_881 = arith.index_cast %parallel_loop3A_880 : i32 to index
      %parallel_loop3A_882 = tpu.vector_load %arg5[%parallel_loop3A_881] {strides = array<i32>} : memref<16384xi32, #tpu.memory_space<vmem>>, vector<16xi32>,
      %parallel_loop3A_883 = tpu.vector_load_idx %arg6[%parallel_loop3A_882] : memref<100000xf32, #tpu.memory_space<vmem>>[vector<16xi32>], vector<16xf32>,
      %parallel_loop3A_884 = arith.constant 4096 : i32
      %parallel_loop3A_885 = arith.addi %parallel_loop3A_884, %parallel_loop3A_878 : i32
      %parallel_loop3A_886 = arith.index_cast %parallel_loop3A_885 : i32 to index
      %parallel_loop3A_887 = tpu.vector_load %arg7[%parallel_loop3A_886] {strides = array<i32>} : memref<12288xf32, #tpu.memory_space<vmem>>, vector<16xf32>,
      tpu.vector_store %arg7[%parallel_loop3A_886], %parallel_loop3A_883 {strides = array<i32>} : memref<12288xf32, #tpu.memory_space<vmem>>, vector<16xf32>,
    } {sc.loop_unroll_factor = 8 : i64, sc.parallel_access}
    %dma_start3A_792 = arith.constant 4096 : i32
    %dma_start3A_793 = tpu.memref_slice %arg7[%dma_start3A_792] : memref<12288xf32, #tpu.memory_space<vmem>> -> memref<4096xf32, #tpu.memory_space<vmem>>
    %dma_start3A_794 = arith.constant 4096 : i32
    %dma_start3A_795 = tpu.memref_slice %arg4[%add3A_749, %dma_start3A_794] : memref<256x16384xf32, #tpu.memory_space<hbm>> -> memref<1x4096xf32, #tpu.memory_space<hbm>>
    %dma_start3A_796 = tpu.memref_squeeze %dma_start3A_795 : memref<1x4096xf32, #tpu.memory_space<hbm>> -> memref<4096xf32, #tpu.memory_space<hbm>>
    %dma_start3A_797 = arith.constant 4096 : i32
    %dma_start3A_798 = tpu.memref_slice %arg4[%add3A_749, %dma_start3A_797] : memref<256x16384xf32, #tpu.memory_space<hbm>> -> memref<1x4096xf32, #tpu.memory_space<hbm>>
    %dma_start3A_799 = tpu.memref_squeeze %dma_start3A_798 : memref<1x4096xf32, #tpu.memory_space<hbm>> -> memref<4096xf32, #tpu.memory_space<hbm>>
    %dma_start3A_800 = arith.constant 4096 : i32
    %dma_start3A_801 = tpu.memref_slice %arg7[%dma_start3A_800] : memref<12288xf32, #tpu.memory_space<vmem>> -> memref<4096xf32, #tpu.memory_space<vmem>>
    tpu.enqueue_dma source(%dma_start3A_801 : memref<4096xf32, #tpu.memory_space<vmem>>) target(%dma_start3A_799 : memref<4096xf32, #tpu.memory_space<hbm>>) target_semaphore(%arg8 : memref<!tpu.dma_semaphore, #tpu.memory_space<semaphore_mem>>)
    %dma_wait3A_802 = arith.constant 0 : i32
    %dma_wait3A_803 = tpu.memref_slice %arg7[%dma_wait3A_802] : memref<12288xf32, #tpu.memory_space<vmem>> -> memref<4096xf32, #tpu.memory_space<vmem>>
    %dma_wait3A_804 = arith.constant 12288 : i32
    %dma_wait3A_805 = tpu.memref_slice %arg4[%add3A_639, %dma_wait3A_804] : memref<256x16384xf32, #tpu.memory_space<hbm>> -> memref<1x4096xf32, #tpu.memory_space<hbm>>
    %dma_wait3A_806 = tpu.memref_squeeze %dma_wait3A_805 : memref<1x4096xf32, #tpu.memory_space<hbm>> -> memref<4096xf32, #tpu.memory_space<hbm>>
    %dma_wait3A_807 = arith.constant 12288 : i32
    %dma_wait3A_808 = tpu.memref_slice %arg4[%add3A_639, %dma_wait3A_807] : memref<256x16384xf32, #tpu.memory_space<hbm>> -> memref<1x4096xf32, #tpu.memory_space<hbm>>
    %dma_wait3A_809 = tpu.memref_squeeze %dma_wait3A_808 : memref<1x4096xf32, #tpu.memory_space<hbm>> -> memref<4096xf32, #tpu.memory_space<hbm>>
    %dma_wait3A_810 = arith.constant 0 : i32
    %dma_wait3A_811 = tpu.memref_slice %arg7[%dma_wait3A_810] : memref<12288xf32, #tpu.memory_space<vmem>> -> memref<4096xf32, #tpu.memory_space<vmem>>
    tpu.wait_dma2 semaphore(%arg8 : memref<!tpu.dma_semaphore, #tpu.memory_space<semaphore_mem>>) src(%dma_wait3A_811 : memref<4096xf32, #tpu.memory_space<vmem>>) dst(%dma_wait3A_809 : memref<4096xf32, #tpu.memory_space<hbm>>)
    %parallel_loop3A_812 = arith.constant 0 : i32
    %parallel_loop3A_813 = arith.constant 4096 : i32
    %parallel_loop3A_814 = arith.constant 16 : i32
    scf.for %parallel_loop3A_878 = %parallel_loop3A_812 to %parallel_loop3A_813 step %parallel_loop3A_814  : i32 {
      %parallel_loop3A_879 = arith.constant 8192 : i32
      %parallel_loop3A_880 = arith.addi %parallel_loop3A_879, %parallel_loop3A_878 : i32
      %parallel_loop3A_881 = arith.index_cast %parallel_loop3A_880 : i32 to index
      %parallel_loop3A_882 = tpu.vector_load %arg5[%parallel_loop3A_881] {strides = array<i32>} : memref<16384xi32, #tpu.memory_space<vmem>>, vector<16xi32>,
      %parallel_loop3A_883 = tpu.vector_load_idx %arg6[%parallel_loop3A_882] : memref<100000xf32, #tpu.memory_space<vmem>>[vector<16xi32>], vector<16xf32>,
      %parallel_loop3A_884 = arith.constant 8192 : i32
      %parallel_loop3A_885 = arith.addi %parallel_loop3A_884, %parallel_loop3A_878 : i32
      %parallel_loop3A_886 = arith.index_cast %parallel_loop3A_885 : i32 to index
      %parallel_loop3A_887 = tpu.vector_load %arg7[%parallel_loop3A_886] {strides = array<i32>} : memref<12288xf32, #tpu.memory_space<vmem>>, vector<16xf32>,
      tpu.vector_store %arg7[%parallel_loop3A_886], %parallel_loop3A_883 {strides = array<i32>} : memref<12288xf32, #tpu.memory_space<vmem>>, vector<16xf32>,
    } {sc.loop_unroll_factor = 8 : i64, sc.parallel_access}
    %dma_start3A_815 = arith.constant 8192 : i32
    %dma_start3A_816 = tpu.memref_slice %arg7[%dma_start3A_815] : memref<12288xf32, #tpu.memory_space<vmem>> -> memref<4096xf32, #tpu.memory_space<vmem>>
    %dma_start3A_817 = arith.constant 8192 : i32
    %dma_start3A_818 = tpu.memref_slice %arg4[%add3A_749, %dma_start3A_817] : memref<256x16384xf32, #tpu.memory_space<hbm>> -> memref<1x4096xf32, #tpu.memory_space<hbm>>
    %dma_start3A_819 = tpu.memref_squeeze %dma_start3A_818 : memref<1x4096xf32, #tpu.memory_space<hbm>> -> memref<4096xf32, #tpu.memory_space<hbm>>
    %dma_start3A_820 = arith.constant 8192 : i32
    %dma_start3A_821 = tpu.memref_slice %arg4[%add3A_749, %dma_start3A_820] : memref<256x16384xf32, #tpu.memory_space<hbm>> -> memref<1x4096xf32, #tpu.memory_space<hbm>>
    %dma_start3A_822 = tpu.memref_squeeze %dma_start3A_821 : memref<1x4096xf32, #tpu.memory_space<hbm>> -> memref<4096xf32, #tpu.memory_space<hbm>>
    %dma_start3A_823 = arith.constant 8192 : i32
    %dma_start3A_824 = tpu.memref_slice %arg7[%dma_start3A_823] : memref<12288xf32, #tpu.memory_space<vmem>> -> memref<4096xf32, #tpu.memory_space<vmem>>
    tpu.enqueue_dma source(%dma_start3A_824 : memref<4096xf32, #tpu.memory_space<vmem>>) target(%dma_start3A_822 : memref<4096xf32, #tpu.memory_space<hbm>>) target_semaphore(%arg8 : memref<!tpu.dma_semaphore, #tpu.memory_space<semaphore_mem>>)
    %dma_wait3A_825 = arith.constant 0 : i32
    %dma_wait3A_826 = tpu.memref_slice %arg7[%dma_wait3A_825] : memref<12288xf32, #tpu.memory_space<vmem>> -> memref<4096xf32, #tpu.memory_space<vmem>>
    %dma_wait3A_827 = arith.constant 0 : i32
    %dma_wait3A_828 = tpu.memref_slice %arg4[%add3A_749, %dma_wait3A_827] : memref<256x16384xf32, #tpu.memory_space<hbm>> -> memref<1x4096xf32, #tpu.memory_space<hbm>>
    %dma_wait3A_829 = tpu.memref_squeeze %dma_wait3A_828 : memref<1x4096xf32, #tpu.memory_space<hbm>> -> memref<4096xf32, #tpu.memory_space<hbm>>
    %dma_wait3A_830 = arith.constant 0 : i32
    %dma_wait3A_831 = tpu.memref_slice %arg4[%add3A_749, %dma_wait3A_830] : memref<256x16384xf32, #tpu.memory_space<hbm>> -> memref<1x4096xf32, #tpu.memory_space<hbm>>
    %dma_wait3A_832 = tpu.memref_squeeze %dma_wait3A_831 : memref<1x4096xf32, #tpu.memory_space<hbm>> -> memref<4096xf32, #tpu.memory_space<hbm>>
    %dma_wait3A_833 = arith.constant 0 : i32
    %dma_wait3A_834 = tpu.memref_slice %arg7[%dma_wait3A_833] : memref<12288xf32, #tpu.memory_space<vmem>> -> memref<4096xf32, #tpu.memory_space<vmem>>
    tpu.wait_dma2 semaphore(%arg8 : memref<!tpu.dma_semaphore, #tpu.memory_space<semaphore_mem>>) src(%dma_wait3A_834 : memref<4096xf32, #tpu.memory_space<vmem>>) dst(%dma_wait3A_832 : memref<4096xf32, #tpu.memory_space<hbm>>)
    %parallel_loop3A_835 = arith.constant 0 : i32
    %parallel_loop3A_836 = arith.constant 4096 : i32
    %parallel_loop3A_837 = arith.constant 16 : i32
    scf.for %parallel_loop3A_878 = %parallel_loop3A_835 to %parallel_loop3A_836 step %parallel_loop3A_837  : i32 {
      %parallel_loop3A_879 = arith.constant 12288 : i32
      %parallel_loop3A_880 = arith.addi %parallel_loop3A_879, %parallel_loop3A_878 : i32
      %parallel_loop3A_881 = arith.index_cast %parallel_loop3A_880 : i32 to index
      %parallel_loop3A_882 = tpu.vector_load %arg5[%parallel_loop3A_881] {strides = array<i32>} : memref<16384xi32, #tpu.memory_space<vmem>>, vector<16xi32>,
      %parallel_loop3A_883 = tpu.vector_load_idx %arg6[%parallel_loop3A_882] : memref<100000xf32, #tpu.memory_space<vmem>>[vector<16xi32>], vector<16xf32>,
      %parallel_loop3A_884 = arith.constant 0 : i32
      %parallel_loop3A_885 = arith.addi %parallel_loop3A_884, %parallel_loop3A_878 : i32
      %parallel_loop3A_886 = arith.index_cast %parallel_loop3A_885 : i32 to index
      %parallel_loop3A_887 = tpu.vector_load %arg7[%parallel_loop3A_886] {strides = array<i32>} : memref<12288xf32, #tpu.memory_space<vmem>>, vector<16xf32>,
      tpu.vector_store %arg7[%parallel_loop3A_886], %parallel_loop3A_883 {strides = array<i32>} : memref<12288xf32, #tpu.memory_space<vmem>>, vector<16xf32>,
    } {sc.loop_unroll_factor = 8 : i64, sc.parallel_access}
    %dma_start3A_838 = arith.constant 0 : i32
    %dma_start3A_839 = tpu.memref_slice %arg7[%dma_start3A_838] : memref<12288xf32, #tpu.memory_space<vmem>> -> memref<4096xf32, #tpu.memory_space<vmem>>
    %dma_start3A_840 = arith.constant 12288 : i32
    %dma_start3A_841 = tpu.memref_slice %arg4[%add3A_749, %dma_start3A_840] : memref<256x16384xf32, #tpu.memory_space<hbm>> -> memref<1x4096xf32, #tpu.memory_space<hbm>>
    %dma_start3A_842 = tpu.memref_squeeze %dma_start3A_841 : memref<1x4096xf32, #tpu.memory_space<hbm>> -> memref<4096xf32, #tpu.memory_space<hbm>>
    %dma_start3A_843 = arith.constant 12288 : i32
    %dma_start3A_844 = tpu.memref_slice %arg4[%add3A_749, %dma_start3A_843] : memref<256x16384xf32, #tpu.memory_space<hbm>> -> memref<1x4096xf32, #tpu.memory_space<hbm>>
    %dma_start3A_845 = tpu.memref_squeeze %dma_start3A_844 : memref<1x4096xf32, #tpu.memory_space<hbm>> -> memref<4096xf32, #tpu.memory_space<hbm>>
    %dma_start3A_846 = arith.constant 0 : i32
    %dma_start3A_847 = tpu.memref_slice %arg7[%dma_start3A_846] : memref<12288xf32, #tpu.memory_space<vmem>> -> memref<4096xf32, #tpu.memory_space<vmem>>
    tpu.enqueue_dma source(%dma_start3A_847 : memref<4096xf32, #tpu.memory_space<vmem>>) target(%dma_start3A_845 : memref<4096xf32, #tpu.memory_space<hbm>>) target_semaphore(%arg8 : memref<!tpu.dma_semaphore, #tpu.memory_space<semaphore_mem>>)
    %dma_wait3A_848 = arith.constant 4096 : i32
    %dma_wait3A_849 = tpu.memref_slice %arg7[%dma_wait3A_848] : memref<12288xf32, #tpu.memory_space<vmem>> -> memref<4096xf32, #tpu.memory_space<vmem>>
    %dma_wait3A_850 = arith.constant 4096 : i32
    %dma_wait3A_851 = tpu.memref_slice %arg4[%add3A_749, %dma_wait3A_850] : memref<256x16384xf32, #tpu.memory_space<hbm>> -> memref<1x4096xf32, #tpu.memory_space<hbm>>
    %dma_wait3A_852 = tpu.memref_squeeze %dma_wait3A_851 : memref<1x4096xf32, #tpu.memory_space<hbm>> -> memref<4096xf32, #tpu.memory_space<hbm>>
    %dma_wait3A_853 = arith.constant 4096 : i32
    %dma_wait3A_854 = tpu.memref_slice %arg4[%add3A_749, %dma_wait3A_853] : memref<256x16384xf32, #tpu.memory_space<hbm>> -> memref<1x4096xf32, #tpu.memory_space<hbm>>
    %dma_wait3A_855 = tpu.memref_squeeze %dma_wait3A_854 : memref<1x4096xf32, #tpu.memory_space<hbm>> -> memref<4096xf32, #tpu.memory_space<hbm>>
    %dma_wait3A_856 = arith.constant 4096 : i32
    %dma_wait3A_857 = tpu.memref_slice %arg7[%dma_wait3A_856] : memref<12288xf32, #tpu.memory_space<vmem>> -> memref<4096xf32, #tpu.memory_space<vmem>>
    tpu.wait_dma2 semaphore(%arg8 : memref<!tpu.dma_semaphore, #tpu.memory_space<semaphore_mem>>) src(%dma_wait3A_857 : memref<4096xf32, #tpu.memory_space<vmem>>) dst(%dma_wait3A_855 : memref<4096xf32, #tpu.memory_space<hbm>>)
    %dma_wait3A_858 = arith.constant 8192 : i32
    %dma_wait3A_859 = tpu.memref_slice %arg7[%dma_wait3A_858] : memref<12288xf32, #tpu.memory_space<vmem>> -> memref<4096xf32, #tpu.memory_space<vmem>>
    %dma_wait3A_860 = arith.constant 8192 : i32
    %dma_wait3A_861 = tpu.memref_slice %arg4[%add3A_749, %dma_wait3A_860] : memref<256x16384xf32, #tpu.memory_space<hbm>> -> memref<1x4096xf32, #tpu.memory_space<hbm>>
    %dma_wait3A_862 = tpu.memref_squeeze %dma_wait3A_861 : memref<1x4096xf32, #tpu.memory_space<hbm>> -> memref<4096xf32, #tpu.memory_space<hbm>>
    %dma_wait3A_863 = arith.constant 8192 : i32
    %dma_wait3A_864 = tpu.memref_slice %arg4[%add3A_749, %dma_wait3A_863] : memref<256x16384xf32, #tpu.memory_space<hbm>> -> memref<1x4096xf32, #tpu.memory_space<hbm>>
    %dma_wait3A_865 = tpu.memref_squeeze %dma_wait3A_864 : memref<1x4096xf32, #tpu.memory_space<hbm>> -> memref<4096xf32, #tpu.memory_space<hbm>>
    %dma_wait3A_866 = arith.constant 8192 : i32
    %dma_wait3A_867 = tpu.memref_slice %arg7[%dma_wait3A_866] : memref<12288xf32, #tpu.memory_space<vmem>> -> memref<4096xf32, #tpu.memory_space<vmem>>
    tpu.wait_dma2 semaphore(%arg8 : memref<!tpu.dma_semaphore, #tpu.memory_space<semaphore_mem>>) src(%dma_wait3A_867 : memref<4096xf32, #tpu.memory_space<vmem>>) dst(%dma_wait3A_865 : memref<4096xf32, #tpu.memory_space<hbm>>)
    %dma_wait3A_868 = arith.constant 0 : i32
    %dma_wait3A_869 = tpu.memref_slice %arg7[%dma_wait3A_868] : memref<12288xf32, #tpu.memory_space<vmem>> -> memref<4096xf32, #tpu.memory_space<vmem>>
    %dma_wait3A_870 = arith.constant 12288 : i32
    %dma_wait3A_871 = tpu.memref_slice %arg4[%add3A_749, %dma_wait3A_870] : memref<256x16384xf32, #tpu.memory_space<hbm>> -> memref<1x4096xf32, #tpu.memory_space<hbm>>
    %dma_wait3A_872 = tpu.memref_squeeze %dma_wait3A_871 : memref<1x4096xf32, #tpu.memory_space<hbm>> -> memref<4096xf32, #tpu.memory_space<hbm>>
    %dma_wait3A_873 = arith.constant 12288 : i32
    %dma_wait3A_874 = tpu.memref_slice %arg4[%add3A_749, %dma_wait3A_873] : memref<256x16384xf32, #tpu.memory_space<hbm>> -> memref<1x4096xf32, #tpu.memory_space<hbm>>
    %dma_wait3A_875 = tpu.memref_squeeze %dma_wait3A_874 : memref<1x4096xf32, #tpu.memory_space<hbm>> -> memref<4096xf32, #tpu.memory_space<hbm>>
    %dma_wait3A_876 = arith.constant 0 : i32
    %dma_wait3A_877 = tpu.memref_slice %arg7[%dma_wait3A_876] : memref<12288xf32, #tpu.memory_space<vmem>> -> memref<4096xf32, #tpu.memory_space<vmem>>
    tpu.wait_dma2 semaphore(%arg8 : memref<!tpu.dma_semaphore, #tpu.memory_space<semaphore_mem>>) src(%dma_wait3A_877 : memref<4096xf32, #tpu.memory_space<vmem>>) dst(%dma_wait3A_875 : memref<4096xf32, #tpu.memory_space<hbm>>)
    return
  }
}

</mosaic_0001>

<sc_bundles>
// kernel: kernel.3.cloned.1.call-start
scs
__scs_entry_jumppad:
0x0: {  	(pc) =	sbr.rel $0x88, $3  }
0x1: {  	(tag) =	ssettag $0x0;
	lr =	simm.s32 $0x1  }
0x2: {  	[smem:$0x3F9F] =	sst lr;
	_ =	strace $0xD0000000  }
0x3: {  	_ = 	snop  }
0x4: {  	_ = 	snop  }
0x5: {  	_ = 	snop  }
0x6: {  	_ = 	snop  }
0x7: {  	_ = 	snop  }
__scs_overlays_trampoline_lowered:
0x8: {  	[smem:$0x3FAE] =	sst s0  }
0x9: {  	[smem:$0x3FAF] =	sst s1  }
0xa: {  	[smem:$0x3FB0] =	sst s2  }
0xb: {  	[smem:$0x3FB1] =	sst s3  }
0xc: {  	[smem:$0x3FB2] =	sst s4  }
0xd: {  	[smem:$0x3FB3] =	sst s5  }
0xe: {  	[smem:$0x3FB4] =	sst s6  }
0xf: {  	[smem:$0x3FB5] =	sst s7  }
0x10: {  	[smem:$0x3FB6] =	sst s8  }
0x11: {  	[smem:$0x3FB7] =	sst s9;
	s0 =	simm.s32 @!p0 $0x0  }
0x12: {  	s1 =	sld [smem:$0x3F9D];
	s0 =	simm.s32 @p0 $0x1  }
0x13: {  	[smem:$0x3FB8] =	sst s0;
	s0 =	simm.s32 @!p1 $0x0  }
0x14: {  	s2 =	sld [smem:$0x3F9C];
	s0 =	simm.s32 @p1 $0x1  }
0x15: {  	[smem:$0x3FB9] =	sst s0;
	s0 =	simm.s32 @!p2 $0x0  }
0x16: {  	s3 =	sld [smem:$0x3FDB];
	s0 =	simm.s32 @p2 $0x1  }
0x17: {  	s4 =	simm.s32 $0x1BF5;
	[smem:$0x3FBB] =	sst s0  }
0x18: {  	s0 =	sld [smem:$0x3F9E];
	_ =	swait.ge [sflag:s4], $0x0  }
0x19: {  	s7 =	sld [smem:$0x3F9F]  }
0x1a: {  	s8 =	sadd.s32 $0xFFFFE003, lr  }
0x1b: {  	s9 =	sadd.s32 $0xFFFFFEF7, lr;
	s5 =	simm.s32 $0xFFFFFFFF;
	p2 =	slt.u32 s8, $0xFFFFF086  }
0x1c: {  	p1 =	slt.u32 s9, $0xF7A;
	s5 =	simm.s32 @!p2 $0x0  }
0x1d: {  	s5 =	simm.s32 @p1 $0x1;
	p0 =	seq.s32 s7, s2  }
0x1e: {  	s7 =	smul.u32 @!p0 $0xF7A, s2;
	p2 =	seq.s32 @!p0 s5, $0x0  }
0x1f: {  	s9 =	smul.u32 $0xF7A, s1;
	s8 =	simm.s32 @!p0 $0x1BF5;
	p2 =	por !p2, p0  }
0x20: {  	[sflag:s8] =	ssyncset.s32 @!p0 $0xFFFFF086;
	s6 =	sadd.s32 @!p0 s3, s7;
	s7 =	simm.s32 @!p0 $0x108  }
0x21: {  	s3 =	sadd.s32 s3, s9;
	s6 =	sadd.s32 @!p0 $0x88, s6;
	s7 =	simm.s32 @p2 $0x1082  }
0x22: {  	[simem:s7], [sflag:s8] =	dma.local @!p0 [hbm:s6], $0xF7A  }
0x23: {  	s9 =	sor.u32 $0xD0000000, s2;
	s6 =	simm.s32 $0x108;
	_ =	swait.ge @!p0 [sflag:s8], $0x0  }
0x24: {  	s3 =	sadd.s32 $0x88, s3;
	s6 =	simm.s32 @!p1 $0x1082;
	[sflag:s4] =	ssyncset.s32 $0xFFFFF086  }
0x25: {  	[simem:s6], [sflag:s4] =	dma.local [hbm:s3], $0xF7A  }
0x26: {  	[smem:$0x3F9F] =	sst s1;
	(tag) =	ssettag s2;
	_ =	strace s9  }
0x27: {  	s1 =	sld [smem:$0x3FAF]  }
0x28: {  	s2 =	sld [smem:$0x3FB0]  }
0x29: {  	s4 =	sld [smem:$0x3FB2]  }
0x2a: {  	p0 =	seq.s32 s5, $0x0;
	s5 =	sld [smem:$0x3FB3]  }
0x2b: {  	s6 =	sld [smem:$0x3FB4]  }
0x2c: {  	s7 =	sld [smem:$0x3FB5]  }
0x2d: {  	s3 =	simm.s32 $0x108;
	s8 =	sld [smem:$0x3FB6]  }
0x2e: {  	s3 =	simm.s32 @!p0 $0x1082;
	s9 =	sld [smem:$0x3FB7]  }
0x2f: {  	lr =	sadd.s32 s0, s3;
	s0 =	sld [smem:$0x3FAE]  }
0x30: {  	s3 =	sld [smem:$0x3FB1]  }
0x31: {  	[smem:$0x3FBA] =	sst s10  }
0x32: {  	s10 =	sld [smem:$0x3FB8];
	_ =	sdelay $0x3  }
0x33: {  	p0 =	seq.s32 s10, $0x1;
	s10 =	sld [smem:$0x3FBA];
	_ =	sdelay $0x3  }
0x34: {  	[smem:$0x3FBA] =	sst s10  }
0x35: {  	s10 =	sld [smem:$0x3FB9];
	_ =	sdelay $0x3  }
0x36: {  	p1 =	seq.s32 s10, $0x1;
	s10 =	sld [smem:$0x3FBA];
	_ =	sdelay $0x3  }
0x37: {  	[smem:$0x3FBA] =	sst s10  }
0x38: {  	s10 =	sld [smem:$0x3FBB]  }
0x39: {  	_ = 	snop;
	(pc) =	sbr.ind lr, $3  }
0x3a: {  	_ = 	snop  }
0x3b: {  	_ = 	snop  }
0x3c: {  	p2 =	seq.s32 s10, $0x1;
	s10 =	sld [smem:$0x3FBA]  }
0x3d: {  	_ =	shalt  }
0x3e: {  	_ =	shalt  }
0x3f: {  	_ =	shalt  }
0x40: {  	_ =	shalt  }
0x41: {  	_ =	shalt  }
0x42: {  	_ =	shalt  }
0x43: {  	_ =	shalt  }
0x44: {  	_ =	shalt  }
0x45: {  	_ =	shalt  }
0x46: {  	_ =	shalt  }
0x47: {  	_ =	shalt  }
0x48: {  	_ =	shalt  }
0x49: {  	_ =	shalt  }
0x4a: {  	_ =	shalt  }
0x4b: {  	_ =	shalt  }
0x4c: {  	_ =	shalt  }
0x4d: {  	_ =	shalt  }
0x4e: {  	_ =	shalt  }
0x4f: {  	_ =	shalt  }
0x50: {  	_ =	shalt  }
0x51: {  	_ =	shalt  }
0x52: {  	_ =	shalt  }
0x53: {  	_ =	shalt  }
0x54: {  	_ =	shalt  }
0x55: {  	_ =	shalt  }
0x56: {  	_ =	shalt  }
0x57: {  	_ =	shalt  }
0x58: {  	_ =	shalt  }
0x59: {  	_ =	shalt  }
0x5a: {  	_ =	shalt  }
0x5b: {  	_ =	shalt  }
0x5c: {  	_ =	shalt  }
0x5d: {  	_ =	shalt  }
0x5e: {  	_ =	shalt  }
0x5f: {  	_ =	shalt  }
0x60: {  	_ =	shalt  }
0x61: {  	_ =	shalt  }
0x62: {  	_ =	shalt  }
0x63: {  	_ =	shalt  }
0x64: {  	_ =	shalt  }
0x65: {  	_ =	shalt  }
0x66: {  	_ =	shalt  }
0x67: {  	_ =	shalt  }
0x68: {  	_ =	shalt  }
0x69: {  	_ =	shalt  }
0x6a: {  	_ =	shalt  }
0x6b: {  	_ =	shalt  }
0x6c: {  	_ =	shalt  }
0x6d: {  	_ =	shalt  }
0x6e: {  	_ =	shalt  }
0x6f: {  	_ =	shalt  }
0x70: {  	_ =	shalt  }
0x71: {  	_ =	shalt  }
0x72: {  	_ =	shalt  }
0x73: {  	_ =	shalt  }
0x74: {  	_ =	shalt  }
0x75: {  	_ =	shalt  }
0x76: {  	_ =	shalt  }
0x77: {  	_ =	shalt  }
0x78: {  	_ =	shalt  }
0x79: {  	_ =	shalt  }
0x7a: {  	_ =	shalt  }
0x7b: {  	_ =	shalt  }
0x7c: {  	_ =	shalt  }
0x7d: {  	_ =	shalt  }
0x7e: {  	_ =	shalt  }
0x7f: {  	_ =	shalt  }
0x80: {  	_ =	shalt  }
0x81: {  	_ =	shalt  }
0x82: {  	_ =	shalt  }
0x83: {  	_ =	shalt  }
0x84: {  	_ =	shalt  }
0x85: {  	_ =	shalt  }
0x86: {  	_ =	shalt  }
0x87: {  	_ =	shalt  }
.Lfunc_end0:
.L_simem_size_0:
called_computation_lowered:
.L_overlay_start_0:
0x88: {  	s2 =	sld [smem:$0x3FD9]  }
0x89: {  	s3 =	sld [smem:$0x3FFE];
	_ =	sdelay $0x1  }
0x8a: {  	s1 =	srdreg.scid  }
0x8b: {  	s0 =	sand.u32 $0x1, s1  }
0x8c: {  	s18 =	sshll.u32 s0, $0xA;
	s2 =	sadd.s32 s3, s2  }
0x8d: {  	s2 =	sadd.s32 s2, s18  }
0x8e: {  	[smem:$0x3FC6] =	sst s2  }
0x8f: {  	_ = 	snop  }
0x90: {  	s2 =	sld [smem:$0x3FC9]  }
0x91: {  	s19 =	sld [smem:$0x3FC8]  }
0x92: {  	s4 =	sld [smem:$0x3FD0];
	(tm) =	ssettm $0x1  }
0x93: {  	s5 =	sld [smem:$0x3FFB];
	_ =	sdelay $0x3  }
0x94: {  	_ =	strace s5  }
0x95: {  	s5 =	sld [smem:$0x3FFC];
	_ =	sdelay $0x3  }
0x96: {  	_ =	strace s5  }
0x97: {  	s5 =	sld [smem:$0x3FFD];
	_ =	sdelay $0x3  }
0x98: {  	_ =	strace s5  }
0x99: {  	_ =	strace $0x8FFFFFFF  }
0x9a: {  	s20 =	sld [smem:$0x3FDB];
	_ =	sdelay $0x1  }
0x9b: {  	s6 =	simm.s32 $_scs_section_size  }
0x9c: {  	s7 =	simm.s32 $_size__tile_overlayer_lowered;
	s8 =	simm.s32 $_tile_overlayer_lowered  }
0x9d: {  	s23 =	simm.s32 $0x1BFF;
	s22 =	sshll.u32 s8, $0x1;
	s5 =	sadd.s32 s6, s20  }
0x9e: {  	s9 =	simm.s32 $0x0;
	s21 =	sshll.u32 s7, $0x1;
	s7 =	sadd.s32 s22, s5  }
0x9f: {  	[timem:s9], [sflag:s23] =	dma.local [hbm:s7], s21  }
0xa0: {  	_ =	swait.ge [sflag:s23], s21  }
0xa1: {  	s6 =	ssub.s32 $0x0, s21;
	[sflag:s23] =	ssyncset.done $0x0  }
0xa2: {  	[sflag:s23] =	ssyncadd.s32 s6;
	_ =	sdelay $0x1  }
0xa3: {  	s24 =	simm.s32 $0x1B8B  }
0xa4: {  	_ =	swait.ge [sflag:s24], $0x1  }
0xa5: {  	[sflag:s24] =	ssyncset.done $0x0  }
0xa6: {  	s25 =	simm.s32 $0x1B8E;
	[sflag:s24] =	ssyncadd.s32 $0xFFFFFFFF  }
0xa7: {  	s26 =	simm.s32 $execute0_lowered;
	[smem:$0x3FD2] =	sst s25  }
0xa8: {  	s6 =	sshll.u32 s26, $0x1;
	_ =	strace $0x80000046;
	[dreg:$0x1] =	wrdreg $0xFFFFFFFF  }
0xa9: {  	s28 =	simm.s32 $_size_execute0_lowered;
	s5 =	sadd.s32 s5, s6;
	[dreg:$0x0] =	wrdreg $0x0  }
0xaa: {  	s6 =	sshll.u32 s28, $0x1;
	[dreg:$0x2] =	wrdreg s5  }
0xab: {  	[dreg:$0x3] =	wrdreg s6  }
0xac: {  	[dreg:$0x4] =	wrdreg $0xC0  }
0xad: {  	_ =	task [dreg:s9], $0x5FFFF  }
0xae: {  	[dreg:$0x1] =	wrdreg $0xFFFFFFFF  }
0xaf: {  	[dreg:$0x0] =	wrdreg $0x60  }
0xb0: {  	[dreg:$0x2] =	wrdreg s2  }
0xb1: {  	[dreg:$0x3] =	wrdreg s19  }
0xb2: {  	[dreg:$0x4] =	wrdreg s4  }
0xb3: {  	[dreg:$0x5] =	wrdreg $0x9  }
0xb4: {  	_ =	task.clear_ibuf [dreg:s9], $0x6FFFF;
	_ =	strace $0x90000046  }
0xb5: {  	s29 =	simm.s32 $0x9;
	_ =	strace $0x80000048  }
0xb6: {  	_ =	swait.ge [sflag:s29], $0x1  }
0xb7: {  	[sflag:s29] =	ssyncadd.s32 $0xFFFFFFFF  }
0xb8: {  	_ =	strace $0x90000048  }
0xb9: {  	_ =	sfence  }
0xba: {  	s30 =	sld [smem:$0x0];
	_ =	sdelay $0x2  }
0xbb: {  	s31 =	sshll.u32 s1, $0xD;
	s1 =	sshrl.u32 s1, $0x2  }
0xbc: {  	s3 =	sand.u32 $0x4000, s31;
	s1 =	sadd.s32 s1, s30  }
0xbd: {  	s0 =	sor.u32 s3, s0;
	s1 =	sshll.u32 s1, $0x11  }
0xbe: {  	s0 =	sor.u32 s1, s0  }
0xbf: {  	s0 =	sadd.s32 $0x8F2B, s0  }
0xc0: {  	[sflag:s0] =	ssyncadd.remote.s32 $0x1  }
0xc1: {  	_ =	sfence.sel $0xFFFF  }
0xc2: {  	[dreg:$0x0] =	wrdreg $0xFFFFFFFF;
	(pc) =	sbr.abs _section_cstart, $3  }
0xc3: {  	[dreg:$0x1] =	wrdreg $0xFFFFFFFF  }
0xc4: {  	_ =	task.clear_ibuf [dreg:s9], $0x2FFFF;
	_ =	strace $0x9FFFFFFF  }
0xc5: {  	(tm) =	ssettm $0x7FFFFFFF  }
tec
execute0_lowered:
.L_overlay_start_1:
0x0: {  	(tag) =	ssettag $0x1  }
0x1: {  	s0 =	srdreg.scid;
	s1 =	rddreg [dreg:$0x0]  }
0x2: {  	s2 =	stileid.u32;
	s5 =	rddreg [dreg:$0x2];
	s0 =	sand.u32 $0x1, s0  }
0x3: {  	s2 =	sshll.u32 s2, $0x4;
	s3 =	sshll.u32 s0, $0x3;
	s0 =	ssub.s32 $0x2, s0  }
0x4: {  	s4 =	simm.s32 $0x0;
	s2 =	sor.u32 s3, s2;
	s6 =	sshrl.u32 s0, $0x1  }
0x5: {  	s3 =	sshrl.u32 s2, $0x3;
	s2 =	sshll.u32 s2, $0xB;
	s0 =	ssub.s32 s0, s6  }
0x6: {  	[smem:$0x7FF] =	sst s4;
	s5 =	sadd.s32 s5, s2;
	s0 =	smax.u32 s0, $0x1  }
0x7: {  	_ =	strace $0x80000047;
	s7 =	sadd.s32 $0x1000, s5;
	[dreg:$0x17] =	wrdreg s0  }
0x8: {  	s8 =	sadd.s32 $0x2000, s5;
	[dreg:$0x4] =	wrdreg s7  }
0x9: {  	s9 =	sadd.s32 $0x3000, s5;
	[dreg:$0x5] =	wrdreg s8  }
0xa: {  	s11 =	sadd.s32 $0x10, s5;
	[dreg:$0x6] =	wrdreg s9  }
0xb: {  	s12 =	sadd.s32 $0x1010, s5;
	[dreg:$0x8] =	wrdreg s11  }
0xc: {  	s13 =	sadd.s32 $0x2010, s5;
	[dreg:$0x9] =	wrdreg s12  }
0xd: {  	s14 =	sadd.s32 $0x3010, s5;
	[dreg:$0xa] =	wrdreg s13  }
0xe: {  	s16 =	sadd.s32 $0x20, s5;
	[dreg:$0xb] =	wrdreg s14  }
0xf: {  	s17 =	sadd.s32 $0x1020, s5;
	[dreg:$0xd] =	wrdreg s16  }
0x10: {  	s18 =	sadd.s32 $0x2020, s5;
	[dreg:$0xe] =	wrdreg s17  }
0x11: {  	s19 =	sadd.s32 $0x3020, s5;
	[dreg:$0xf] =	wrdreg s18  }
0x12: {  	s21 =	sadd.s32 $0x30, s5;
	[dreg:$0x10] =	wrdreg s19  }
0x13: {  	s22 =	sadd.s32 $0x1030, s5;
	[dreg:$0x12] =	wrdreg s21  }
0x14: {  	s3 =	smul.u32 $0x18700, s3;
	s23 =	sadd.s32 $0x2030, s5;
	[dreg:$0x13] =	wrdreg s22  }
0x15: {  	s24 =	sadd.s32 $0x3030, s5;
	s26 =	sadd.s32 $0x40, s5;
	[dreg:$0x14] =	wrdreg s23  }
0x16: {  	s28 =	sadd.s32 $0x1040, s5;
	s29 =	sadd.s32 $0x2040, s5;
	[dreg:$0x15] =	wrdreg s24  }
0x17: {  	s30 =	sadd.s32 $0x3040, s5;
	s0 =	sadd.s32 $0x1050, s5;
	[dreg:$0x18] =	wrdreg s26  }
0x18: {  	s2 =	sadd.s32 $0x2050, s5;
	s4 =	sadd.s32 s1, s3;
	[dreg:$0x19] =	wrdreg s28  }
0x19: {  	s1 =	sadd.s32 $0x50, s5;
	s3 =	sadd.s32 $0x3050, s5;
	s7 =	sadd.s32 $0x60, s5  }
0x1a: {  	s8 =	sadd.s32 $0x1060, s5;
	s9 =	sadd.s32 $0x2060, s5;
	s12 =	sadd.s32 $0x70, s5  }
0x1b: {  	s13 =	sadd.s32 $0x1070, s5;
	s14 =	sadd.s32 $0x2070, s5;
	s16 =	simm.s32 $0x80  }
0x1c: {  	s17 =	simm.s32 $0x400;
	s18 =	simm.s32 $0x4000;
	s19 =	simm.s32 $0x2  }
0x1d: {  	s21 =	simm.s32 $0x1D700;
	s22 =	simm.s32 $0x1E700;
	s10 =	sadd.s32 $0x10, s4  }
0x1e: {  	s23 =	simm.s32 $0x1;
	s15 =	sadd.s32 $0x20, s4;
	[dreg:$0x7] =	wrdreg s10  }
0x1f: {  	s24 =	simm.s32 $0x0;
	s20 =	sadd.s32 $0x30, s4;
	[dreg:$0xc] =	wrdreg s15  }
0x20: {  	s25 =	sadd.s32 $0x40, s4;
	s31 =	sadd.s32 $0x50, s4;
	[dreg:$0x11] =	wrdreg s20  }
0x21: {  	s6 =	sadd.s32 $0x60, s4;
	s11 =	sadd.s32 $0x70, s4;
	[dreg:$0x16] =	wrdreg s25  }
0x22: {  	s10 =	sadd.s32 $0x3060, s5;
	s15 =	sadd.s32 $0x3070, s5;
	s20 =	simm.s32 $0x1C700  }
.LBB2_1:
0x23: {  	s25 =	rddreg [dreg:$0x1];
	s26 =	simm.s32 $0x0  }
0x24: {  	[tilespmem:s26], [sflag:$0x2] =	stream.linear.gather [hbm4b:s25+s26], $0x4000, $0x38;
	[tilespmem:$0x1F700] =	vst v63  }
0x25: {  	_ = 	snop  }
0x26: {  	[tilespmem:s18], [sflag:$0x2] =	stream.strided.gather [hbm4b:s4+s16], $0x18700, s17, s16, $0x38;
	[tilespmem:$0x1F700] =	vst v63  }
0x27: {  	_ =	swait.ge [sflag:s19], $0x4000  }
0x28: {  	[sflag:s19] =	ssyncset.done $0x0  }
0x29: {  	[sflag:s19] =	ssyncadd.s32 $0xFFFFC000  }
0x2a: {  	_ =	swait.ge [sflag:s19], $0x18700  }
0x2b: {  	[sflag:s19] =	ssyncset.done $0x0  }
0x2c: {  	s26 =	simm.s32 $0x40;
	[sflag:s19] =	ssyncadd.s32 $0xFFFE7900  }
0x2d: {  	v0 =	vld [tilespmem:s26+$0x30]  }
0x2e: {  	v1 =	vld [tilespmem:s26+$0xFFFFFFD0]  }
0x2f: {  	v2 =	vld [tilespmem:s26+$0xFFFFFFE0]  }
0x30: {  	v3 =	vld [tilespmem:s26+$0xFFFFFFF0]  }
0x31: {  	v4 =	vld [tilespmem:s26+$0x0]  }
0x32: {  	v6 =	vld [tilespmem:s26+$0x10]  }
0x33: {  	v7 =	vld [tilespmem:s26+$0x20]  }
0x34: {  	v8 =	vld [tilespmem:s26+$0xFFFFFFC0]  }
0x35: {  	v9 =	vld.idx.msk [tilespmem:v0+s18+$0x0], $0xffff  }
0x36: {  	v10 =	vld.idx.msk [tilespmem:v1+s18+$0x0], $0xffff  }
0x37: {  	v5 =	vld.idx.msk [tilespmem:v2+s18+$0x0], $0xffff  }
0x38: {  	v3 =	vld.idx.msk [tilespmem:v3+s18+$0x0], $0xffff  }
0x39: {  	v0 =	vld.idx.msk [tilespmem:v4+s18+$0x0], $0xffff  }
0x3a: {  	s25 =	simm.s32 $0x1C740;
	v1 =	vld.idx.msk [tilespmem:v6+s18+$0x0], $0xffff  }
0x3b: {  	v2 =	vld.idx.msk [tilespmem:v7+s18+$0x0], $0xffff;
	[tilespmem:s25+$0x30] =	vst v9  }
0x3c: {  	s28 =	simm.s32 $0xC0;
	s26 =	simm.s32 $0x0;
	v4 =	vld.idx.msk [tilespmem:v8+s18+$0x0], $0xffff;
	[tilespmem:s25+$0xFFFFFFD0] =	vst v10  }
.LBB2_2:
0x3d: {  	v6 =	vld [tilespmem:s28+$0x30];
	s26 =	sadd.s32 $0x80, s26;
	[tilespmem:s25+$0xFFFFFFE0] =	vst v5  }
0x3e: {  	v5 =	vld [tilespmem:s28+$0xFFFFFFD0];
	p0 =	slt.u32 s26, $0xF80;
	[tilespmem:s25+$0xFFFFFFF0] =	vst v3  }
0x3f: {  	v3 =	vld [tilespmem:s28+$0xFFFFFFE0];
	[tilespmem:s25+$0x0] =	vst v0  }
0x40: {  	v0 =	vld [tilespmem:s28+$0xFFFFFFF0];
	[tilespmem:s25+$0x10] =	vst v1  }
0x41: {  	v1 =	vld [tilespmem:s28+$0x0];
	[tilespmem:s25+$0x20] =	vst v2  }
0x42: {  	v2 =	vld [tilespmem:s28+$0x10];
	[tilespmem:s25+$0xFFFFFFC0] =	vst v4  }
0x43: {  	v4 =	vld [tilespmem:s28+$0x20]  }
0x44: {  	v7 =	vld [tilespmem:s28+$0xFFFFFFC0]  }
0x45: {  	v6 =	vld.idx.msk [tilespmem:v6+s18+$0x0], $0xffff  }
0x46: {  	v8 =	vld.idx.msk [tilespmem:v5+s18+$0x0], $0xffff  }
0x47: {  	v5 =	vld.idx.msk [tilespmem:v3+s18+$0x0], $0xffff  }
.Ltmp0:
0x48: {  	v3 =	vld.idx.msk [tilespmem:v0+s18+$0x0], $0xffff;
	(pc) =	sbr.rel @p0 .LBB2_2-.Ltmp0, $4  }
0x49: {  	v0 =	vld.idx.msk [tilespmem:v1+s18+$0x0], $0xffff  }
0x4a: {  	s25 =	sadd.s32 $0x80, s25;
	v1 =	vld.idx.msk [tilespmem:v2+s18+$0x0], $0xffff  }
0x4b: {  	v2 =	vld.idx.msk [tilespmem:v4+s18+$0x0], $0xffff;
	[tilespmem:s25+$0x30] =	vst v6  }
0x4c: {  	s28 =	sadd.s32 $0x80, s28;
	v4 =	vld.idx.msk [tilespmem:v7+s18+$0x0], $0xffff;
	[tilespmem:s25+$0xFFFFFFD0] =	vst v8  }
0x4d: {  	[tilespmem:s25+$0xFFFFFFE0] =	vst v5  }
0x4e: {  	[tilespmem:s25+$0xFFFFFFF0] =	vst v3  }
0x4f: {  	[tilespmem:s25+$0x0] =	vst v0  }
0x50: {  	[tilespmem:s25+$0x10] =	vst v1  }
0x51: {  	[tilespmem:s25+$0x20] =	vst v2  }
0x52: {  	s26 =	simm.s32 $0x1070;
	[tilespmem:s25+$0xFFFFFFC0] =	vst v4  }
0x53: {  	[hbm4b:s5+s16] =	stream.strided.scatter [tilespmem:s20], [sflag:$0x1], $0x1000, s17, s16, $0x38;
	[tilespmem:$0x1F700] =	vst v63  }
0x54: {  	v0 =	vld [tilespmem:s26+$0x0]  }
0x55: {  	v1 =	vld [tilespmem:s26+$0xFFFFFFA0]  }
0x56: {  	v2 =	vld [tilespmem:s26+$0xFFFFFFB0]  }
0x57: {  	v3 =	vld [tilespmem:s26+$0xFFFFFFC0]  }
0x58: {  	v4 =	vld [tilespmem:s26+$0xFFFFFFD0]  }
0x59: {  	v6 =	vld [tilespmem:s26+$0xFFFFFFE0]  }
0x5a: {  	v7 =	vld [tilespmem:s26+$0xFFFFFFF0]  }
0x5b: {  	v8 =	vld [tilespmem:s26+$0xFFFFFF90]  }
0x5c: {  	v9 =	vld.idx.msk [tilespmem:v0+s18+$0x0], $0xffff  }
0x5d: {  	v10 =	vld.idx.msk [tilespmem:v1+s18+$0x0], $0xffff  }
0x5e: {  	v5 =	vld.idx.msk [tilespmem:v2+s18+$0x0], $0xffff  }
0x5f: {  	v3 =	vld.idx.msk [tilespmem:v3+s18+$0x0], $0xffff  }
0x60: {  	v0 =	vld.idx.msk [tilespmem:v4+s18+$0x0], $0xffff  }
0x61: {  	s25 =	simm.s32 $0x1D770;
	v1 =	vld.idx.msk [tilespmem:v6+s18+$0x0], $0xffff  }
0x62: {  	v2 =	vld.idx.msk [tilespmem:v7+s18+$0x0], $0xffff;
	[tilespmem:s25+$0x0] =	vst v9  }
0x63: {  	s28 =	simm.s32 $0x10F0;
	s26 =	simm.s32 $0x0;
	v4 =	vld.idx.msk [tilespmem:v8+s18+$0x0], $0xffff;
	[tilespmem:s25+$0xFFFFFFA0] =	vst v10  }
.LBB2_4:
0x64: {  	v6 =	vld [tilespmem:s28+$0x0];
	s26 =	sadd.s32 $0x80, s26;
	[tilespmem:s25+$0xFFFFFFB0] =	vst v5  }
0x65: {  	v5 =	vld [tilespmem:s28+$0xFFFFFFA0];
	p0 =	slt.u32 s26, $0xF80;
	[tilespmem:s25+$0xFFFFFFC0] =	vst v3  }
0x66: {  	v3 =	vld [tilespmem:s28+$0xFFFFFFB0];
	[tilespmem:s25+$0xFFFFFFD0] =	vst v0  }
0x67: {  	v0 =	vld [tilespmem:s28+$0xFFFFFFC0];
	[tilespmem:s25+$0xFFFFFFE0] =	vst v1  }
0x68: {  	v1 =	vld [tilespmem:s28+$0xFFFFFFD0];
	[tilespmem:s25+$0xFFFFFFF0] =	vst v2  }
0x69: {  	v2 =	vld [tilespmem:s28+$0xFFFFFFE0];
	[tilespmem:s25+$0xFFFFFF90] =	vst v4  }
0x6a: {  	v4 =	vld [tilespmem:s28+$0xFFFFFFF0]  }
0x6b: {  	v7 =	vld [tilespmem:s28+$0xFFFFFF90]  }
0x6c: {  	v6 =	vld.idx.msk [tilespmem:v6+s18+$0x0], $0xffff  }
0x6d: {  	v8 =	vld.idx.msk [tilespmem:v5+s18+$0x0], $0xffff  }
0x6e: {  	v5 =	vld.idx.msk [tilespmem:v3+s18+$0x0], $0xffff  }
.Ltmp1:
0x6f: {  	v3 =	vld.idx.msk [tilespmem:v0+s18+$0x0], $0xffff;
	(pc) =	sbr.rel @p0 .LBB2_4-.Ltmp1, $4  }
0x70: {  	v0 =	vld.idx.msk [tilespmem:v1+s18+$0x0], $0xffff  }
0x71: {  	s25 =	sadd.s32 $0x80, s25;
	v1 =	vld.idx.msk [tilespmem:v2+s18+$0x0], $0xffff  }
0x72: {  	v2 =	vld.idx.msk [tilespmem:v4+s18+$0x0], $0xffff;
	[tilespmem:s25+$0x0] =	vst v6  }
0x73: {  	s28 =	sadd.s32 $0x80, s28;
	v4 =	vld.idx.msk [tilespmem:v7+s18+$0x0], $0xffff;
	[tilespmem:s25+$0xFFFFFFA0] =	vst v8  }
0x74: {  	[tilespmem:s25+$0xFFFFFFB0] =	vst v5  }
0x75: {  	[tilespmem:s25+$0xFFFFFFC0] =	vst v3  }
0x76: {  	[tilespmem:s25+$0xFFFFFFD0] =	vst v0  }
0x77: {  	[tilespmem:s25+$0xFFFFFFE0] =	vst v1  }
0x78: {  	[tilespmem:s25+$0xFFFFFFF0] =	vst v2  }
0x79: {  	[tilespmem:s25+$0xFFFFFF90] =	vst v4  }
0x7a: {  	s26 =	simm.s32 $0x2070;
	s25 =	rddreg [dreg:$0x4]  }
0x7b: {  	[hbm4b:s25+s16] =	stream.strided.scatter [tilespmem:s21], [sflag:$0x1], $0x1000, s17, s16, $0x38;
	[tilespmem:$0x1F700] =	vst v63  }
0x7c: {  	v0 =	vld [tilespmem:s26+$0x0]  }
0x7d: {  	v1 =	vld [tilespmem:s26+$0xFFFFFFA0]  }
0x7e: {  	v2 =	vld [tilespmem:s26+$0xFFFFFFB0]  }
0x7f: {  	v3 =	vld [tilespmem:s26+$0xFFFFFFC0]  }
0x80: {  	v4 =	vld [tilespmem:s26+$0xFFFFFFD0]  }
0x81: {  	v6 =	vld [tilespmem:s26+$0xFFFFFFE0]  }
0x82: {  	v7 =	vld [tilespmem:s26+$0xFFFFFFF0]  }
0x83: {  	v8 =	vld [tilespmem:s26+$0xFFFFFF90]  }
0x84: {  	v9 =	vld.idx.msk [tilespmem:v0+s18+$0x0], $0xffff  }
0x85: {  	v10 =	vld.idx.msk [tilespmem:v1+s18+$0x0], $0xffff  }
0x86: {  	v5 =	vld.idx.msk [tilespmem:v2+s18+$0x0], $0xffff  }
0x87: {  	v3 =	vld.idx.msk [tilespmem:v3+s18+$0x0], $0xffff  }
0x88: {  	v0 =	vld.idx.msk [tilespmem:v4+s18+$0x0], $0xffff  }
0x89: {  	s25 =	simm.s32 $0x1E770;
	v1 =	vld.idx.msk [tilespmem:v6+s18+$0x0], $0xffff  }
0x8a: {  	v2 =	vld.idx.msk [tilespmem:v7+s18+$0x0], $0xffff;
	[tilespmem:s25+$0x0] =	vst v9  }
0x8b: {  	s28 =	simm.s32 $0x20F0;
	s26 =	simm.s32 $0x0;
	v4 =	vld.idx.msk [tilespmem:v8+s18+$0x0], $0xffff;
	[tilespmem:s25+$0xFFFFFFA0] =	vst v10  }
.LBB2_6:
0x8c: {  	v6 =	vld [tilespmem:s28+$0x0];
	s26 =	sadd.s32 $0x80, s26;
	[tilespmem:s25+$0xFFFFFFB0] =	vst v5  }
0x8d: {  	v5 =	vld [tilespmem:s28+$0xFFFFFFA0];
	p0 =	slt.u32 s26, $0xF80;
	[tilespmem:s25+$0xFFFFFFC0] =	vst v3  }
0x8e: {  	v3 =	vld [tilespmem:s28+$0xFFFFFFB0];
	[tilespmem:s25+$0xFFFFFFD0] =	vst v0  }
0x8f: {  	v0 =	vld [tilespmem:s28+$0xFFFFFFC0];
	[tilespmem:s25+$0xFFFFFFE0] =	vst v1  }
0x90: {  	v1 =	vld [tilespmem:s28+$0xFFFFFFD0];
	[tilespmem:s25+$0xFFFFFFF0] =	vst v2  }
0x91: {  	v2 =	vld [tilespmem:s28+$0xFFFFFFE0];
	[tilespmem:s25+$0xFFFFFF90] =	vst v4  }
0x92: {  	v4 =	vld [tilespmem:s28+$0xFFFFFFF0]  }
0x93: {  	v7 =	vld [tilespmem:s28+$0xFFFFFF90]  }
0x94: {  	v6 =	vld.idx.msk [tilespmem:v6+s18+$0x0], $0xffff  }
0x95: {  	v8 =	vld.idx.msk [tilespmem:v5+s18+$0x0], $0xffff  }
0x96: {  	v5 =	vld.idx.msk [tilespmem:v3+s18+$0x0], $0xffff  }
.Ltmp2:
0x97: {  	v3 =	vld.idx.msk [tilespmem:v0+s18+$0x0], $0xffff;
	(pc) =	sbr.rel @p0 .LBB2_6-.Ltmp2, $4  }
0x98: {  	v0 =	vld.idx.msk [tilespmem:v1+s18+$0x0], $0xffff  }
0x99: {  	s25 =	sadd.s32 $0x80, s25;
	v1 =	vld.idx.msk [tilespmem:v2+s18+$0x0], $0xffff  }
0x9a: {  	v2 =	vld.idx.msk [tilespmem:v4+s18+$0x0], $0xffff;
	[tilespmem:s25+$0x0] =	vst v6  }
0x9b: {  	s28 =	sadd.s32 $0x80, s28;
	v4 =	vld.idx.msk [tilespmem:v7+s18+$0x0], $0xffff;
	[tilespmem:s25+$0xFFFFFFA0] =	vst v8  }
0x9c: {  	[tilespmem:s25+$0xFFFFFFB0] =	vst v5  }
0x9d: {  	[tilespmem:s25+$0xFFFFFFC0] =	vst v3  }
0x9e: {  	[tilespmem:s25+$0xFFFFFFD0] =	vst v0  }
0x9f: {  	[tilespmem:s25+$0xFFFFFFE0] =	vst v1  }
0xa0: {  	[tilespmem:s25+$0xFFFFFFF0] =	vst v2  }
0xa1: {  	[tilespmem:s25+$0xFFFFFF90] =	vst v4  }
0xa2: {  	s25 =	rddreg [dreg:$0x5]  }
0xa3: {  	[hbm4b:s25+s16] =	stream.strided.scatter [tilespmem:s22], [sflag:$0x1], $0x1000, s17, s16, $0x38;
	[tilespmem:$0x1F700] =	vst v63  }
0xa4: {  	_ =	swait.ge [sflag:s23], $0x1000  }
0xa5: {  	[sflag:s23] =	ssyncset.done $0x0  }
0xa6: {  	s26 =	simm.s32 $0x3070;
	[sflag:s23] =	ssyncadd.s32 $0xFFFFF000  }
0xa7: {  	v0 =	vld [tilespmem:s26+$0x0]  }
0xa8: {  	v1 =	vld [tilespmem:s26+$0xFFFFFFA0]  }
0xa9: {  	v2 =	vld [tilespmem:s26+$0xFFFFFFB0]  }
0xaa: {  	v3 =	vld [tilespmem:s26+$0xFFFFFFC0]  }
0xab: {  	v4 =	vld [tilespmem:s26+$0xFFFFFFD0]  }
0xac: {  	v6 =	vld [tilespmem:s26+$0xFFFFFFE0]  }
0xad: {  	v7 =	vld [tilespmem:s26+$0xFFFFFFF0]  }
0xae: {  	v8 =	vld [tilespmem:s26+$0xFFFFFF90]  }
0xaf: {  	v9 =	vld.idx.msk [tilespmem:v0+s18+$0x0], $0xffff  }
0xb0: {  	v10 =	vld.idx.msk [tilespmem:v1+s18+$0x0], $0xffff  }
0xb1: {  	v5 =	vld.idx.msk [tilespmem:v2+s18+$0x0], $0xffff  }
0xb2: {  	v3 =	vld.idx.msk [tilespmem:v3+s18+$0x0], $0xffff  }
0xb3: {  	v0 =	vld.idx.msk [tilespmem:v4+s18+$0x0], $0xffff  }
0xb4: {  	s25 =	simm.s32 $0x1C740;
	v1 =	vld.idx.msk [tilespmem:v6+s18+$0x0], $0xffff  }
0xb5: {  	v2 =	vld.idx.msk [tilespmem:v7+s18+$0x0], $0xffff;
	[tilespmem:s25+$0x30] =	vst v9  }
0xb6: {  	s28 =	simm.s32 $0x30F0;
	s26 =	simm.s32 $0x0;
	v4 =	vld.idx.msk [tilespmem:v8+s18+$0x0], $0xffff;
	[tilespmem:s25+$0xFFFFFFD0] =	vst v10  }
.LBB2_8:
0xb7: {  	v6 =	vld [tilespmem:s28+$0x0];
	s26 =	sadd.s32 $0x80, s26;
	[tilespmem:s25+$0xFFFFFFE0] =	vst v5  }
0xb8: {  	v5 =	vld [tilespmem:s28+$0xFFFFFFA0];
	p0 =	slt.u32 s26, $0xF80;
	[tilespmem:s25+$0xFFFFFFF0] =	vst v3  }
0xb9: {  	v3 =	vld [tilespmem:s28+$0xFFFFFFB0];
	[tilespmem:s25+$0x0] =	vst v0  }
0xba: {  	v0 =	vld [tilespmem:s28+$0xFFFFFFC0];
	[tilespmem:s25+$0x10] =	vst v1  }
0xbb: {  	v1 =	vld [tilespmem:s28+$0xFFFFFFD0];
	[tilespmem:s25+$0x20] =	vst v2  }
0xbc: {  	v2 =	vld [tilespmem:s28+$0xFFFFFFE0];
	[tilespmem:s25+$0xFFFFFFC0] =	vst v4  }
0xbd: {  	v4 =	vld [tilespmem:s28+$0xFFFFFFF0]  }
0xbe: {  	v7 =	vld [tilespmem:s28+$0xFFFFFF90]  }
0xbf: {  	v6 =	vld.idx.msk [tilespmem:v6+s18+$0x0], $0xffff  }
0xc0: {  	v8 =	vld.idx.msk [tilespmem:v5+s18+$0x0], $0xffff  }
0xc1: {  	v5 =	vld.idx.msk [tilespmem:v3+s18+$0x0], $0xffff  }
.Ltmp3:
0xc2: {  	v3 =	vld.idx.msk [tilespmem:v0+s18+$0x0], $0xffff;
	(pc) =	sbr.rel @p0 .LBB2_8-.Ltmp3, $4  }
0xc3: {  	v0 =	vld.idx.msk [tilespmem:v1+s18+$0x0], $0xffff  }
0xc4: {  	s25 =	sadd.s32 $0x80, s25;
	v1 =	vld.idx.msk [tilespmem:v2+s18+$0x0], $0xffff  }
0xc5: {  	v2 =	vld.idx.msk [tilespmem:v4+s18+$0x0], $0xffff;
	[tilespmem:s25+$0x30] =	vst v6  }
0xc6: {  	s28 =	sadd.s32 $0x80, s28;
	v4 =	vld.idx.msk [tilespmem:v7+s18+$0x0], $0xffff;
	[tilespmem:s25+$0xFFFFFFD0] =	vst v8  }
0xc7: {  	[tilespmem:s25+$0xFFFFFFE0] =	vst v5  }
0xc8: {  	[tilespmem:s25+$0xFFFFFFF0] =	vst v3  }
0xc9: {  	[tilespmem:s25+$0x0] =	vst v0  }
0xca: {  	[tilespmem:s25+$0x10] =	vst v1  }
0xcb: {  	[tilespmem:s25+$0x20] =	vst v2  }
0xcc: {  	[tilespmem:s25+$0xFFFFFFC0] =	vst v4  }
0xcd: {  	s25 =	rddreg [dreg:$0x6]  }
0xce: {  	[hbm4b:s25+s16] =	stream.strided.scatter [tilespmem:s20], [sflag:$0x1], $0x1000, s17, s16, $0x38;
	[tilespmem:$0x1F700] =	vst v63  }
0xcf: {  	s26 =	rddreg [dreg:$0x7]  }
0xd0: {  	[tilespmem:s18], [sflag:$0x2] =	stream.strided.gather [hbm4b:s26+s16], $0x18700, s17, s16, $0x38;
	[tilespmem:$0x1F700] =	vst v63  }
0xd1: {  	_ =	swait.ge [sflag:s19], $0x18700  }
0xd2: {  	[sflag:s19] =	ssyncset.done $0x0  }
0xd3: {  	[sflag:s19] =	ssyncadd.s32 $0xFFFE7900  }
0xd4: {  	_ =	swait.ge [sflag:s23], $0x1000  }
0xd5: {  	[sflag:s23] =	ssyncset.done $0x0  }
0xd6: {  	s26 =	simm.s32 $0x40;
	[sflag:s23] =	ssyncadd.s32 $0xFFFFF000  }
0xd7: {  	v0 =	vld [tilespmem:s26+$0x30]  }
0xd8: {  	v1 =	vld [tilespmem:s26+$0xFFFFFFD0]  }
0xd9: {  	v2 =	vld [tilespmem:s26+$0xFFFFFFE0]  }
0xda: {  	v3 =	vld [tilespmem:s26+$0xFFFFFFF0]  }
0xdb: {  	v4 =	vld [tilespmem:s26+$0x0]  }
0xdc: {  	v6 =	vld [tilespmem:s26+$0x10]  }
0xdd: {  	v7 =	vld [tilespmem:s26+$0x20]  }
0xde: {  	v8 =	vld [tilespmem:s26+$0xFFFFFFC0]  }
0xdf: {  	v9 =	vld.idx.msk [tilespmem:v0+s18+$0x0], $0xffff  }
0xe0: {  	v10 =	vld.idx.msk [tilespmem:v1+s18+$0x0], $0xffff  }
0xe1: {  	v5 =	vld.idx.msk [tilespmem:v2+s18+$0x0], $0xffff  }
0xe2: {  	v3 =	vld.idx.msk [tilespmem:v3+s18+$0x0], $0xffff  }
0xe3: {  	v0 =	vld.idx.msk [tilespmem:v4+s18+$0x0], $0xffff  }
0xe4: {  	s25 =	simm.s32 $0x1C740;
	v1 =	vld.idx.msk [tilespmem:v6+s18+$0x0], $0xffff  }
0xe5: {  	v2 =	vld.idx.msk [tilespmem:v7+s18+$0x0], $0xffff;
	[tilespmem:s25+$0x30] =	vst v9  }
0xe6: {  	s28 =	simm.s32 $0xC0;
	s26 =	simm.s32 $0x0;
	v4 =	vld.idx.msk [tilespmem:v8+s18+$0x0], $0xffff;
	[tilespmem:s25+$0xFFFFFFD0] =	vst v10  }
.LBB2_10:
0xe7: {  	v6 =	vld [tilespmem:s28+$0x30];
	s26 =	sadd.s32 $0x80, s26;
	[tilespmem:s25+$0xFFFFFFE0] =	vst v5  }
0xe8: {  	v5 =	vld [tilespmem:s28+$0xFFFFFFD0];
	p0 =	slt.u32 s26, $0xF80;
	[tilespmem:s25+$0xFFFFFFF0] =	vst v3  }
0xe9: {  	v3 =	vld [tilespmem:s28+$0xFFFFFFE0];
	[tilespmem:s25+$0x0] =	vst v0  }
0xea: {  	v0 =	vld [tilespmem:s28+$0xFFFFFFF0];
	[tilespmem:s25+$0x10] =	vst v1  }
0xeb: {  	v1 =	vld [tilespmem:s28+$0x0];
	[tilespmem:s25+$0x20] =	vst v2  }
0xec: {  	v2 =	vld [tilespmem:s28+$0x10];
	[tilespmem:s25+$0xFFFFFFC0] =	vst v4  }
0xed: {  	v4 =	vld [tilespmem:s28+$0x20]  }
0xee: {  	v7 =	vld [tilespmem:s28+$0xFFFFFFC0]  }
0xef: {  	v6 =	vld.idx.msk [tilespmem:v6+s18+$0x0], $0xffff  }
0xf0: {  	v8 =	vld.idx.msk [tilespmem:v5+s18+$0x0], $0xffff  }
0xf1: {  	v5 =	vld.idx.msk [tilespmem:v3+s18+$0x0], $0xffff  }
.Ltmp4:
0xf2: {  	v3 =	vld.idx.msk [tilespmem:v0+s18+$0x0], $0xffff;
	(pc) =	sbr.rel @p0 .LBB2_10-.Ltmp4, $4  }
0xf3: {  	v0 =	vld.idx.msk [tilespmem:v1+s18+$0x0], $0xffff  }
0xf4: {  	s25 =	sadd.s32 $0x80, s25;
	v1 =	vld.idx.msk [tilespmem:v2+s18+$0x0], $0xffff  }
0xf5: {  	v2 =	vld.idx.msk [tilespmem:v4+s18+$0x0], $0xffff;
	[tilespmem:s25+$0x30] =	vst v6  }
0xf6: {  	s28 =	sadd.s32 $0x80, s28;
	v4 =	vld.idx.msk [tilespmem:v7+s18+$0x0], $0xffff;
	[tilespmem:s25+$0xFFFFFFD0] =	vst v8  }
0xf7: {  	[tilespmem:s25+$0xFFFFFFE0] =	vst v5  }
0xf8: {  	[tilespmem:s25+$0xFFFFFFF0] =	vst v3  }
0xf9: {  	[tilespmem:s25+$0x0] =	vst v0  }
0xfa: {  	[tilespmem:s25+$0x10] =	vst v1  }
0xfb: {  	[tilespmem:s25+$0x20] =	vst v2  }
0xfc: {  	[tilespmem:s25+$0xFFFFFFC0] =	vst v4  }
0xfd: {  	s25 =	rddreg [dreg:$0x8]  }
0xfe: {  	[hbm4b:s25+s16] =	stream.strided.scatter [tilespmem:s20], [sflag:$0x1], $0x1000, s17, s16, $0x38;
	[tilespmem:$0x1F700] =	vst v63  }
0xff: {  	_ =	swait.ge [sflag:s23], $0x1000  }
0x100: {  	[sflag:s23] =	ssyncset.done $0x0  }
0x101: {  	s26 =	simm.s32 $0x1070;
	[sflag:s23] =	ssyncadd.s32 $0xFFFFF000  }
0x102: {  	v0 =	vld [tilespmem:s26+$0x0]  }
0x103: {  	v1 =	vld [tilespmem:s26+$0xFFFFFFA0]  }
0x104: {  	v2 =	vld [tilespmem:s26+$0xFFFFFFB0]  }
0x105: {  	v3 =	vld [tilespmem:s26+$0xFFFFFFC0]  }
0x106: {  	v4 =	vld [tilespmem:s26+$0xFFFFFFD0]  }
0x107: {  	v6 =	vld [tilespmem:s26+$0xFFFFFFE0]  }
0x108: {  	v7 =	vld [tilespmem:s26+$0xFFFFFFF0]  }
0x109: {  	v8 =	vld [tilespmem:s26+$0xFFFFFF90]  }
0x10a: {  	v9 =	vld.idx.msk [tilespmem:v0+s18+$0x0], $0xffff  }
0x10b: {  	v10 =	vld.idx.msk [tilespmem:v1+s18+$0x0], $0xffff  }
0x10c: {  	v5 =	vld.idx.msk [tilespmem:v2+s18+$0x0], $0xffff  }
0x10d: {  	v3 =	vld.idx.msk [tilespmem:v3+s18+$0x0], $0xffff  }
0x10e: {  	v0 =	vld.idx.msk [tilespmem:v4+s18+$0x0], $0xffff  }
0x10f: {  	s25 =	simm.s32 $0x1D770;
	v1 =	vld.idx.msk [tilespmem:v6+s18+$0x0], $0xffff  }
0x110: {  	v2 =	vld.idx.msk [tilespmem:v7+s18+$0x0], $0xffff;
	[tilespmem:s25+$0x0] =	vst v9  }
0x111: {  	s28 =	simm.s32 $0x10F0;
	s26 =	simm.s32 $0x0;
	v4 =	vld.idx.msk [tilespmem:v8+s18+$0x0], $0xffff;
	[tilespmem:s25+$0xFFFFFFA0] =	vst v10  }
.LBB2_12:
0x112: {  	v6 =	vld [tilespmem:s28+$0x0];
	s26 =	sadd.s32 $0x80, s26;
	[tilespmem:s25+$0xFFFFFFB0] =	vst v5  }
0x113: {  	v5 =	vld [tilespmem:s28+$0xFFFFFFA0];
	p0 =	slt.u32 s26, $0xF80;
	[tilespmem:s25+$0xFFFFFFC0] =	vst v3  }
0x114: {  	v3 =	vld [tilespmem:s28+$0xFFFFFFB0];
	[tilespmem:s25+$0xFFFFFFD0] =	vst v0  }
0x115: {  	v0 =	vld [tilespmem:s28+$0xFFFFFFC0];
	[tilespmem:s25+$0xFFFFFFE0] =	vst v1  }
0x116: {  	v1 =	vld [tilespmem:s28+$0xFFFFFFD0];
	[tilespmem:s25+$0xFFFFFFF0] =	vst v2  }
0x117: {  	v2 =	vld [tilespmem:s28+$0xFFFFFFE0];
	[tilespmem:s25+$0xFFFFFF90] =	vst v4  }
0x118: {  	v4 =	vld [tilespmem:s28+$0xFFFFFFF0]  }
0x119: {  	v7 =	vld [tilespmem:s28+$0xFFFFFF90]  }
0x11a: {  	v6 =	vld.idx.msk [tilespmem:v6+s18+$0x0], $0xffff  }
0x11b: {  	v8 =	vld.idx.msk [tilespmem:v5+s18+$0x0], $0xffff  }
0x11c: {  	v5 =	vld.idx.msk [tilespmem:v3+s18+$0x0], $0xffff  }
.Ltmp5:
0x11d: {  	v3 =	vld.idx.msk [tilespmem:v0+s18+$0x0], $0xffff;
	(pc) =	sbr.rel @p0 .LBB2_12-.Ltmp5, $4  }
0x11e: {  	v0 =	vld.idx.msk [tilespmem:v1+s18+$0x0], $0xffff  }
0x11f: {  	s25 =	sadd.s32 $0x80, s25;
	v1 =	vld.idx.msk [tilespmem:v2+s18+$0x0], $0xffff  }
0x120: {  	v2 =	vld.idx.msk [tilespmem:v4+s18+$0x0], $0xffff;
	[tilespmem:s25+$0x0] =	vst v6  }
0x121: {  	s28 =	sadd.s32 $0x80, s28;
	v4 =	vld.idx.msk [tilespmem:v7+s18+$0x0], $0xffff;
	[tilespmem:s25+$0xFFFFFFA0] =	vst v8  }
0x122: {  	[tilespmem:s25+$0xFFFFFFB0] =	vst v5  }
0x123: {  	[tilespmem:s25+$0xFFFFFFC0] =	vst v3  }
0x124: {  	[tilespmem:s25+$0xFFFFFFD0] =	vst v0  }
0x125: {  	[tilespmem:s25+$0xFFFFFFE0] =	vst v1  }
0x126: {  	[tilespmem:s25+$0xFFFFFFF0] =	vst v2  }
0x127: {  	[tilespmem:s25+$0xFFFFFF90] =	vst v4  }
0x128: {  	s25 =	rddreg [dreg:$0x9]  }
0x129: {  	[hbm4b:s25+s16] =	stream.strided.scatter [tilespmem:s21], [sflag:$0x1], $0x1000, s17, s16, $0x38;
	[tilespmem:$0x1F700] =	vst v63  }
0x12a: {  	_ =	swait.ge [sflag:s23], $0x1000  }
0x12b: {  	[sflag:s23] =	ssyncset.done $0x0  }
0x12c: {  	s26 =	simm.s32 $0x2070;
	[sflag:s23] =	ssyncadd.s32 $0xFFFFF000  }
0x12d: {  	v0 =	vld [tilespmem:s26+$0x0]  }
0x12e: {  	v1 =	vld [tilespmem:s26+$0xFFFFFFA0]  }
0x12f: {  	v2 =	vld [tilespmem:s26+$0xFFFFFFB0]  }
0x130: {  	v3 =	vld [tilespmem:s26+$0xFFFFFFC0]  }
0x131: {  	v4 =	vld [tilespmem:s26+$0xFFFFFFD0]  }
0x132: {  	v6 =	vld [tilespmem:s26+$0xFFFFFFE0]  }
0x133: {  	v7 =	vld [tilespmem:s26+$0xFFFFFFF0]  }
0x134: {  	v8 =	vld [tilespmem:s26+$0xFFFFFF90]  }
0x135: {  	v9 =	vld.idx.msk [tilespmem:v0+s18+$0x0], $0xffff  }
0x136: {  	v10 =	vld.idx.msk [tilespmem:v1+s18+$0x0], $0xffff  }
0x137: {  	v5 =	vld.idx.msk [tilespmem:v2+s18+$0x0], $0xffff  }
0x138: {  	v3 =	vld.idx.msk [tilespmem:v3+s18+$0x0], $0xffff  }
0x139: {  	v0 =	vld.idx.msk [tilespmem:v4+s18+$0x0], $0xffff  }
0x13a: {  	s25 =	simm.s32 $0x1E770;
	v1 =	vld.idx.msk [tilespmem:v6+s18+$0x0], $0xffff  }
0x13b: {  	v2 =	vld.idx.msk [tilespmem:v7+s18+$0x0], $0xffff;
	[tilespmem:s25+$0x0] =	vst v9  }
0x13c: {  	s28 =	simm.s32 $0x20F0;
	s26 =	simm.s32 $0x0;
	v4 =	vld.idx.msk [tilespmem:v8+s18+$0x0], $0xffff;
	[tilespmem:s25+$0xFFFFFFA0] =	vst v10  }
.LBB2_14:
0x13d: {  	v6 =	vld [tilespmem:s28+$0x0];
	s26 =	sadd.s32 $0x80, s26;
	[tilespmem:s25+$0xFFFFFFB0] =	vst v5  }
0x13e: {  	v5 =	vld [tilespmem:s28+$0xFFFFFFA0];
	p0 =	slt.u32 s26, $0xF80;
	[tilespmem:s25+$0xFFFFFFC0] =	vst v3  }
0x13f: {  	v3 =	vld [tilespmem:s28+$0xFFFFFFB0];
	[tilespmem:s25+$0xFFFFFFD0] =	vst v0  }
0x140: {  	v0 =	vld [tilespmem:s28+$0xFFFFFFC0];
	[tilespmem:s25+$0xFFFFFFE0] =	vst v1  }
0x141: {  	v1 =	vld [tilespmem:s28+$0xFFFFFFD0];
	[tilespmem:s25+$0xFFFFFFF0] =	vst v2  }
0x142: {  	v2 =	vld [tilespmem:s28+$0xFFFFFFE0];
	[tilespmem:s25+$0xFFFFFF90] =	vst v4  }
0x143: {  	v4 =	vld [tilespmem:s28+$0xFFFFFFF0]  }
0x144: {  	v7 =	vld [tilespmem:s28+$0xFFFFFF90]  }
0x145: {  	v6 =	vld.idx.msk [tilespmem:v6+s18+$0x0], $0xffff  }
0x146: {  	v8 =	vld.idx.msk [tilespmem:v5+s18+$0x0], $0xffff  }
0x147: {  	v5 =	vld.idx.msk [tilespmem:v3+s18+$0x0], $0xffff  }
.Ltmp6:
0x148: {  	v3 =	vld.idx.msk [tilespmem:v0+s18+$0x0], $0xffff;
	(pc) =	sbr.rel @p0 .LBB2_14-.Ltmp6, $4  }
0x149: {  	v0 =	vld.idx.msk [tilespmem:v1+s18+$0x0], $0xffff  }
0x14a: {  	s25 =	sadd.s32 $0x80, s25;
	v1 =	vld.idx.msk [tilespmem:v2+s18+$0x0], $0xffff  }
0x14b: {  	v2 =	vld.idx.msk [tilespmem:v4+s18+$0x0], $0xffff;
	[tilespmem:s25+$0x0] =	vst v6  }
0x14c: {  	s28 =	sadd.s32 $0x80, s28;
	v4 =	vld.idx.msk [tilespmem:v7+s18+$0x0], $0xffff;
	[tilespmem:s25+$0xFFFFFFA0] =	vst v8  }
0x14d: {  	[tilespmem:s25+$0xFFFFFFB0] =	vst v5  }
0x14e: {  	[tilespmem:s25+$0xFFFFFFC0] =	vst v3  }
0x14f: {  	[tilespmem:s25+$0xFFFFFFD0] =	vst v0  }
0x150: {  	[tilespmem:s25+$0xFFFFFFE0] =	vst v1  }
0x151: {  	[tilespmem:s25+$0xFFFFFFF0] =	vst v2  }
0x152: {  	[tilespmem:s25+$0xFFFFFF90] =	vst v4  }
0x153: {  	s25 =	rddreg [dreg:$0xa]  }
0x154: {  	[hbm4b:s25+s16] =	stream.strided.scatter [tilespmem:s22], [sflag:$0x1], $0x1000, s17, s16, $0x38;
	[tilespmem:$0x1F700] =	vst v63  }
0x155: {  	_ =	swait.ge [sflag:s23], $0x1000  }
0x156: {  	[sflag:s23] =	ssyncset.done $0x0  }
0x157: {  	s26 =	simm.s32 $0x3070;
	[sflag:s23] =	ssyncadd.s32 $0xFFFFF000  }
0x158: {  	v0 =	vld [tilespmem:s26+$0x0]  }
0x159: {  	v1 =	vld [tilespmem:s26+$0xFFFFFFA0]  }
0x15a: {  	v2 =	vld [tilespmem:s26+$0xFFFFFFB0]  }
0x15b: {  	v3 =	vld [tilespmem:s26+$0xFFFFFFC0]  }
0x15c: {  	v4 =	vld [tilespmem:s26+$0xFFFFFFD0]  }
0x15d: {  	v6 =	vld [tilespmem:s26+$0xFFFFFFE0]  }
0x15e: {  	v7 =	vld [tilespmem:s26+$0xFFFFFFF0]  }
0x15f: {  	v8 =	vld [tilespmem:s26+$0xFFFFFF90]  }
0x160: {  	v9 =	vld.idx.msk [tilespmem:v0+s18+$0x0], $0xffff  }
0x161: {  	v10 =	vld.idx.msk [tilespmem:v1+s18+$0x0], $0xffff  }
0x162: {  	v5 =	vld.idx.msk [tilespmem:v2+s18+$0x0], $0xffff  }
0x163: {  	v3 =	vld.idx.msk [tilespmem:v3+s18+$0x0], $0xffff  }
0x164: {  	v0 =	vld.idx.msk [tilespmem:v4+s18+$0x0], $0xffff  }
0x165: {  	s25 =	simm.s32 $0x1C740;
	v1 =	vld.idx.msk [tilespmem:v6+s18+$0x0], $0xffff  }
0x166: {  	v2 =	vld.idx.msk [tilespmem:v7+s18+$0x0], $0xffff;
	[tilespmem:s25+$0x30] =	vst v9  }
0x167: {  	s28 =	simm.s32 $0x30F0;
	s26 =	simm.s32 $0x0;
	v4 =	vld.idx.msk [tilespmem:v8+s18+$0x0], $0xffff;
	[tilespmem:s25+$0xFFFFFFD0] =	vst v10  }
.LBB2_16:
0x168: {  	v6 =	vld [tilespmem:s28+$0x0];
	s26 =	sadd.s32 $0x80, s26;
	[tilespmem:s25+$0xFFFFFFE0] =	vst v5  }
0x169: {  	v5 =	vld [tilespmem:s28+$0xFFFFFFA0];
	p0 =	slt.u32 s26, $0xF80;
	[tilespmem:s25+$0xFFFFFFF0] =	vst v3  }
0x16a: {  	v3 =	vld [tilespmem:s28+$0xFFFFFFB0];
	[tilespmem:s25+$0x0] =	vst v0  }
0x16b: {  	v0 =	vld [tilespmem:s28+$0xFFFFFFC0];
	[tilespmem:s25+$0x10] =	vst v1  }
0x16c: {  	v1 =	vld [tilespmem:s28+$0xFFFFFFD0];
	[tilespmem:s25+$0x20] =	vst v2  }
0x16d: {  	v2 =	vld [tilespmem:s28+$0xFFFFFFE0];
	[tilespmem:s25+$0xFFFFFFC0] =	vst v4  }
0x16e: {  	v4 =	vld [tilespmem:s28+$0xFFFFFFF0]  }
0x16f: {  	v7 =	vld [tilespmem:s28+$0xFFFFFF90]  }
0x170: {  	v6 =	vld.idx.msk [tilespmem:v6+s18+$0x0], $0xffff  }
0x171: {  	v8 =	vld.idx.msk [tilespmem:v5+s18+$0x0], $0xffff  }
0x172: {  	v5 =	vld.idx.msk [tilespmem:v3+s18+$0x0], $0xffff  }
.Ltmp7:
0x173: {  	v3 =	vld.idx.msk [tilespmem:v0+s18+$0x0], $0xffff;
	(pc) =	sbr.rel @p0 .LBB2_16-.Ltmp7, $4  }
0x174: {  	v0 =	vld.idx.msk [tilespmem:v1+s18+$0x0], $0xffff  }
0x175: {  	s25 =	sadd.s32 $0x80, s25;
	v1 =	vld.idx.msk [tilespmem:v2+s18+$0x0], $0xffff  }
0x176: {  	v2 =	vld.idx.msk [tilespmem:v4+s18+$0x0], $0xffff;
	[tilespmem:s25+$0x30] =	vst v6  }
0x177: {  	s28 =	sadd.s32 $0x80, s28;
	v4 =	vld.idx.msk [tilespmem:v7+s18+$0x0], $0xffff;
	[tilespmem:s25+$0xFFFFFFD0] =	vst v8  }
0x178: {  	[tilespmem:s25+$0xFFFFFFE0] =	vst v5  }
0x179: {  	[tilespmem:s25+$0xFFFFFFF0] =	vst v3  }
0x17a: {  	[tilespmem:s25+$0x0] =	vst v0  }
0x17b: {  	[tilespmem:s25+$0x10] =	vst v1  }
0x17c: {  	[tilespmem:s25+$0x20] =	vst v2  }
0x17d: {  	[tilespmem:s25+$0xFFFFFFC0] =	vst v4  }
0x17e: {  	s25 =	rddreg [dreg:$0xb]  }
0x17f: {  	[hbm4b:s25+s16] =	stream.strided.scatter [tilespmem:s20], [sflag:$0x1], $0x1000, s17, s16, $0x38;
	[tilespmem:$0x1F700] =	vst v63  }
0x180: {  	s26 =	rddreg [dreg:$0xc]  }
0x181: {  	[tilespmem:s18], [sflag:$0x2] =	stream.strided.gather [hbm4b:s26+s16], $0x18700, s17, s16, $0x38;
	[tilespmem:$0x1F700] =	vst v63  }
0x182: {  	_ =	swait.ge [sflag:s19], $0x18700  }
0x183: {  	[sflag:s19] =	ssyncset.done $0x0  }
0x184: {  	[sflag:s19] =	ssyncadd.s32 $0xFFFE7900  }
0x185: {  	_ =	swait.ge [sflag:s23], $0x1000  }
0x186: {  	[sflag:s23] =	ssyncset.done $0x0  }
0x187: {  	s26 =	simm.s32 $0x40;
	[sflag:s23] =	ssyncadd.s32 $0xFFFFF000  }
0x188: {  	v0 =	vld [tilespmem:s26+$0x30]  }
0x189: {  	v1 =	vld [tilespmem:s26+$0xFFFFFFD0]  }
0x18a: {  	v2 =	vld [tilespmem:s26+$0xFFFFFFE0]  }
0x18b: {  	v3 =	vld [tilespmem:s26+$0xFFFFFFF0]  }
0x18c: {  	v4 =	vld [tilespmem:s26+$0x0]  }
0x18d: {  	v6 =	vld [tilespmem:s26+$0x10]  }
0x18e: {  	v7 =	vld [tilespmem:s26+$0x20]  }
0x18f: {  	v8 =	vld [tilespmem:s26+$0xFFFFFFC0]  }
0x190: {  	v9 =	vld.idx.msk [tilespmem:v0+s18+$0x0], $0xffff  }
0x191: {  	v10 =	vld.idx.msk [tilespmem:v1+s18+$0x0], $0xffff  }
0x192: {  	v5 =	vld.idx.msk [tilespmem:v2+s18+$0x0], $0xffff  }
0x193: {  	v3 =	vld.idx.msk [tilespmem:v3+s18+$0x0], $0xffff  }
0x194: {  	v0 =	vld.idx.msk [tilespmem:v4+s18+$0x0], $0xffff  }
0x195: {  	s25 =	simm.s32 $0x1C740;
	v1 =	vld.idx.msk [tilespmem:v6+s18+$0x0], $0xffff  }
0x196: {  	v2 =	vld.idx.msk [tilespmem:v7+s18+$0x0], $0xffff;
	[tilespmem:s25+$0x30] =	vst v9  }
0x197: {  	s28 =	simm.s32 $0xC0;
	s26 =	simm.s32 $0x0;
	v4 =	vld.idx.msk [tilespmem:v8+s18+$0x0], $0xffff;
	[tilespmem:s25+$0xFFFFFFD0] =	vst v10  }
.LBB2_18:
0x198: {  	v6 =	vld [tilespmem:s28+$0x30];
	s26 =	sadd.s32 $0x80, s26;
	[tilespmem:s25+$0xFFFFFFE0] =	vst v5  }
0x199: {  	v5 =	vld [tilespmem:s28+$0xFFFFFFD0];
	p0 =	slt.u32 s26, $0xF80;
	[tilespmem:s25+$0xFFFFFFF0] =	vst v3  }
0x19a: {  	v3 =	vld [tilespmem:s28+$0xFFFFFFE0];
	[tilespmem:s25+$0x0] =	vst v0  }
0x19b: {  	v0 =	vld [tilespmem:s28+$0xFFFFFFF0];
	[tilespmem:s25+$0x10] =	vst v1  }
0x19c: {  	v1 =	vld [tilespmem:s28+$0x0];
	[tilespmem:s25+$0x20] =	vst v2  }
0x19d: {  	v2 =	vld [tilespmem:s28+$0x10];
	[tilespmem:s25+$0xFFFFFFC0] =	vst v4  }
0x19e: {  	v4 =	vld [tilespmem:s28+$0x20]  }
0x19f: {  	v7 =	vld [tilespmem:s28+$0xFFFFFFC0]  }
0x1a0: {  	v6 =	vld.idx.msk [tilespmem:v6+s18+$0x0], $0xffff  }
0x1a1: {  	v8 =	vld.idx.msk [tilespmem:v5+s18+$0x0], $0xffff  }
0x1a2: {  	v5 =	vld.idx.msk [tilespmem:v3+s18+$0x0], $0xffff  }
.Ltmp8:
0x1a3: {  	v3 =	vld.idx.msk [tilespmem:v0+s18+$0x0], $0xffff;
	(pc) =	sbr.rel @p0 .LBB2_18-.Ltmp8, $4  }
0x1a4: {  	v0 =	vld.idx.msk [tilespmem:v1+s18+$0x0], $0xffff  }
0x1a5: {  	s25 =	sadd.s32 $0x80, s25;
	v1 =	vld.idx.msk [tilespmem:v2+s18+$0x0], $0xffff  }
0x1a6: {  	v2 =	vld.idx.msk [tilespmem:v4+s18+$0x0], $0xffff;
	[tilespmem:s25+$0x30] =	vst v6  }
0x1a7: {  	s28 =	sadd.s32 $0x80, s28;
	v4 =	vld.idx.msk [tilespmem:v7+s18+$0x0], $0xffff;
	[tilespmem:s25+$0xFFFFFFD0] =	vst v8  }
0x1a8: {  	[tilespmem:s25+$0xFFFFFFE0] =	vst v5  }
0x1a9: {  	[tilespmem:s25+$0xFFFFFFF0] =	vst v3  }
0x1aa: {  	[tilespmem:s25+$0x0] =	vst v0  }
0x1ab: {  	[tilespmem:s25+$0x10] =	vst v1  }
0x1ac: {  	[tilespmem:s25+$0x20] =	vst v2  }
0x1ad: {  	[tilespmem:s25+$0xFFFFFFC0] =	vst v4  }
0x1ae: {  	s25 =	rddreg [dreg:$0xd]  }
0x1af: {  	[hbm4b:s25+s16] =	stream.strided.scatter [tilespmem:s20], [sflag:$0x1], $0x1000, s17, s16, $0x38;
	[tilespmem:$0x1F700] =	vst v63  }
0x1b0: {  	_ =	swait.ge [sflag:s23], $0x1000  }
0x1b1: {  	[sflag:s23] =	ssyncset.done $0x0  }
0x1b2: {  	s26 =	simm.s32 $0x1070;
	[sflag:s23] =	ssyncadd.s32 $0xFFFFF000  }
0x1b3: {  	v0 =	vld [tilespmem:s26+$0x0]  }
0x1b4: {  	v1 =	vld [tilespmem:s26+$0xFFFFFFA0]  }
0x1b5: {  	v2 =	vld [tilespmem:s26+$0xFFFFFFB0]  }
0x1b6: {  	v3 =	vld [tilespmem:s26+$0xFFFFFFC0]  }
0x1b7: {  	v4 =	vld [tilespmem:s26+$0xFFFFFFD0]  }
0x1b8: {  	v6 =	vld [tilespmem:s26+$0xFFFFFFE0]  }
0x1b9: {  	v7 =	vld [tilespmem:s26+$0xFFFFFFF0]  }
0x1ba: {  	v8 =	vld [tilespmem:s26+$0xFFFFFF90]  }
0x1bb: {  	v9 =	vld.idx.msk [tilespmem:v0+s18+$0x0], $0xffff  }
0x1bc: {  	v10 =	vld.idx.msk [tilespmem:v1+s18+$0x0], $0xffff  }
0x1bd: {  	v5 =	vld.idx.msk [tilespmem:v2+s18+$0x0], $0xffff  }
0x1be: {  	v3 =	vld.idx.msk [tilespmem:v3+s18+$0x0], $0xffff  }
0x1bf: {  	v0 =	vld.idx.msk [tilespmem:v4+s18+$0x0], $0xffff  }
0x1c0: {  	s25 =	simm.s32 $0x1D770;
	v1 =	vld.idx.msk [tilespmem:v6+s18+$0x0], $0xffff  }
0x1c1: {  	v2 =	vld.idx.msk [tilespmem:v7+s18+$0x0], $0xffff;
	[tilespmem:s25+$0x0] =	vst v9  }
0x1c2: {  	s28 =	simm.s32 $0x10F0;
	s26 =	simm.s32 $0x0;
	v4 =	vld.idx.msk [tilespmem:v8+s18+$0x0], $0xffff;
	[tilespmem:s25+$0xFFFFFFA0] =	vst v10  }
.LBB2_20:
0x1c3: {  	v6 =	vld [tilespmem:s28+$0x0];
	s26 =	sadd.s32 $0x80, s26;
	[tilespmem:s25+$0xFFFFFFB0] =	vst v5  }
0x1c4: {  	v5 =	vld [tilespmem:s28+$0xFFFFFFA0];
	p0 =	slt.u32 s26, $0xF80;
	[tilespmem:s25+$0xFFFFFFC0] =	vst v3  }
0x1c5: {  	v3 =	vld [tilespmem:s28+$0xFFFFFFB0];
	[tilespmem:s25+$0xFFFFFFD0] =	vst v0  }
0x1c6: {  	v0 =	vld [tilespmem:s28+$0xFFFFFFC0];
	[tilespmem:s25+$0xFFFFFFE0] =	vst v1  }
0x1c7: {  	v1 =	vld [tilespmem:s28+$0xFFFFFFD0];
	[tilespmem:s25+$0xFFFFFFF0] =	vst v2  }
0x1c8: {  	v2 =	vld [tilespmem:s28+$0xFFFFFFE0];
	[tilespmem:s25+$0xFFFFFF90] =	vst v4  }
0x1c9: {  	v4 =	vld [tilespmem:s28+$0xFFFFFFF0]  }
0x1ca: {  	v7 =	vld [tilespmem:s28+$0xFFFFFF90]  }
0x1cb: {  	v6 =	vld.idx.msk [tilespmem:v6+s18+$0x0], $0xffff  }
0x1cc: {  	v8 =	vld.idx.msk [tilespmem:v5+s18+$0x0], $0xffff  }
0x1cd: {  	v5 =	vld.idx.msk [tilespmem:v3+s18+$0x0], $0xffff  }
.Ltmp9:
0x1ce: {  	v3 =	vld.idx.msk [tilespmem:v0+s18+$0x0], $0xffff;
	(pc) =	sbr.rel @p0 .LBB2_20-.Ltmp9, $4  }
0x1cf: {  	v0 =	vld.idx.msk [tilespmem:v1+s18+$0x0], $0xffff  }
0x1d0: {  	s25 =	sadd.s32 $0x80, s25;
	v1 =	vld.idx.msk [tilespmem:v2+s18+$0x0], $0xffff  }
0x1d1: {  	v2 =	vld.idx.msk [tilespmem:v4+s18+$0x0], $0xffff;
	[tilespmem:s25+$0x0] =	vst v6  }
0x1d2: {  	s28 =	sadd.s32 $0x80, s28;
	v4 =	vld.idx.msk [tilespmem:v7+s18+$0x0], $0xffff;
	[tilespmem:s25+$0xFFFFFFA0] =	vst v8  }
0x1d3: {  	[tilespmem:s25+$0xFFFFFFB0] =	vst v5  }
0x1d4: {  	[tilespmem:s25+$0xFFFFFFC0] =	vst v3  }
0x1d5: {  	[tilespmem:s25+$0xFFFFFFD0] =	vst v0  }
0x1d6: {  	[tilespmem:s25+$0xFFFFFFE0] =	vst v1  }
0x1d7: {  	[tilespmem:s25+$0xFFFFFFF0] =	vst v2  }
0x1d8: {  	[tilespmem:s25+$0xFFFFFF90] =	vst v4  }
0x1d9: {  	s25 =	rddreg [dreg:$0xe]  }
0x1da: {  	[hbm4b:s25+s16] =	stream.strided.scatter [tilespmem:s21], [sflag:$0x1], $0x1000, s17, s16, $0x38;
	[tilespmem:$0x1F700] =	vst v63  }
0x1db: {  	_ =	swait.ge [sflag:s23], $0x1000  }
0x1dc: {  	[sflag:s23] =	ssyncset.done $0x0  }
0x1dd: {  	s26 =	simm.s32 $0x2070;
	[sflag:s23] =	ssyncadd.s32 $0xFFFFF000  }
0x1de: {  	v0 =	vld [tilespmem:s26+$0x0]  }
0x1df: {  	v1 =	vld [tilespmem:s26+$0xFFFFFFA0]  }
0x1e0: {  	v2 =	vld [tilespmem:s26+$0xFFFFFFB0]  }
0x1e1: {  	v3 =	vld [tilespmem:s26+$0xFFFFFFC0]  }
0x1e2: {  	v4 =	vld [tilespmem:s26+$0xFFFFFFD0]  }
0x1e3: {  	v6 =	vld [tilespmem:s26+$0xFFFFFFE0]  }
0x1e4: {  	v7 =	vld [tilespmem:s26+$0xFFFFFFF0]  }
0x1e5: {  	v8 =	vld [tilespmem:s26+$0xFFFFFF90]  }
0x1e6: {  	v9 =	vld.idx.msk [tilespmem:v0+s18+$0x0], $0xffff  }
0x1e7: {  	v10 =	vld.idx.msk [tilespmem:v1+s18+$0x0], $0xffff  }
0x1e8: {  	v5 =	vld.idx.msk [tilespmem:v2+s18+$0x0], $0xffff  }
0x1e9: {  	v3 =	vld.idx.msk [tilespmem:v3+s18+$0x0], $0xffff  }
0x1ea: {  	v0 =	vld.idx.msk [tilespmem:v4+s18+$0x0], $0xffff  }
0x1eb: {  	s25 =	simm.s32 $0x1E770;
	v1 =	vld.idx.msk [tilespmem:v6+s18+$0x0], $0xffff  }
0x1ec: {  	v2 =	vld.idx.msk [tilespmem:v7+s18+$0x0], $0xffff;
	[tilespmem:s25+$0x0] =	vst v9  }
0x1ed: {  	s28 =	simm.s32 $0x20F0;
	s26 =	simm.s32 $0x0;
	v4 =	vld.idx.msk [tilespmem:v8+s18+$0x0], $0xffff;
	[tilespmem:s25+$0xFFFFFFA0] =	vst v10  }
.LBB2_22:
0x1ee: {  	v6 =	vld [tilespmem:s28+$0x0];
	s26 =	sadd.s32 $0x80, s26;
	[tilespmem:s25+$0xFFFFFFB0] =	vst v5  }
0x1ef: {  	v5 =	vld [tilespmem:s28+$0xFFFFFFA0];
	p0 =	slt.u32 s26, $0xF80;
	[tilespmem:s25+$0xFFFFFFC0] =	vst v3  }
0x1f0: {  	v3 =	vld [tilespmem:s28+$0xFFFFFFB0];
	[tilespmem:s25+$0xFFFFFFD0] =	vst v0  }
0x1f1: {  	v0 =	vld [tilespmem:s28+$0xFFFFFFC0];
	[tilespmem:s25+$0xFFFFFFE0] =	vst v1  }
0x1f2: {  	v1 =	vld [tilespmem:s28+$0xFFFFFFD0];
	[tilespmem:s25+$0xFFFFFFF0] =	vst v2  }
0x1f3: {  	v2 =	vld [tilespmem:s28+$0xFFFFFFE0];
	[tilespmem:s25+$0xFFFFFF90] =	vst v4  }
0x1f4: {  	v4 =	vld [tilespmem:s28+$0xFFFFFFF0]  }
0x1f5: {  	v7 =	vld [tilespmem:s28+$0xFFFFFF90]  }
0x1f6: {  	v6 =	vld.idx.msk [tilespmem:v6+s18+$0x0], $0xffff  }
0x1f7: {  	v8 =	vld.idx.msk [tilespmem:v5+s18+$0x0], $0xffff  }
0x1f8: {  	v5 =	vld.idx.msk [tilespmem:v3+s18+$0x0], $0xffff  }
.Ltmp10:
0x1f9: {  	v3 =	vld.idx.msk [tilespmem:v0+s18+$0x0], $0xffff;
	(pc) =	sbr.rel @p0 .LBB2_22-.Ltmp10, $4  }
0x1fa: {  	v0 =	vld.idx.msk [tilespmem:v1+s18+$0x0], $0xffff  }
0x1fb: {  	s25 =	sadd.s32 $0x80, s25;
	v1 =	vld.idx.msk [tilespmem:v2+s18+$0x0], $0xffff  }
0x1fc: {  	v2 =	vld.idx.msk [tilespmem:v4+s18+$0x0], $0xffff;
	[tilespmem:s25+$0x0] =	vst v6  }
0x1fd: {  	s28 =	sadd.s32 $0x80, s28;
	v4 =	vld.idx.msk [tilespmem:v7+s18+$0x0], $0xffff;
	[tilespmem:s25+$0xFFFFFFA0] =	vst v8  }
0x1fe: {  	[tilespmem:s25+$0xFFFFFFB0] =	vst v5  }
0x1ff: {  	[tilespmem:s25+$0xFFFFFFC0] =	vst v3  }
0x200: {  	[tilespmem:s25+$0xFFFFFFD0] =	vst v0  }
0x201: {  	[tilespmem:s25+$0xFFFFFFE0] =	vst v1  }
0x202: {  	[tilespmem:s25+$0xFFFFFFF0] =	vst v2  }
0x203: {  	[tilespmem:s25+$0xFFFFFF90] =	vst v4  }
0x204: {  	s25 =	rddreg [dreg:$0xf]  }
0x205: {  	[hbm4b:s25+s16] =	stream.strided.scatter [tilespmem:s22], [sflag:$0x1], $0x1000, s17, s16, $0x38;
	[tilespmem:$0x1F700] =	vst v63  }
0x206: {  	_ =	swait.ge [sflag:s23], $0x1000  }
0x207: {  	[sflag:s23] =	ssyncset.done $0x0  }
0x208: {  	s26 =	simm.s32 $0x3070;
	[sflag:s23] =	ssyncadd.s32 $0xFFFFF000  }
0x209: {  	v0 =	vld [tilespmem:s26+$0x0]  }
0x20a: {  	v1 =	vld [tilespmem:s26+$0xFFFFFFA0]  }
0x20b: {  	v2 =	vld [tilespmem:s26+$0xFFFFFFB0]  }
0x20c: {  	v3 =	vld [tilespmem:s26+$0xFFFFFFC0]  }
0x20d: {  	v4 =	vld [tilespmem:s26+$0xFFFFFFD0]  }
0x20e: {  	v6 =	vld [tilespmem:s26+$0xFFFFFFE0]  }
0x20f: {  	v7 =	vld [tilespmem:s26+$0xFFFFFFF0]  }
0x210: {  	v8 =	vld [tilespmem:s26+$0xFFFFFF90]  }
0x211: {  	v9 =	vld.idx.msk [tilespmem:v0+s18+$0x0], $0xffff  }
0x212: {  	v10 =	vld.idx.msk [tilespmem:v1+s18+$0x0], $0xffff  }
0x213: {  	v5 =	vld.idx.msk [tilespmem:v2+s18+$0x0], $0xffff  }
0x214: {  	v3 =	vld.idx.msk [tilespmem:v3+s18+$0x0], $0xffff  }
0x215: {  	v0 =	vld.idx.msk [tilespmem:v4+s18+$0x0], $0xffff  }
0x216: {  	s25 =	simm.s32 $0x1C740;
	v1 =	vld.idx.msk [tilespmem:v6+s18+$0x0], $0xffff  }
0x217: {  	v2 =	vld.idx.msk [tilespmem:v7+s18+$0x0], $0xffff;
	[tilespmem:s25+$0x30] =	vst v9  }
0x218: {  	s28 =	simm.s32 $0x30F0;
	s26 =	simm.s32 $0x0;
	v4 =	vld.idx.msk [tilespmem:v8+s18+$0x0], $0xffff;
	[tilespmem:s25+$0xFFFFFFD0] =	vst v10  }
.LBB2_24:
0x219: {  	v6 =	vld [tilespmem:s28+$0x0];
	s26 =	sadd.s32 $0x80, s26;
	[tilespmem:s25+$0xFFFFFFE0] =	vst v5  }
0x21a: {  	v5 =	vld [tilespmem:s28+$0xFFFFFFA0];
	p0 =	slt.u32 s26, $0xF80;
	[tilespmem:s25+$0xFFFFFFF0] =	vst v3  }
0x21b: {  	v3 =	vld [tilespmem:s28+$0xFFFFFFB0];
	[tilespmem:s25+$0x0] =	vst v0  }
0x21c: {  	v0 =	vld [tilespmem:s28+$0xFFFFFFC0];
	[tilespmem:s25+$0x10] =	vst v1  }
0x21d: {  	v1 =	vld [tilespmem:s28+$0xFFFFFFD0];
	[tilespmem:s25+$0x20] =	vst v2  }
0x21e: {  	v2 =	vld [tilespmem:s28+$0xFFFFFFE0];
	[tilespmem:s25+$0xFFFFFFC0] =	vst v4  }
0x21f: {  	v4 =	vld [tilespmem:s28+$0xFFFFFFF0]  }
0x220: {  	v7 =	vld [tilespmem:s28+$0xFFFFFF90]  }
0x221: {  	v6 =	vld.idx.msk [tilespmem:v6+s18+$0x0], $0xffff  }
0x222: {  	v8 =	vld.idx.msk [tilespmem:v5+s18+$0x0], $0xffff  }
0x223: {  	v5 =	vld.idx.msk [tilespmem:v3+s18+$0x0], $0xffff  }
.Ltmp11:
0x224: {  	v3 =	vld.idx.msk [tilespmem:v0+s18+$0x0], $0xffff;
	(pc) =	sbr.rel @p0 .LBB2_24-.Ltmp11, $4  }
0x225: {  	v0 =	vld.idx.msk [tilespmem:v1+s18+$0x0], $0xffff  }
0x226: {  	s25 =	sadd.s32 $0x80, s25;
	v1 =	vld.idx.msk [tilespmem:v2+s18+$0x0], $0xffff  }
0x227: {  	v2 =	vld.idx.msk [tilespmem:v4+s18+$0x0], $0xffff;
	[tilespmem:s25+$0x30] =	vst v6  }
0x228: {  	s28 =	sadd.s32 $0x80, s28;
	v4 =	vld.idx.msk [tilespmem:v7+s18+$0x0], $0xffff;
	[tilespmem:s25+$0xFFFFFFD0] =	vst v8  }
0x229: {  	[tilespmem:s25+$0xFFFFFFE0] =	vst v5  }
0x22a: {  	[tilespmem:s25+$0xFFFFFFF0] =	vst v3  }
0x22b: {  	[tilespmem:s25+$0x0] =	vst v0  }
0x22c: {  	[tilespmem:s25+$0x10] =	vst v1  }
0x22d: {  	[tilespmem:s25+$0x20] =	vst v2  }
0x22e: {  	[tilespmem:s25+$0xFFFFFFC0] =	vst v4  }
0x22f: {  	s25 =	rddreg [dreg:$0x10]  }
0x230: {  	[hbm4b:s25+s16] =	stream.strided.scatter [tilespmem:s20], [sflag:$0x1], $0x1000, s17, s16, $0x38;
	[tilespmem:$0x1F700] =	vst v63  }
0x231: {  	s26 =	rddreg [dreg:$0x11]  }
0x232: {  	[tilespmem:s18], [sflag:$0x2] =	stream.strided.gather [hbm4b:s26+s16], $0x18700, s17, s16, $0x38;
	[tilespmem:$0x1F700] =	vst v63  }
0x233: {  	_ =	swait.ge [sflag:s19], $0x18700  }
0x234: {  	[sflag:s19] =	ssyncset.done $0x0  }
0x235: {  	[sflag:s19] =	ssyncadd.s32 $0xFFFE7900  }
0x236: {  	_ =	swait.ge [sflag:s23], $0x1000  }
0x237: {  	[sflag:s23] =	ssyncset.done $0x0  }
0x238: {  	s26 =	simm.s32 $0x40;
	[sflag:s23] =	ssyncadd.s32 $0xFFFFF000  }
0x239: {  	v0 =	vld [tilespmem:s26+$0x30]  }
0x23a: {  	v1 =	vld [tilespmem:s26+$0xFFFFFFD0]  }
0x23b: {  	v2 =	vld [tilespmem:s26+$0xFFFFFFE0]  }
0x23c: {  	v3 =	vld [tilespmem:s26+$0xFFFFFFF0]  }
0x23d: {  	v4 =	vld [tilespmem:s26+$0x0]  }
0x23e: {  	v6 =	vld [tilespmem:s26+$0x10]  }
0x23f: {  	v7 =	vld [tilespmem:s26+$0x20]  }
0x240: {  	v8 =	vld [tilespmem:s26+$0xFFFFFFC0]  }
0x241: {  	v9 =	vld.idx.msk [tilespmem:v0+s18+$0x0], $0xffff  }
0x242: {  	v10 =	vld.idx.msk [tilespmem:v1+s18+$0x0], $0xffff  }
0x243: {  	v5 =	vld.idx.msk [tilespmem:v2+s18+$0x0], $0xffff  }
0x244: {  	v3 =	vld.idx.msk [tilespmem:v3+s18+$0x0], $0xffff  }
0x245: {  	v0 =	vld.idx.msk [tilespmem:v4+s18+$0x0], $0xffff  }
0x246: {  	s25 =	simm.s32 $0x1C740;
	v1 =	vld.idx.msk [tilespmem:v6+s18+$0x0], $0xffff  }
0x247: {  	v2 =	vld.idx.msk [tilespmem:v7+s18+$0x0], $0xffff;
	[tilespmem:s25+$0x30] =	vst v9  }
0x248: {  	s28 =	simm.s32 $0xC0;
	s26 =	simm.s32 $0x0;
	v4 =	vld.idx.msk [tilespmem:v8+s18+$0x0], $0xffff;
	[tilespmem:s25+$0xFFFFFFD0] =	vst v10  }
.LBB2_26:
0x249: {  	v6 =	vld [tilespmem:s28+$0x30];
	s26 =	sadd.s32 $0x80, s26;
	[tilespmem:s25+$0xFFFFFFE0] =	vst v5  }
0x24a: {  	v5 =	vld [tilespmem:s28+$0xFFFFFFD0];
	p0 =	slt.u32 s26, $0xF80;
	[tilespmem:s25+$0xFFFFFFF0] =	vst v3  }
0x24b: {  	v3 =	vld [tilespmem:s28+$0xFFFFFFE0];
	[tilespmem:s25+$0x0] =	vst v0  }
0x24c: {  	v0 =	vld [tilespmem:s28+$0xFFFFFFF0];
	[tilespmem:s25+$0x10] =	vst v1  }
0x24d: {  	v1 =	vld [tilespmem:s28+$0x0];
	[tilespmem:s25+$0x20] =	vst v2  }
0x24e: {  	v2 =	vld [tilespmem:s28+$0x10];
	[tilespmem:s25+$0xFFFFFFC0] =	vst v4  }
0x24f: {  	v4 =	vld [tilespmem:s28+$0x20]  }
0x250: {  	v7 =	vld [tilespmem:s28+$0xFFFFFFC0]  }
0x251: {  	v6 =	vld.idx.msk [tilespmem:v6+s18+$0x0], $0xffff  }
0x252: {  	v8 =	vld.idx.msk [tilespmem:v5+s18+$0x0], $0xffff  }
0x253: {  	v5 =	vld.idx.msk [tilespmem:v3+s18+$0x0], $0xffff  }
.Ltmp12:
0x254: {  	v3 =	vld.idx.msk [tilespmem:v0+s18+$0x0], $0xffff;
	(pc) =	sbr.rel @p0 .LBB2_26-.Ltmp12, $4  }
0x255: {  	v0 =	vld.idx.msk [tilespmem:v1+s18+$0x0], $0xffff  }
0x256: {  	s25 =	sadd.s32 $0x80, s25;
	v1 =	vld.idx.msk [tilespmem:v2+s18+$0x0], $0xffff  }
0x257: {  	v2 =	vld.idx.msk [tilespmem:v4+s18+$0x0], $0xffff;
	[tilespmem:s25+$0x30] =	vst v6  }
0x258: {  	s28 =	sadd.s32 $0x80, s28;
	v4 =	vld.idx.msk [tilespmem:v7+s18+$0x0], $0xffff;
	[tilespmem:s25+$0xFFFFFFD0] =	vst v8  }
0x259: {  	[tilespmem:s25+$0xFFFFFFE0] =	vst v5  }
0x25a: {  	[tilespmem:s25+$0xFFFFFFF0] =	vst v3  }
0x25b: {  	[tilespmem:s25+$0x0] =	vst v0  }
0x25c: {  	[tilespmem:s25+$0x10] =	vst v1  }
0x25d: {  	[tilespmem:s25+$0x20] =	vst v2  }
0x25e: {  	[tilespmem:s25+$0xFFFFFFC0] =	vst v4  }
0x25f: {  	s25 =	rddreg [dreg:$0x12]  }
0x260: {  	[hbm4b:s25+s16] =	stream.strided.scatter [tilespmem:s20], [sflag:$0x1], $0x1000, s17, s16, $0x38;
	[tilespmem:$0x1F700] =	vst v63  }
0x261: {  	_ =	swait.ge [sflag:s23], $0x1000  }
0x262: {  	[sflag:s23] =	ssyncset.done $0x0  }
0x263: {  	s26 =	simm.s32 $0x1070;
	[sflag:s23] =	ssyncadd.s32 $0xFFFFF000  }
0x264: {  	v0 =	vld [tilespmem:s26+$0x0]  }
0x265: {  	v1 =	vld [tilespmem:s26+$0xFFFFFFA0]  }
0x266: {  	v2 =	vld [tilespmem:s26+$0xFFFFFFB0]  }
0x267: {  	v3 =	vld [tilespmem:s26+$0xFFFFFFC0]  }
0x268: {  	v4 =	vld [tilespmem:s26+$0xFFFFFFD0]  }
0x269: {  	v6 =	vld [tilespmem:s26+$0xFFFFFFE0]  }
0x26a: {  	v7 =	vld [tilespmem:s26+$0xFFFFFFF0]  }
0x26b: {  	v8 =	vld [tilespmem:s26+$0xFFFFFF90]  }
0x26c: {  	v9 =	vld.idx.msk [tilespmem:v0+s18+$0x0], $0xffff  }
0x26d: {  	v10 =	vld.idx.msk [tilespmem:v1+s18+$0x0], $0xffff  }
0x26e: {  	v5 =	vld.idx.msk [tilespmem:v2+s18+$0x0], $0xffff  }
0x26f: {  	v3 =	vld.idx.msk [tilespmem:v3+s18+$0x0], $0xffff  }
0x270: {  	v0 =	vld.idx.msk [tilespmem:v4+s18+$0x0], $0xffff  }
0x271: {  	s25 =	simm.s32 $0x1D770;
	v1 =	vld.idx.msk [tilespmem:v6+s18+$0x0], $0xffff  }
0x272: {  	v2 =	vld.idx.msk [tilespmem:v7+s18+$0x0], $0xffff;
	[tilespmem:s25+$0x0] =	vst v9  }
0x273: {  	s28 =	simm.s32 $0x10F0;
	s26 =	simm.s32 $0x0;
	v4 =	vld.idx.msk [tilespmem:v8+s18+$0x0], $0xffff;
	[tilespmem:s25+$0xFFFFFFA0] =	vst v10  }
.LBB2_28:
0x274: {  	v6 =	vld [tilespmem:s28+$0x0];
	s26 =	sadd.s32 $0x80, s26;
	[tilespmem:s25+$0xFFFFFFB0] =	vst v5  }
0x275: {  	v5 =	vld [tilespmem:s28+$0xFFFFFFA0];
	p0 =	slt.u32 s26, $0xF80;
	[tilespmem:s25+$0xFFFFFFC0] =	vst v3  }
0x276: {  	v3 =	vld [tilespmem:s28+$0xFFFFFFB0];
	[tilespmem:s25+$0xFFFFFFD0] =	vst v0  }
0x277: {  	v0 =	vld [tilespmem:s28+$0xFFFFFFC0];
	[tilespmem:s25+$0xFFFFFFE0] =	vst v1  }
0x278: {  	v1 =	vld [tilespmem:s28+$0xFFFFFFD0];
	[tilespmem:s25+$0xFFFFFFF0] =	vst v2  }
0x279: {  	v2 =	vld [tilespmem:s28+$0xFFFFFFE0];
	[tilespmem:s25+$0xFFFFFF90] =	vst v4  }
0x27a: {  	v4 =	vld [tilespmem:s28+$0xFFFFFFF0]  }
0x27b: {  	v7 =	vld [tilespmem:s28+$0xFFFFFF90]  }
0x27c: {  	v6 =	vld.idx.msk [tilespmem:v6+s18+$0x0], $0xffff  }
0x27d: {  	v8 =	vld.idx.msk [tilespmem:v5+s18+$0x0], $0xffff  }
0x27e: {  	v5 =	vld.idx.msk [tilespmem:v3+s18+$0x0], $0xffff  }
.Ltmp13:
0x27f: {  	v3 =	vld.idx.msk [tilespmem:v0+s18+$0x0], $0xffff;
	(pc) =	sbr.rel @p0 .LBB2_28-.Ltmp13, $4  }
0x280: {  	v0 =	vld.idx.msk [tilespmem:v1+s18+$0x0], $0xffff  }
0x281: {  	s25 =	sadd.s32 $0x80, s25;
	v1 =	vld.idx.msk [tilespmem:v2+s18+$0x0], $0xffff  }
0x282: {  	v2 =	vld.idx.msk [tilespmem:v4+s18+$0x0], $0xffff;
	[tilespmem:s25+$0x0] =	vst v6  }
0x283: {  	s28 =	sadd.s32 $0x80, s28;
	v4 =	vld.idx.msk [tilespmem:v7+s18+$0x0], $0xffff;
	[tilespmem:s25+$0xFFFFFFA0] =	vst v8  }
0x284: {  	[tilespmem:s25+$0xFFFFFFB0] =	vst v5  }
0x285: {  	[tilespmem:s25+$0xFFFFFFC0] =	vst v3  }
0x286: {  	[tilespmem:s25+$0xFFFFFFD0] =	vst v0  }
0x287: {  	[tilespmem:s25+$0xFFFFFFE0] =	vst v1  }
0x288: {  	[tilespmem:s25+$0xFFFFFFF0] =	vst v2  }
0x289: {  	[tilespmem:s25+$0xFFFFFF90] =	vst v4  }
0x28a: {  	s25 =	rddreg [dreg:$0x13]  }
0x28b: {  	[hbm4b:s25+s16] =	stream.strided.scatter [tilespmem:s21], [sflag:$0x1], $0x1000, s17, s16, $0x38;
	[tilespmem:$0x1F700] =	vst v63  }
0x28c: {  	_ =	swait.ge [sflag:s23], $0x1000  }
0x28d: {  	[sflag:s23] =	ssyncset.done $0x0  }
0x28e: {  	s26 =	simm.s32 $0x2070;
	[sflag:s23] =	ssyncadd.s32 $0xFFFFF000  }
0x28f: {  	v0 =	vld [tilespmem:s26+$0x0]  }
0x290: {  	v1 =	vld [tilespmem:s26+$0xFFFFFFA0]  }
0x291: {  	v2 =	vld [tilespmem:s26+$0xFFFFFFB0]  }
0x292: {  	v3 =	vld [tilespmem:s26+$0xFFFFFFC0]  }
0x293: {  	v4 =	vld [tilespmem:s26+$0xFFFFFFD0]  }
0x294: {  	v6 =	vld [tilespmem:s26+$0xFFFFFFE0]  }
0x295: {  	v7 =	vld [tilespmem:s26+$0xFFFFFFF0]  }
0x296: {  	v8 =	vld [tilespmem:s26+$0xFFFFFF90]  }
0x297: {  	v9 =	vld.idx.msk [tilespmem:v0+s18+$0x0], $0xffff  }
0x298: {  	v10 =	vld.idx.msk [tilespmem:v1+s18+$0x0], $0xffff  }
0x299: {  	v5 =	vld.idx.msk [tilespmem:v2+s18+$0x0], $0xffff  }
0x29a: {  	v3 =	vld.idx.msk [tilespmem:v3+s18+$0x0], $0xffff  }
0x29b: {  	v0 =	vld.idx.msk [tilespmem:v4+s18+$0x0], $0xffff  }
0x29c: {  	s25 =	simm.s32 $0x1E770;
	v1 =	vld.idx.msk [tilespmem:v6+s18+$0x0], $0xffff  }
0x29d: {  	v2 =	vld.idx.msk [tilespmem:v7+s18+$0x0], $0xffff;
	[tilespmem:s25+$0x0] =	vst v9  }
0x29e: {  	s28 =	simm.s32 $0x20F0;
	s26 =	simm.s32 $0x0;
	v4 =	vld.idx.msk [tilespmem:v8+s18+$0x0], $0xffff;
	[tilespmem:s25+$0xFFFFFFA0] =	vst v10  }
.LBB2_30:
0x29f: {  	v6 =	vld [tilespmem:s28+$0x0];
	s26 =	sadd.s32 $0x80, s26;
	[tilespmem:s25+$0xFFFFFFB0] =	vst v5  }
0x2a0: {  	v5 =	vld [tilespmem:s28+$0xFFFFFFA0];
	p0 =	slt.u32 s26, $0xF80;
	[tilespmem:s25+$0xFFFFFFC0] =	vst v3  }
0x2a1: {  	v3 =	vld [tilespmem:s28+$0xFFFFFFB0];
	[tilespmem:s25+$0xFFFFFFD0] =	vst v0  }
0x2a2: {  	v0 =	vld [tilespmem:s28+$0xFFFFFFC0];
	[tilespmem:s25+$0xFFFFFFE0] =	vst v1  }
0x2a3: {  	v1 =	vld [tilespmem:s28+$0xFFFFFFD0];
	[tilespmem:s25+$0xFFFFFFF0] =	vst v2  }
0x2a4: {  	v2 =	vld [tilespmem:s28+$0xFFFFFFE0];
	[tilespmem:s25+$0xFFFFFF90] =	vst v4  }
0x2a5: {  	v4 =	vld [tilespmem:s28+$0xFFFFFFF0]  }
0x2a6: {  	v7 =	vld [tilespmem:s28+$0xFFFFFF90]  }
0x2a7: {  	v6 =	vld.idx.msk [tilespmem:v6+s18+$0x0], $0xffff  }
0x2a8: {  	v8 =	vld.idx.msk [tilespmem:v5+s18+$0x0], $0xffff  }
0x2a9: {  	v5 =	vld.idx.msk [tilespmem:v3+s18+$0x0], $0xffff  }
.Ltmp14:
0x2aa: {  	v3 =	vld.idx.msk [tilespmem:v0+s18+$0x0], $0xffff;
	(pc) =	sbr.rel @p0 .LBB2_30-.Ltmp14, $4  }
0x2ab: {  	v0 =	vld.idx.msk [tilespmem:v1+s18+$0x0], $0xffff  }
0x2ac: {  	s25 =	sadd.s32 $0x80, s25;
	v1 =	vld.idx.msk [tilespmem:v2+s18+$0x0], $0xffff  }
0x2ad: {  	v2 =	vld.idx.msk [tilespmem:v4+s18+$0x0], $0xffff;
	[tilespmem:s25+$0x0] =	vst v6  }
0x2ae: {  	s28 =	sadd.s32 $0x80, s28;
	v4 =	vld.idx.msk [tilespmem:v7+s18+$0x0], $0xffff;
	[tilespmem:s25+$0xFFFFFFA0] =	vst v8  }
0x2af: {  	[tilespmem:s25+$0xFFFFFFB0] =	vst v5  }
0x2b0: {  	[tilespmem:s25+$0xFFFFFFC0] =	vst v3  }
0x2b1: {  	[tilespmem:s25+$0xFFFFFFD0] =	vst v0  }
0x2b2: {  	[tilespmem:s25+$0xFFFFFFE0] =	vst v1  }
0x2b3: {  	[tilespmem:s25+$0xFFFFFFF0] =	vst v2  }
0x2b4: {  	[tilespmem:s25+$0xFFFFFF90] =	vst v4  }
0x2b5: {  	s25 =	rddreg [dreg:$0x14]  }
0x2b6: {  	[hbm4b:s25+s16] =	stream.strided.scatter [tilespmem:s22], [sflag:$0x1], $0x1000, s17, s16, $0x38;
	[tilespmem:$0x1F700] =	vst v63  }
0x2b7: {  	_ =	swait.ge [sflag:s23], $0x1000  }
0x2b8: {  	[sflag:s23] =	ssyncset.done $0x0  }
0x2b9: {  	s26 =	simm.s32 $0x3070;
	[sflag:s23] =	ssyncadd.s32 $0xFFFFF000  }
0x2ba: {  	v0 =	vld [tilespmem:s26+$0x0]  }
0x2bb: {  	v1 =	vld [tilespmem:s26+$0xFFFFFFA0]  }
0x2bc: {  	v2 =	vld [tilespmem:s26+$0xFFFFFFB0]  }
0x2bd: {  	v3 =	vld [tilespmem:s26+$0xFFFFFFC0]  }
0x2be: {  	v4 =	vld [tilespmem:s26+$0xFFFFFFD0]  }
0x2bf: {  	v6 =	vld [tilespmem:s26+$0xFFFFFFE0]  }
0x2c0: {  	v7 =	vld [tilespmem:s26+$0xFFFFFFF0]  }
0x2c1: {  	v8 =	vld [tilespmem:s26+$0xFFFFFF90]  }
0x2c2: {  	v9 =	vld.idx.msk [tilespmem:v0+s18+$0x0], $0xffff  }
0x2c3: {  	v10 =	vld.idx.msk [tilespmem:v1+s18+$0x0], $0xffff  }
0x2c4: {  	v5 =	vld.idx.msk [tilespmem:v2+s18+$0x0], $0xffff  }
0x2c5: {  	v3 =	vld.idx.msk [tilespmem:v3+s18+$0x0], $0xffff  }
0x2c6: {  	v0 =	vld.idx.msk [tilespmem:v4+s18+$0x0], $0xffff  }
0x2c7: {  	s25 =	simm.s32 $0x1C740;
	v1 =	vld.idx.msk [tilespmem:v6+s18+$0x0], $0xffff  }
0x2c8: {  	v2 =	vld.idx.msk [tilespmem:v7+s18+$0x0], $0xffff;
	[tilespmem:s25+$0x30] =	vst v9  }
0x2c9: {  	s28 =	simm.s32 $0x30F0;
	s26 =	simm.s32 $0x0;
	v4 =	vld.idx.msk [tilespmem:v8+s18+$0x0], $0xffff;
	[tilespmem:s25+$0xFFFFFFD0] =	vst v10  }
.LBB2_32:
0x2ca: {  	v6 =	vld [tilespmem:s28+$0x0];
	s26 =	sadd.s32 $0x80, s26;
	[tilespmem:s25+$0xFFFFFFE0] =	vst v5  }
0x2cb: {  	v5 =	vld [tilespmem:s28+$0xFFFFFFA0];
	p0 =	slt.u32 s26, $0xF80;
	[tilespmem:s25+$0xFFFFFFF0] =	vst v3  }
0x2cc: {  	v3 =	vld [tilespmem:s28+$0xFFFFFFB0];
	[tilespmem:s25+$0x0] =	vst v0  }
0x2cd: {  	v0 =	vld [tilespmem:s28+$0xFFFFFFC0];
	[tilespmem:s25+$0x10] =	vst v1  }
0x2ce: {  	v1 =	vld [tilespmem:s28+$0xFFFFFFD0];
	[tilespmem:s25+$0x20] =	vst v2  }
0x2cf: {  	v2 =	vld [tilespmem:s28+$0xFFFFFFE0];
	[tilespmem:s25+$0xFFFFFFC0] =	vst v4  }
0x2d0: {  	v4 =	vld [tilespmem:s28+$0xFFFFFFF0]  }
0x2d1: {  	v7 =	vld [tilespmem:s28+$0xFFFFFF90]  }
0x2d2: {  	v6 =	vld.idx.msk [tilespmem:v6+s18+$0x0], $0xffff  }
0x2d3: {  	v8 =	vld.idx.msk [tilespmem:v5+s18+$0x0], $0xffff  }
0x2d4: {  	v5 =	vld.idx.msk [tilespmem:v3+s18+$0x0], $0xffff  }
.Ltmp15:
0x2d5: {  	v3 =	vld.idx.msk [tilespmem:v0+s18+$0x0], $0xffff;
	(pc) =	sbr.rel @p0 .LBB2_32-.Ltmp15, $4  }
0x2d6: {  	v0 =	vld.idx.msk [tilespmem:v1+s18+$0x0], $0xffff  }
0x2d7: {  	s25 =	sadd.s32 $0x80, s25;
	v1 =	vld.idx.msk [tilespmem:v2+s18+$0x0], $0xffff  }
0x2d8: {  	v2 =	vld.idx.msk [tilespmem:v4+s18+$0x0], $0xffff;
	[tilespmem:s25+$0x30] =	vst v6  }
0x2d9: {  	s28 =	sadd.s32 $0x80, s28;
	v4 =	vld.idx.msk [tilespmem:v7+s18+$0x0], $0xffff;
	[tilespmem:s25+$0xFFFFFFD0] =	vst v8  }
0x2da: {  	[tilespmem:s25+$0xFFFFFFE0] =	vst v5  }
0x2db: {  	[tilespmem:s25+$0xFFFFFFF0] =	vst v3  }
0x2dc: {  	[tilespmem:s25+$0x0] =	vst v0  }
0x2dd: {  	[tilespmem:s25+$0x10] =	vst v1  }
0x2de: {  	[tilespmem:s25+$0x20] =	vst v2  }
0x2df: {  	[tilespmem:s25+$0xFFFFFFC0] =	vst v4  }
0x2e0: {  	s25 =	rddreg [dreg:$0x15]  }
0x2e1: {  	[hbm4b:s25+s16] =	stream.strided.scatter [tilespmem:s20], [sflag:$0x1], $0x1000, s17, s16, $0x38;
	[tilespmem:$0x1F700] =	vst v63  }
0x2e2: {  	s26 =	rddreg [dreg:$0x16]  }
0x2e3: {  	[tilespmem:s18], [sflag:$0x2] =	stream.strided.gather [hbm4b:s26+s16], $0x18700, s17, s16, $0x38;
	[tilespmem:$0x1F700] =	vst v63  }
0x2e4: {  	_ =	swait.ge [sflag:s19], $0x18700  }
0x2e5: {  	[sflag:s19] =	ssyncset.done $0x0  }
0x2e6: {  	[sflag:s19] =	ssyncadd.s32 $0xFFFE7900  }
0x2e7: {  	_ =	swait.ge [sflag:s23], $0x1000  }
0x2e8: {  	[sflag:s23] =	ssyncset.done $0x0  }
0x2e9: {  	s26 =	simm.s32 $0x40;
	[sflag:s23] =	ssyncadd.s32 $0xFFFFF000  }
0x2ea: {  	v0 =	vld [tilespmem:s26+$0x30]  }
0x2eb: {  	v1 =	vld [tilespmem:s26+$0xFFFFFFD0]  }
0x2ec: {  	v2 =	vld [tilespmem:s26+$0xFFFFFFE0]  }
0x2ed: {  	v3 =	vld [tilespmem:s26+$0xFFFFFFF0]  }
0x2ee: {  	v4 =	vld [tilespmem:s26+$0x0]  }
0x2ef: {  	v6 =	vld [tilespmem:s26+$0x10]  }
0x2f0: {  	v7 =	vld [tilespmem:s26+$0x20]  }
0x2f1: {  	v8 =	vld [tilespmem:s26+$0xFFFFFFC0]  }
0x2f2: {  	v9 =	vld.idx.msk [tilespmem:v0+s18+$0x0], $0xffff  }
0x2f3: {  	v10 =	vld.idx.msk [tilespmem:v1+s18+$0x0], $0xffff  }
0x2f4: {  	v5 =	vld.idx.msk [tilespmem:v2+s18+$0x0], $0xffff  }
0x2f5: {  	v3 =	vld.idx.msk [tilespmem:v3+s18+$0x0], $0xffff  }
0x2f6: {  	v0 =	vld.idx.msk [tilespmem:v4+s18+$0x0], $0xffff  }
0x2f7: {  	s25 =	simm.s32 $0x1C740;
	v1 =	vld.idx.msk [tilespmem:v6+s18+$0x0], $0xffff  }
0x2f8: {  	v2 =	vld.idx.msk [tilespmem:v7+s18+$0x0], $0xffff;
	[tilespmem:s25+$0x30] =	vst v9  }
0x2f9: {  	s28 =	simm.s32 $0xC0;
	s26 =	simm.s32 $0x0;
	v4 =	vld.idx.msk [tilespmem:v8+s18+$0x0], $0xffff;
	[tilespmem:s25+$0xFFFFFFD0] =	vst v10  }
.LBB2_34:
0x2fa: {  	v6 =	vld [tilespmem:s28+$0x30];
	s26 =	sadd.s32 $0x80, s26;
	[tilespmem:s25+$0xFFFFFFE0] =	vst v5  }
0x2fb: {  	v5 =	vld [tilespmem:s28+$0xFFFFFFD0];
	p0 =	slt.u32 s26, $0xF80;
	[tilespmem:s25+$0xFFFFFFF0] =	vst v3  }
0x2fc: {  	v3 =	vld [tilespmem:s28+$0xFFFFFFE0];
	[tilespmem:s25+$0x0] =	vst v0  }
0x2fd: {  	v0 =	vld [tilespmem:s28+$0xFFFFFFF0];
	[tilespmem:s25+$0x10] =	vst v1  }
0x2fe: {  	v1 =	vld [tilespmem:s28+$0x0];
	[tilespmem:s25+$0x20] =	vst v2  }
0x2ff: {  	v2 =	vld [tilespmem:s28+$0x10];
	[tilespmem:s25+$0xFFFFFFC0] =	vst v4  }
0x300: {  	v4 =	vld [tilespmem:s28+$0x20]  }
0x301: {  	v7 =	vld [tilespmem:s28+$0xFFFFFFC0]  }
0x302: {  	v6 =	vld.idx.msk [tilespmem:v6+s18+$0x0], $0xffff  }
0x303: {  	v8 =	vld.idx.msk [tilespmem:v5+s18+$0x0], $0xffff  }
0x304: {  	v5 =	vld.idx.msk [tilespmem:v3+s18+$0x0], $0xffff  }
.Ltmp16:
0x305: {  	v3 =	vld.idx.msk [tilespmem:v0+s18+$0x0], $0xffff;
	(pc) =	sbr.rel @p0 .LBB2_34-.Ltmp16, $4  }
0x306: {  	v0 =	vld.idx.msk [tilespmem:v1+s18+$0x0], $0xffff  }
0x307: {  	s25 =	sadd.s32 $0x80, s25;
	v1 =	vld.idx.msk [tilespmem:v2+s18+$0x0], $0xffff  }
0x308: {  	v2 =	vld.idx.msk [tilespmem:v4+s18+$0x0], $0xffff;
	[tilespmem:s25+$0x30] =	vst v6  }
0x309: {  	s28 =	sadd.s32 $0x80, s28;
	v4 =	vld.idx.msk [tilespmem:v7+s18+$0x0], $0xffff;
	[tilespmem:s25+$0xFFFFFFD0] =	vst v8  }
0x30a: {  	[tilespmem:s25+$0xFFFFFFE0] =	vst v5  }
0x30b: {  	[tilespmem:s25+$0xFFFFFFF0] =	vst v3  }
0x30c: {  	[tilespmem:s25+$0x0] =	vst v0  }
0x30d: {  	[tilespmem:s25+$0x10] =	vst v1  }
0x30e: {  	[tilespmem:s25+$0x20] =	vst v2  }
0x30f: {  	[tilespmem:s25+$0xFFFFFFC0] =	vst v4  }
0x310: {  	s25 =	rddreg [dreg:$0x18]  }
0x311: {  	[hbm4b:s25+s16] =	stream.strided.scatter [tilespmem:s20], [sflag:$0x1], $0x1000, s17, s16, $0x38;
	[tilespmem:$0x1F700] =	vst v63  }
0x312: {  	_ =	swait.ge [sflag:s23], $0x1000  }
0x313: {  	[sflag:s23] =	ssyncset.done $0x0  }
0x314: {  	s26 =	simm.s32 $0x1070;
	[sflag:s23] =	ssyncadd.s32 $0xFFFFF000  }
0x315: {  	v0 =	vld [tilespmem:s26+$0x0]  }
0x316: {  	v1 =	vld [tilespmem:s26+$0xFFFFFFA0]  }
0x317: {  	v2 =	vld [tilespmem:s26+$0xFFFFFFB0]  }
0x318: {  	v3 =	vld [tilespmem:s26+$0xFFFFFFC0]  }
0x319: {  	v4 =	vld [tilespmem:s26+$0xFFFFFFD0]  }
0x31a: {  	v6 =	vld [tilespmem:s26+$0xFFFFFFE0]  }
0x31b: {  	v7 =	vld [tilespmem:s26+$0xFFFFFFF0]  }
0x31c: {  	v8 =	vld [tilespmem:s26+$0xFFFFFF90]  }
0x31d: {  	v9 =	vld.idx.msk [tilespmem:v0+s18+$0x0], $0xffff  }
0x31e: {  	v10 =	vld.idx.msk [tilespmem:v1+s18+$0x0], $0xffff  }
0x31f: {  	v5 =	vld.idx.msk [tilespmem:v2+s18+$0x0], $0xffff  }
0x320: {  	v3 =	vld.idx.msk [tilespmem:v3+s18+$0x0], $0xffff  }
0x321: {  	v0 =	vld.idx.msk [tilespmem:v4+s18+$0x0], $0xffff  }
0x322: {  	s25 =	simm.s32 $0x1D770;
	v1 =	vld.idx.msk [tilespmem:v6+s18+$0x0], $0xffff  }
0x323: {  	v2 =	vld.idx.msk [tilespmem:v7+s18+$0x0], $0xffff;
	[tilespmem:s25+$0x0] =	vst v9  }
0x324: {  	s28 =	simm.s32 $0x10F0;
	s26 =	simm.s32 $0x0;
	v4 =	vld.idx.msk [tilespmem:v8+s18+$0x0], $0xffff;
	[tilespmem:s25+$0xFFFFFFA0] =	vst v10  }
.LBB2_36:
0x325: {  	v6 =	vld [tilespmem:s28+$0x0];
	s26 =	sadd.s32 $0x80, s26;
	[tilespmem:s25+$0xFFFFFFB0] =	vst v5  }
0x326: {  	v5 =	vld [tilespmem:s28+$0xFFFFFFA0];
	p0 =	slt.u32 s26, $0xF80;
	[tilespmem:s25+$0xFFFFFFC0] =	vst v3  }
0x327: {  	v3 =	vld [tilespmem:s28+$0xFFFFFFB0];
	[tilespmem:s25+$0xFFFFFFD0] =	vst v0  }
0x328: {  	v0 =	vld [tilespmem:s28+$0xFFFFFFC0];
	[tilespmem:s25+$0xFFFFFFE0] =	vst v1  }
0x329: {  	v1 =	vld [tilespmem:s28+$0xFFFFFFD0];
	[tilespmem:s25+$0xFFFFFFF0] =	vst v2  }
0x32a: {  	v2 =	vld [tilespmem:s28+$0xFFFFFFE0];
	[tilespmem:s25+$0xFFFFFF90] =	vst v4  }
0x32b: {  	v4 =	vld [tilespmem:s28+$0xFFFFFFF0]  }
0x32c: {  	v7 =	vld [tilespmem:s28+$0xFFFFFF90]  }
0x32d: {  	v6 =	vld.idx.msk [tilespmem:v6+s18+$0x0], $0xffff  }
0x32e: {  	v8 =	vld.idx.msk [tilespmem:v5+s18+$0x0], $0xffff  }
0x32f: {  	v5 =	vld.idx.msk [tilespmem:v3+s18+$0x0], $0xffff  }
.Ltmp17:
0x330: {  	v3 =	vld.idx.msk [tilespmem:v0+s18+$0x0], $0xffff;
	(pc) =	sbr.rel @p0 .LBB2_36-.Ltmp17, $4  }
0x331: {  	v0 =	vld.idx.msk [tilespmem:v1+s18+$0x0], $0xffff  }
0x332: {  	s25 =	sadd.s32 $0x80, s25;
	v1 =	vld.idx.msk [tilespmem:v2+s18+$0x0], $0xffff  }
0x333: {  	v2 =	vld.idx.msk [tilespmem:v4+s18+$0x0], $0xffff;
	[tilespmem:s25+$0x0] =	vst v6  }
0x334: {  	s28 =	sadd.s32 $0x80, s28;
	v4 =	vld.idx.msk [tilespmem:v7+s18+$0x0], $0xffff;
	[tilespmem:s25+$0xFFFFFFA0] =	vst v8  }
0x335: {  	[tilespmem:s25+$0xFFFFFFB0] =	vst v5  }
0x336: {  	[tilespmem:s25+$0xFFFFFFC0] =	vst v3  }
0x337: {  	[tilespmem:s25+$0xFFFFFFD0] =	vst v0  }
0x338: {  	[tilespmem:s25+$0xFFFFFFE0] =	vst v1  }
0x339: {  	[tilespmem:s25+$0xFFFFFFF0] =	vst v2  }
0x33a: {  	[tilespmem:s25+$0xFFFFFF90] =	vst v4  }
0x33b: {  	s25 =	rddreg [dreg:$0x19]  }
0x33c: {  	[hbm4b:s25+s16] =	stream.strided.scatter [tilespmem:s21], [sflag:$0x1], $0x1000, s17, s16, $0x38;
	[tilespmem:$0x1F700] =	vst v63  }
0x33d: {  	_ =	swait.ge [sflag:s23], $0x1000  }
0x33e: {  	[sflag:s23] =	ssyncset.done $0x0  }
0x33f: {  	s26 =	simm.s32 $0x2070;
	[sflag:s23] =	ssyncadd.s32 $0xFFFFF000  }
0x340: {  	v0 =	vld [tilespmem:s26+$0x0]  }
0x341: {  	v1 =	vld [tilespmem:s26+$0xFFFFFFA0]  }
0x342: {  	v2 =	vld [tilespmem:s26+$0xFFFFFFB0]  }
0x343: {  	v3 =	vld [tilespmem:s26+$0xFFFFFFC0]  }
0x344: {  	v4 =	vld [tilespmem:s26+$0xFFFFFFD0]  }
0x345: {  	v6 =	vld [tilespmem:s26+$0xFFFFFFE0]  }
0x346: {  	v7 =	vld [tilespmem:s26+$0xFFFFFFF0]  }
0x347: {  	v8 =	vld [tilespmem:s26+$0xFFFFFF90]  }
0x348: {  	v9 =	vld.idx.msk [tilespmem:v0+s18+$0x0], $0xffff  }
0x349: {  	v10 =	vld.idx.msk [tilespmem:v1+s18+$0x0], $0xffff  }
0x34a: {  	v5 =	vld.idx.msk [tilespmem:v2+s18+$0x0], $0xffff  }
0x34b: {  	v3 =	vld.idx.msk [tilespmem:v3+s18+$0x0], $0xffff  }
0x34c: {  	v0 =	vld.idx.msk [tilespmem:v4+s18+$0x0], $0xffff  }
0x34d: {  	s25 =	simm.s32 $0x1E770;
	v1 =	vld.idx.msk [tilespmem:v6+s18+$0x0], $0xffff  }
0x34e: {  	v2 =	vld.idx.msk [tilespmem:v7+s18+$0x0], $0xffff;
	[tilespmem:s25+$0x0] =	vst v9  }
0x34f: {  	s28 =	simm.s32 $0x20F0;
	s26 =	simm.s32 $0x0;
	v4 =	vld.idx.msk [tilespmem:v8+s18+$0x0], $0xffff;
	[tilespmem:s25+$0xFFFFFFA0] =	vst v10  }
.LBB2_38:
0x350: {  	v6 =	vld [tilespmem:s28+$0x0];
	s26 =	sadd.s32 $0x80, s26;
	[tilespmem:s25+$0xFFFFFFB0] =	vst v5  }
0x351: {  	v5 =	vld [tilespmem:s28+$0xFFFFFFA0];
	p0 =	slt.u32 s26, $0xF80;
	[tilespmem:s25+$0xFFFFFFC0] =	vst v3  }
0x352: {  	v3 =	vld [tilespmem:s28+$0xFFFFFFB0];
	[tilespmem:s25+$0xFFFFFFD0] =	vst v0  }
0x353: {  	v0 =	vld [tilespmem:s28+$0xFFFFFFC0];
	[tilespmem:s25+$0xFFFFFFE0] =	vst v1  }
0x354: {  	v1 =	vld [tilespmem:s28+$0xFFFFFFD0];
	[tilespmem:s25+$0xFFFFFFF0] =	vst v2  }
0x355: {  	v2 =	vld [tilespmem:s28+$0xFFFFFFE0];
	[tilespmem:s25+$0xFFFFFF90] =	vst v4  }
0x356: {  	v4 =	vld [tilespmem:s28+$0xFFFFFFF0]  }
0x357: {  	v7 =	vld [tilespmem:s28+$0xFFFFFF90]  }
0x358: {  	v6 =	vld.idx.msk [tilespmem:v6+s18+$0x0], $0xffff  }
0x359: {  	v8 =	vld.idx.msk [tilespmem:v5+s18+$0x0], $0xffff  }
0x35a: {  	v5 =	vld.idx.msk [tilespmem:v3+s18+$0x0], $0xffff  }
.Ltmp18:
0x35b: {  	v3 =	vld.idx.msk [tilespmem:v0+s18+$0x0], $0xffff;
	(pc) =	sbr.rel @p0 .LBB2_38-.Ltmp18, $4  }
0x35c: {  	v0 =	vld.idx.msk [tilespmem:v1+s18+$0x0], $0xffff  }
0x35d: {  	s25 =	sadd.s32 $0x80, s25;
	v1 =	vld.idx.msk [tilespmem:v2+s18+$0x0], $0xffff  }
0x35e: {  	v2 =	vld.idx.msk [tilespmem:v4+s18+$0x0], $0xffff;
	[tilespmem:s25+$0x0] =	vst v6  }
0x35f: {  	s28 =	sadd.s32 $0x80, s28;
	v4 =	vld.idx.msk [tilespmem:v7+s18+$0x0], $0xffff;
	[tilespmem:s25+$0xFFFFFFA0] =	vst v8  }
0x360: {  	[tilespmem:s25+$0xFFFFFFB0] =	vst v5  }
0x361: {  	[tilespmem:s25+$0xFFFFFFC0] =	vst v3  }
0x362: {  	[tilespmem:s25+$0xFFFFFFD0] =	vst v0  }
0x363: {  	[tilespmem:s25+$0xFFFFFFE0] =	vst v1  }
0x364: {  	[tilespmem:s25+$0xFFFFFFF0] =	vst v2  }
0x365: {  	[tilespmem:s25+$0xFFFFFF90] =	vst v4  }
0x366: {  	[hbm4b:s29+s16] =	stream.strided.scatter [tilespmem:s22], [sflag:$0x1], $0x1000, s17, s16, $0x38;
	[tilespmem:$0x1F700] =	vst v63  }
0x367: {  	_ =	swait.ge [sflag:s23], $0x1000  }
0x368: {  	[sflag:s23] =	ssyncset.done $0x0  }
0x369: {  	s26 =	simm.s32 $0x3070;
	[sflag:s23] =	ssyncadd.s32 $0xFFFFF000  }
0x36a: {  	v0 =	vld [tilespmem:s26+$0x0]  }
0x36b: {  	v1 =	vld [tilespmem:s26+$0xFFFFFFA0]  }
0x36c: {  	v2 =	vld [tilespmem:s26+$0xFFFFFFB0]  }
0x36d: {  	v3 =	vld [tilespmem:s26+$0xFFFFFFC0]  }
0x36e: {  	v4 =	vld [tilespmem:s26+$0xFFFFFFD0]  }
0x36f: {  	v6 =	vld [tilespmem:s26+$0xFFFFFFE0]  }
0x370: {  	v7 =	vld [tilespmem:s26+$0xFFFFFFF0]  }
0x371: {  	v8 =	vld [tilespmem:s26+$0xFFFFFF90]  }
0x372: {  	v9 =	vld.idx.msk [tilespmem:v0+s18+$0x0], $0xffff  }
0x373: {  	v10 =	vld.idx.msk [tilespmem:v1+s18+$0x0], $0xffff  }
0x374: {  	v5 =	vld.idx.msk [tilespmem:v2+s18+$0x0], $0xffff  }
0x375: {  	v3 =	vld.idx.msk [tilespmem:v3+s18+$0x0], $0xffff  }
0x376: {  	v0 =	vld.idx.msk [tilespmem:v4+s18+$0x0], $0xffff  }
0x377: {  	s25 =	simm.s32 $0x1C740;
	v1 =	vld.idx.msk [tilespmem:v6+s18+$0x0], $0xffff  }
0x378: {  	v2 =	vld.idx.msk [tilespmem:v7+s18+$0x0], $0xffff;
	[tilespmem:s25+$0x30] =	vst v9  }
0x379: {  	s28 =	simm.s32 $0x30F0;
	s26 =	simm.s32 $0x0;
	v4 =	vld.idx.msk [tilespmem:v8+s18+$0x0], $0xffff;
	[tilespmem:s25+$0xFFFFFFD0] =	vst v10  }
.LBB2_40:
0x37a: {  	v6 =	vld [tilespmem:s28+$0x0];
	s26 =	sadd.s32 $0x80, s26;
	[tilespmem:s25+$0xFFFFFFE0] =	vst v5  }
0x37b: {  	v5 =	vld [tilespmem:s28+$0xFFFFFFA0];
	p0 =	slt.u32 s26, $0xF80;
	[tilespmem:s25+$0xFFFFFFF0] =	vst v3  }
0x37c: {  	v3 =	vld [tilespmem:s28+$0xFFFFFFB0];
	[tilespmem:s25+$0x0] =	vst v0  }
0x37d: {  	v0 =	vld [tilespmem:s28+$0xFFFFFFC0];
	[tilespmem:s25+$0x10] =	vst v1  }
0x37e: {  	v1 =	vld [tilespmem:s28+$0xFFFFFFD0];
	[tilespmem:s25+$0x20] =	vst v2  }
0x37f: {  	v2 =	vld [tilespmem:s28+$0xFFFFFFE0];
	[tilespmem:s25+$0xFFFFFFC0] =	vst v4  }
0x380: {  	v4 =	vld [tilespmem:s28+$0xFFFFFFF0]  }
0x381: {  	v7 =	vld [tilespmem:s28+$0xFFFFFF90]  }
0x382: {  	v6 =	vld.idx.msk [tilespmem:v6+s18+$0x0], $0xffff  }
0x383: {  	v8 =	vld.idx.msk [tilespmem:v5+s18+$0x0], $0xffff  }
0x384: {  	v5 =	vld.idx.msk [tilespmem:v3+s18+$0x0], $0xffff  }
.Ltmp19:
0x385: {  	v3 =	vld.idx.msk [tilespmem:v0+s18+$0x0], $0xffff;
	(pc) =	sbr.rel @p0 .LBB2_40-.Ltmp19, $4  }
0x386: {  	v0 =	vld.idx.msk [tilespmem:v1+s18+$0x0], $0xffff  }
0x387: {  	s25 =	sadd.s32 $0x80, s25;
	v1 =	vld.idx.msk [tilespmem:v2+s18+$0x0], $0xffff  }
0x388: {  	v2 =	vld.idx.msk [tilespmem:v4+s18+$0x0], $0xffff;
	[tilespmem:s25+$0x30] =	vst v6  }
0x389: {  	s28 =	sadd.s32 $0x80, s28;
	v4 =	vld.idx.msk [tilespmem:v7+s18+$0x0], $0xffff;
	[tilespmem:s25+$0xFFFFFFD0] =	vst v8  }
0x38a: {  	[tilespmem:s25+$0xFFFFFFE0] =	vst v5  }
0x38b: {  	[tilespmem:s25+$0xFFFFFFF0] =	vst v3  }
0x38c: {  	[tilespmem:s25+$0x0] =	vst v0  }
0x38d: {  	[tilespmem:s25+$0x10] =	vst v1  }
0x38e: {  	[tilespmem:s25+$0x20] =	vst v2  }
0x38f: {  	[tilespmem:s25+$0xFFFFFFC0] =	vst v4  }
0x390: {  	[hbm4b:s30+s16] =	stream.strided.scatter [tilespmem:s20], [sflag:$0x1], $0x1000, s17, s16, $0x38;
	[tilespmem:$0x1F700] =	vst v63  }
0x391: {  	_ = 	snop  }
0x392: {  	[tilespmem:s18], [sflag:$0x2] =	stream.strided.gather [hbm4b:s31+s16], $0x18700, s17, s16, $0x38;
	[tilespmem:$0x1F700] =	vst v63  }
0x393: {  	_ =	swait.ge [sflag:s19], $0x18700  }
0x394: {  	[sflag:s19] =	ssyncset.done $0x0  }
0x395: {  	[sflag:s19] =	ssyncadd.s32 $0xFFFE7900  }
0x396: {  	_ =	swait.ge [sflag:s23], $0x1000  }
0x397: {  	[sflag:s23] =	ssyncset.done $0x0  }
0x398: {  	s26 =	simm.s32 $0x40;
	[sflag:s23] =	ssyncadd.s32 $0xFFFFF000  }
0x399: {  	v0 =	vld [tilespmem:s26+$0x30]  }
0x39a: {  	v1 =	vld [tilespmem:s26+$0xFFFFFFD0]  }
0x39b: {  	v2 =	vld [tilespmem:s26+$0xFFFFFFE0]  }
0x39c: {  	v3 =	vld [tilespmem:s26+$0xFFFFFFF0]  }
0x39d: {  	v4 =	vld [tilespmem:s26+$0x0]  }
0x39e: {  	v6 =	vld [tilespmem:s26+$0x10]  }
0x39f: {  	v7 =	vld [tilespmem:s26+$0x20]  }
0x3a0: {  	v8 =	vld [tilespmem:s26+$0xFFFFFFC0]  }
0x3a1: {  	v9 =	vld.idx.msk [tilespmem:v0+s18+$0x0], $0xffff  }
0x3a2: {  	v10 =	vld.idx.msk [tilespmem:v1+s18+$0x0], $0xffff  }
0x3a3: {  	v5 =	vld.idx.msk [tilespmem:v2+s18+$0x0], $0xffff  }
0x3a4: {  	v3 =	vld.idx.msk [tilespmem:v3+s18+$0x0], $0xffff  }
0x3a5: {  	v0 =	vld.idx.msk [tilespmem:v4+s18+$0x0], $0xffff  }
0x3a6: {  	s25 =	simm.s32 $0x1C740;
	v1 =	vld.idx.msk [tilespmem:v6+s18+$0x0], $0xffff  }
0x3a7: {  	v2 =	vld.idx.msk [tilespmem:v7+s18+$0x0], $0xffff;
	[tilespmem:s25+$0x30] =	vst v9  }
0x3a8: {  	s28 =	simm.s32 $0xC0;
	s26 =	simm.s32 $0x0;
	v4 =	vld.idx.msk [tilespmem:v8+s18+$0x0], $0xffff;
	[tilespmem:s25+$0xFFFFFFD0] =	vst v10  }
.LBB2_42:
0x3a9: {  	v6 =	vld [tilespmem:s28+$0x30];
	s26 =	sadd.s32 $0x80, s26;
	[tilespmem:s25+$0xFFFFFFE0] =	vst v5  }
0x3aa: {  	v5 =	vld [tilespmem:s28+$0xFFFFFFD0];
	p0 =	slt.u32 s26, $0xF80;
	[tilespmem:s25+$0xFFFFFFF0] =	vst v3  }
0x3ab: {  	v3 =	vld [tilespmem:s28+$0xFFFFFFE0];
	[tilespmem:s25+$0x0] =	vst v0  }
0x3ac: {  	v0 =	vld [tilespmem:s28+$0xFFFFFFF0];
	[tilespmem:s25+$0x10] =	vst v1  }
0x3ad: {  	v1 =	vld [tilespmem:s28+$0x0];
	[tilespmem:s25+$0x20] =	vst v2  }
0x3ae: {  	v2 =	vld [tilespmem:s28+$0x10];
	[tilespmem:s25+$0xFFFFFFC0] =	vst v4  }
0x3af: {  	v4 =	vld [tilespmem:s28+$0x20]  }
0x3b0: {  	v7 =	vld [tilespmem:s28+$0xFFFFFFC0]  }
0x3b1: {  	v6 =	vld.idx.msk [tilespmem:v6+s18+$0x0], $0xffff  }
0x3b2: {  	v8 =	vld.idx.msk [tilespmem:v5+s18+$0x0], $0xffff  }
0x3b3: {  	v5 =	vld.idx.msk [tilespmem:v3+s18+$0x0], $0xffff  }
.Ltmp20:
0x3b4: {  	v3 =	vld.idx.msk [tilespmem:v0+s18+$0x0], $0xffff;
	(pc) =	sbr.rel @p0 .LBB2_42-.Ltmp20, $4  }
0x3b5: {  	v0 =	vld.idx.msk [tilespmem:v1+s18+$0x0], $0xffff  }
0x3b6: {  	s25 =	sadd.s32 $0x80, s25;
	v1 =	vld.idx.msk [tilespmem:v2+s18+$0x0], $0xffff  }
0x3b7: {  	v2 =	vld.idx.msk [tilespmem:v4+s18+$0x0], $0xffff;
	[tilespmem:s25+$0x30] =	vst v6  }
0x3b8: {  	s28 =	sadd.s32 $0x80, s28;
	v4 =	vld.idx.msk [tilespmem:v7+s18+$0x0], $0xffff;
	[tilespmem:s25+$0xFFFFFFD0] =	vst v8  }
0x3b9: {  	[tilespmem:s25+$0xFFFFFFE0] =	vst v5  }
0x3ba: {  	[tilespmem:s25+$0xFFFFFFF0] =	vst v3  }
0x3bb: {  	[tilespmem:s25+$0x0] =	vst v0  }
0x3bc: {  	[tilespmem:s25+$0x10] =	vst v1  }
0x3bd: {  	[tilespmem:s25+$0x20] =	vst v2  }
0x3be: {  	[tilespmem:s25+$0xFFFFFFC0] =	vst v4  }
0x3bf: {  	[hbm4b:s1+s16] =	stream.strided.scatter [tilespmem:s20], [sflag:$0x1], $0x1000, s17, s16, $0x38;
	[tilespmem:$0x1F700] =	vst v63  }
0x3c0: {  	_ =	swait.ge [sflag:s23], $0x1000  }
0x3c1: {  	[sflag:s23] =	ssyncset.done $0x0  }
0x3c2: {  	s26 =	simm.s32 $0x1070;
	[sflag:s23] =	ssyncadd.s32 $0xFFFFF000  }
0x3c3: {  	v0 =	vld [tilespmem:s26+$0x0]  }
0x3c4: {  	v1 =	vld [tilespmem:s26+$0xFFFFFFA0]  }
0x3c5: {  	v2 =	vld [tilespmem:s26+$0xFFFFFFB0]  }
0x3c6: {  	v3 =	vld [tilespmem:s26+$0xFFFFFFC0]  }
0x3c7: {  	v4 =	vld [tilespmem:s26+$0xFFFFFFD0]  }
0x3c8: {  	v6 =	vld [tilespmem:s26+$0xFFFFFFE0]  }
0x3c9: {  	v7 =	vld [tilespmem:s26+$0xFFFFFFF0]  }
0x3ca: {  	v8 =	vld [tilespmem:s26+$0xFFFFFF90]  }
0x3cb: {  	v9 =	vld.idx.msk [tilespmem:v0+s18+$0x0], $0xffff  }
0x3cc: {  	v10 =	vld.idx.msk [tilespmem:v1+s18+$0x0], $0xffff  }
0x3cd: {  	v5 =	vld.idx.msk [tilespmem:v2+s18+$0x0], $0xffff  }
0x3ce: {  	v3 =	vld.idx.msk [tilespmem:v3+s18+$0x0], $0xffff  }
0x3cf: {  	v0 =	vld.idx.msk [tilespmem:v4+s18+$0x0], $0xffff  }
0x3d0: {  	s25 =	simm.s32 $0x1D770;
	v1 =	vld.idx.msk [tilespmem:v6+s18+$0x0], $0xffff  }
0x3d1: {  	v2 =	vld.idx.msk [tilespmem:v7+s18+$0x0], $0xffff;
	[tilespmem:s25+$0x0] =	vst v9  }
0x3d2: {  	s28 =	simm.s32 $0x10F0;
	s26 =	simm.s32 $0x0;
	v4 =	vld.idx.msk [tilespmem:v8+s18+$0x0], $0xffff;
	[tilespmem:s25+$0xFFFFFFA0] =	vst v10  }
.LBB2_44:
0x3d3: {  	v6 =	vld [tilespmem:s28+$0x0];
	s26 =	sadd.s32 $0x80, s26;
	[tilespmem:s25+$0xFFFFFFB0] =	vst v5  }
0x3d4: {  	v5 =	vld [tilespmem:s28+$0xFFFFFFA0];
	p0 =	slt.u32 s26, $0xF80;
	[tilespmem:s25+$0xFFFFFFC0] =	vst v3  }
0x3d5: {  	v3 =	vld [tilespmem:s28+$0xFFFFFFB0];
	[tilespmem:s25+$0xFFFFFFD0] =	vst v0  }
0x3d6: {  	v0 =	vld [tilespmem:s28+$0xFFFFFFC0];
	[tilespmem:s25+$0xFFFFFFE0] =	vst v1  }
0x3d7: {  	v1 =	vld [tilespmem:s28+$0xFFFFFFD0];
	[tilespmem:s25+$0xFFFFFFF0] =	vst v2  }
0x3d8: {  	v2 =	vld [tilespmem:s28+$0xFFFFFFE0];
	[tilespmem:s25+$0xFFFFFF90] =	vst v4  }
0x3d9: {  	v4 =	vld [tilespmem:s28+$0xFFFFFFF0]  }
0x3da: {  	v7 =	vld [tilespmem:s28+$0xFFFFFF90]  }
0x3db: {  	v6 =	vld.idx.msk [tilespmem:v6+s18+$0x0], $0xffff  }
0x3dc: {  	v8 =	vld.idx.msk [tilespmem:v5+s18+$0x0], $0xffff  }
0x3dd: {  	v5 =	vld.idx.msk [tilespmem:v3+s18+$0x0], $0xffff  }
.Ltmp21:
0x3de: {  	v3 =	vld.idx.msk [tilespmem:v0+s18+$0x0], $0xffff;
	(pc) =	sbr.rel @p0 .LBB2_44-.Ltmp21, $4  }
0x3df: {  	v0 =	vld.idx.msk [tilespmem:v1+s18+$0x0], $0xffff  }
0x3e0: {  	s25 =	sadd.s32 $0x80, s25;
	v1 =	vld.idx.msk [tilespmem:v2+s18+$0x0], $0xffff  }
0x3e1: {  	v2 =	vld.idx.msk [tilespmem:v4+s18+$0x0], $0xffff;
	[tilespmem:s25+$0x0] =	vst v6  }
0x3e2: {  	s28 =	sadd.s32 $0x80, s28;
	v4 =	vld.idx.msk [tilespmem:v7+s18+$0x0], $0xffff;
	[tilespmem:s25+$0xFFFFFFA0] =	vst v8  }
0x3e3: {  	[tilespmem:s25+$0xFFFFFFB0] =	vst v5  }
0x3e4: {  	[tilespmem:s25+$0xFFFFFFC0] =	vst v3  }
0x3e5: {  	[tilespmem:s25+$0xFFFFFFD0] =	vst v0  }
0x3e6: {  	[tilespmem:s25+$0xFFFFFFE0] =	vst v1  }
0x3e7: {  	[tilespmem:s25+$0xFFFFFFF0] =	vst v2  }
0x3e8: {  	[tilespmem:s25+$0xFFFFFF90] =	vst v4  }
0x3e9: {  	[hbm4b:s0+s16] =	stream.strided.scatter [tilespmem:s21], [sflag:$0x1], $0x1000, s17, s16, $0x38;
	[tilespmem:$0x1F700] =	vst v63  }
0x3ea: {  	_ =	swait.ge [sflag:s23], $0x1000  }
0x3eb: {  	[sflag:s23] =	ssyncset.done $0x0  }
0x3ec: {  	s26 =	simm.s32 $0x2070;
	[sflag:s23] =	ssyncadd.s32 $0xFFFFF000  }
0x3ed: {  	v0 =	vld [tilespmem:s26+$0x0]  }
0x3ee: {  	v1 =	vld [tilespmem:s26+$0xFFFFFFA0]  }
0x3ef: {  	v2 =	vld [tilespmem:s26+$0xFFFFFFB0]  }
0x3f0: {  	v3 =	vld [tilespmem:s26+$0xFFFFFFC0]  }
0x3f1: {  	v4 =	vld [tilespmem:s26+$0xFFFFFFD0]  }
0x3f2: {  	v6 =	vld [tilespmem:s26+$0xFFFFFFE0]  }
0x3f3: {  	v7 =	vld [tilespmem:s26+$0xFFFFFFF0]  }
0x3f4: {  	v8 =	vld [tilespmem:s26+$0xFFFFFF90]  }
0x3f5: {  	v9 =	vld.idx.msk [tilespmem:v0+s18+$0x0], $0xffff  }
0x3f6: {  	v10 =	vld.idx.msk [tilespmem:v1+s18+$0x0], $0xffff  }
0x3f7: {  	v5 =	vld.idx.msk [tilespmem:v2+s18+$0x0], $0xffff  }
0x3f8: {  	v3 =	vld.idx.msk [tilespmem:v3+s18+$0x0], $0xffff  }
0x3f9: {  	v0 =	vld.idx.msk [tilespmem:v4+s18+$0x0], $0xffff  }
0x3fa: {  	s25 =	simm.s32 $0x1E770;
	v1 =	vld.idx.msk [tilespmem:v6+s18+$0x0], $0xffff  }
0x3fb: {  	v2 =	vld.idx.msk [tilespmem:v7+s18+$0x0], $0xffff;
	[tilespmem:s25+$0x0] =	vst v9  }
0x3fc: {  	s28 =	simm.s32 $0x20F0;
	s26 =	simm.s32 $0x0;
	v4 =	vld.idx.msk [tilespmem:v8+s18+$0x0], $0xffff;
	[tilespmem:s25+$0xFFFFFFA0] =	vst v10  }
.LBB2_46:
0x3fd: {  	v6 =	vld [tilespmem:s28+$0x0];
	s26 =	sadd.s32 $0x80, s26;
	[tilespmem:s25+$0xFFFFFFB0] =	vst v5  }
0x3fe: {  	v5 =	vld [tilespmem:s28+$0xFFFFFFA0];
	p0 =	slt.u32 s26, $0xF80;
	[tilespmem:s25+$0xFFFFFFC0] =	vst v3  }
0x3ff: {  	v3 =	vld [tilespmem:s28+$0xFFFFFFB0];
	[tilespmem:s25+$0xFFFFFFD0] =	vst v0  }
0x400: {  	v0 =	vld [tilespmem:s28+$0xFFFFFFC0];
	[tilespmem:s25+$0xFFFFFFE0] =	vst v1  }
0x401: {  	v1 =	vld [tilespmem:s28+$0xFFFFFFD0];
	[tilespmem:s25+$0xFFFFFFF0] =	vst v2  }
0x402: {  	v2 =	vld [tilespmem:s28+$0xFFFFFFE0];
	[tilespmem:s25+$0xFFFFFF90] =	vst v4  }
0x403: {  	v4 =	vld [tilespmem:s28+$0xFFFFFFF0]  }
0x404: {  	v7 =	vld [tilespmem:s28+$0xFFFFFF90]  }
0x405: {  	v6 =	vld.idx.msk [tilespmem:v6+s18+$0x0], $0xffff  }
0x406: {  	v8 =	vld.idx.msk [tilespmem:v5+s18+$0x0], $0xffff  }
0x407: {  	v5 =	vld.idx.msk [tilespmem:v3+s18+$0x0], $0xffff  }
.Ltmp22:
0x408: {  	v3 =	vld.idx.msk [tilespmem:v0+s18+$0x0], $0xffff;
	(pc) =	sbr.rel @p0 .LBB2_46-.Ltmp22, $4  }
0x409: {  	v0 =	vld.idx.msk [tilespmem:v1+s18+$0x0], $0xffff  }
0x40a: {  	s25 =	sadd.s32 $0x80, s25;
	v1 =	vld.idx.msk [tilespmem:v2+s18+$0x0], $0xffff  }
0x40b: {  	v2 =	vld.idx.msk [tilespmem:v4+s18+$0x0], $0xffff;
	[tilespmem:s25+$0x0] =	vst v6  }
0x40c: {  	s28 =	sadd.s32 $0x80, s28;
	v4 =	vld.idx.msk [tilespmem:v7+s18+$0x0], $0xffff;
	[tilespmem:s25+$0xFFFFFFA0] =	vst v8  }
0x40d: {  	[tilespmem:s25+$0xFFFFFFB0] =	vst v5  }
0x40e: {  	[tilespmem:s25+$0xFFFFFFC0] =	vst v3  }
0x40f: {  	[tilespmem:s25+$0xFFFFFFD0] =	vst v0  }
0x410: {  	[tilespmem:s25+$0xFFFFFFE0] =	vst v1  }
0x411: {  	[tilespmem:s25+$0xFFFFFFF0] =	vst v2  }
0x412: {  	[tilespmem:s25+$0xFFFFFF90] =	vst v4  }
0x413: {  	[hbm4b:s2+s16] =	stream.strided.scatter [tilespmem:s22], [sflag:$0x1], $0x1000, s17, s16, $0x38;
	[tilespmem:$0x1F700] =	vst v63  }
0x414: {  	_ =	swait.ge [sflag:s23], $0x1000  }
0x415: {  	[sflag:s23] =	ssyncset.done $0x0  }
0x416: {  	s26 =	simm.s32 $0x3070;
	[sflag:s23] =	ssyncadd.s32 $0xFFFFF000  }
0x417: {  	v0 =	vld [tilespmem:s26+$0x0]  }
0x418: {  	v1 =	vld [tilespmem:s26+$0xFFFFFFA0]  }
0x419: {  	v2 =	vld [tilespmem:s26+$0xFFFFFFB0]  }
0x41a: {  	v3 =	vld [tilespmem:s26+$0xFFFFFFC0]  }
0x41b: {  	v4 =	vld [tilespmem:s26+$0xFFFFFFD0]  }
0x41c: {  	v6 =	vld [tilespmem:s26+$0xFFFFFFE0]  }
0x41d: {  	v7 =	vld [tilespmem:s26+$0xFFFFFFF0]  }
0x41e: {  	v8 =	vld [tilespmem:s26+$0xFFFFFF90]  }
0x41f: {  	v9 =	vld.idx.msk [tilespmem:v0+s18+$0x0], $0xffff  }
0x420: {  	v10 =	vld.idx.msk [tilespmem:v1+s18+$0x0], $0xffff  }
0x421: {  	v5 =	vld.idx.msk [tilespmem:v2+s18+$0x0], $0xffff  }
0x422: {  	v3 =	vld.idx.msk [tilespmem:v3+s18+$0x0], $0xffff  }
0x423: {  	v0 =	vld.idx.msk [tilespmem:v4+s18+$0x0], $0xffff  }
0x424: {  	s25 =	simm.s32 $0x1C740;
	v1 =	vld.idx.msk [tilespmem:v6+s18+$0x0], $0xffff  }
0x425: {  	v2 =	vld.idx.msk [tilespmem:v7+s18+$0x0], $0xffff;
	[tilespmem:s25+$0x30] =	vst v9  }
0x426: {  	s28 =	simm.s32 $0x30F0;
	s26 =	simm.s32 $0x0;
	v4 =	vld.idx.msk [tilespmem:v8+s18+$0x0], $0xffff;
	[tilespmem:s25+$0xFFFFFFD0] =	vst v10  }
.LBB2_48:
0x427: {  	v6 =	vld [tilespmem:s28+$0x0];
	s26 =	sadd.s32 $0x80, s26;
	[tilespmem:s25+$0xFFFFFFE0] =	vst v5  }
0x428: {  	v5 =	vld [tilespmem:s28+$0xFFFFFFA0];
	p0 =	slt.u32 s26, $0xF80;
	[tilespmem:s25+$0xFFFFFFF0] =	vst v3  }
0x429: {  	v3 =	vld [tilespmem:s28+$0xFFFFFFB0];
	[tilespmem:s25+$0x0] =	vst v0  }
0x42a: {  	v0 =	vld [tilespmem:s28+$0xFFFFFFC0];
	[tilespmem:s25+$0x10] =	vst v1  }
0x42b: {  	v1 =	vld [tilespmem:s28+$0xFFFFFFD0];
	[tilespmem:s25+$0x20] =	vst v2  }
0x42c: {  	v2 =	vld [tilespmem:s28+$0xFFFFFFE0];
	[tilespmem:s25+$0xFFFFFFC0] =	vst v4  }
0x42d: {  	v4 =	vld [tilespmem:s28+$0xFFFFFFF0]  }
0x42e: {  	v7 =	vld [tilespmem:s28+$0xFFFFFF90]  }
0x42f: {  	v6 =	vld.idx.msk [tilespmem:v6+s18+$0x0], $0xffff  }
0x430: {  	v8 =	vld.idx.msk [tilespmem:v5+s18+$0x0], $0xffff  }
0x431: {  	v5 =	vld.idx.msk [tilespmem:v3+s18+$0x0], $0xffff  }
.Ltmp23:
0x432: {  	v3 =	vld.idx.msk [tilespmem:v0+s18+$0x0], $0xffff;
	(pc) =	sbr.rel @p0 .LBB2_48-.Ltmp23, $4  }
0x433: {  	v0 =	vld.idx.msk [tilespmem:v1+s18+$0x0], $0xffff  }
0x434: {  	s25 =	sadd.s32 $0x80, s25;
	v1 =	vld.idx.msk [tilespmem:v2+s18+$0x0], $0xffff  }
0x435: {  	v2 =	vld.idx.msk [tilespmem:v4+s18+$0x0], $0xffff;
	[tilespmem:s25+$0x30] =	vst v6  }
0x436: {  	s28 =	sadd.s32 $0x80, s28;
	v4 =	vld.idx.msk [tilespmem:v7+s18+$0x0], $0xffff;
	[tilespmem:s25+$0xFFFFFFD0] =	vst v8  }
0x437: {  	[tilespmem:s25+$0xFFFFFFE0] =	vst v5  }
0x438: {  	[tilespmem:s25+$0xFFFFFFF0] =	vst v3  }
0x439: {  	[tilespmem:s25+$0x0] =	vst v0  }
0x43a: {  	[tilespmem:s25+$0x10] =	vst v1  }
0x43b: {  	[tilespmem:s25+$0x20] =	vst v2  }
0x43c: {  	[tilespmem:s25+$0xFFFFFFC0] =	vst v4  }
0x43d: {  	[hbm4b:s3+s16] =	stream.strided.scatter [tilespmem:s20], [sflag:$0x1], $0x1000, s17, s16, $0x38;
	[tilespmem:$0x1F700] =	vst v63  }
0x43e: {  	_ = 	snop  }
0x43f: {  	[tilespmem:s18], [sflag:$0x2] =	stream.strided.gather [hbm4b:s6+s16], $0x18700, s17, s16, $0x38;
	[tilespmem:$0x1F700] =	vst v63  }
0x440: {  	_ =	swait.ge [sflag:s19], $0x18700  }
0x441: {  	[sflag:s19] =	ssyncset.done $0x0  }
0x442: {  	[sflag:s19] =	ssyncadd.s32 $0xFFFE7900  }
0x443: {  	_ =	swait.ge [sflag:s23], $0x1000  }
0x444: {  	[sflag:s23] =	ssyncset.done $0x0  }
0x445: {  	s26 =	simm.s32 $0x40;
	[sflag:s23] =	ssyncadd.s32 $0xFFFFF000  }
0x446: {  	v0 =	vld [tilespmem:s26+$0x30]  }
0x447: {  	v1 =	vld [tilespmem:s26+$0xFFFFFFD0]  }
0x448: {  	v2 =	vld [tilespmem:s26+$0xFFFFFFE0]  }
0x449: {  	v3 =	vld [tilespmem:s26+$0xFFFFFFF0]  }
0x44a: {  	v4 =	vld [tilespmem:s26+$0x0]  }
0x44b: {  	v6 =	vld [tilespmem:s26+$0x10]  }
0x44c: {  	v7 =	vld [tilespmem:s26+$0x20]  }
0x44d: {  	v8 =	vld [tilespmem:s26+$0xFFFFFFC0]  }
0x44e: {  	v9 =	vld.idx.msk [tilespmem:v0+s18+$0x0], $0xffff  }
0x44f: {  	v10 =	vld.idx.msk [tilespmem:v1+s18+$0x0], $0xffff  }
0x450: {  	v5 =	vld.idx.msk [tilespmem:v2+s18+$0x0], $0xffff  }
0x451: {  	v3 =	vld.idx.msk [tilespmem:v3+s18+$0x0], $0xffff  }
0x452: {  	v0 =	vld.idx.msk [tilespmem:v4+s18+$0x0], $0xffff  }
0x453: {  	s25 =	simm.s32 $0x1C740;
	v1 =	vld.idx.msk [tilespmem:v6+s18+$0x0], $0xffff  }
0x454: {  	v2 =	vld.idx.msk [tilespmem:v7+s18+$0x0], $0xffff;
	[tilespmem:s25+$0x30] =	vst v9  }
0x455: {  	s28 =	simm.s32 $0xC0;
	s26 =	simm.s32 $0x0;
	v4 =	vld.idx.msk [tilespmem:v8+s18+$0x0], $0xffff;
	[tilespmem:s25+$0xFFFFFFD0] =	vst v10  }
.LBB2_50:
0x456: {  	v6 =	vld [tilespmem:s28+$0x30];
	s26 =	sadd.s32 $0x80, s26;
	[tilespmem:s25+$0xFFFFFFE0] =	vst v5  }
0x457: {  	v5 =	vld [tilespmem:s28+$0xFFFFFFD0];
	p0 =	slt.u32 s26, $0xF80;
	[tilespmem:s25+$0xFFFFFFF0] =	vst v3  }
0x458: {  	v3 =	vld [tilespmem:s28+$0xFFFFFFE0];
	[tilespmem:s25+$0x0] =	vst v0  }
0x459: {  	v0 =	vld [tilespmem:s28+$0xFFFFFFF0];
	[tilespmem:s25+$0x10] =	vst v1  }
0x45a: {  	v1 =	vld [tilespmem:s28+$0x0];
	[tilespmem:s25+$0x20] =	vst v2  }
0x45b: {  	v2 =	vld [tilespmem:s28+$0x10];
	[tilespmem:s25+$0xFFFFFFC0] =	vst v4  }
0x45c: {  	v4 =	vld [tilespmem:s28+$0x20]  }
0x45d: {  	v7 =	vld [tilespmem:s28+$0xFFFFFFC0]  }
0x45e: {  	v6 =	vld.idx.msk [tilespmem:v6+s18+$0x0], $0xffff  }
0x45f: {  	v8 =	vld.idx.msk [tilespmem:v5+s18+$0x0], $0xffff  }
0x460: {  	v5 =	vld.idx.msk [tilespmem:v3+s18+$0x0], $0xffff  }
.Ltmp24:
0x461: {  	v3 =	vld.idx.msk [tilespmem:v0+s18+$0x0], $0xffff;
	(pc) =	sbr.rel @p0 .LBB2_50-.Ltmp24, $4  }
0x462: {  	v0 =	vld.idx.msk [tilespmem:v1+s18+$0x0], $0xffff  }
0x463: {  	s25 =	sadd.s32 $0x80, s25;
	v1 =	vld.idx.msk [tilespmem:v2+s18+$0x0], $0xffff  }
0x464: {  	v2 =	vld.idx.msk [tilespmem:v4+s18+$0x0], $0xffff;
	[tilespmem:s25+$0x30] =	vst v6  }
0x465: {  	s28 =	sadd.s32 $0x80, s28;
	v4 =	vld.idx.msk [tilespmem:v7+s18+$0x0], $0xffff;
	[tilespmem:s25+$0xFFFFFFD0] =	vst v8  }
0x466: {  	[tilespmem:s25+$0xFFFFFFE0] =	vst v5  }
0x467: {  	[tilespmem:s25+$0xFFFFFFF0] =	vst v3  }
0x468: {  	[tilespmem:s25+$0x0] =	vst v0  }
0x469: {  	[tilespmem:s25+$0x10] =	vst v1  }
0x46a: {  	[tilespmem:s25+$0x20] =	vst v2  }
0x46b: {  	[tilespmem:s25+$0xFFFFFFC0] =	vst v4  }
0x46c: {  	[hbm4b:s7+s16] =	stream.strided.scatter [tilespmem:s20], [sflag:$0x1], $0x1000, s17, s16, $0x38;
	[tilespmem:$0x1F700] =	vst v63  }
0x46d: {  	_ =	swait.ge [sflag:s23], $0x1000  }
0x46e: {  	[sflag:s23] =	ssyncset.done $0x0  }
0x46f: {  	s26 =	simm.s32 $0x1070;
	[sflag:s23] =	ssyncadd.s32 $0xFFFFF000  }
0x470: {  	v0 =	vld [tilespmem:s26+$0x0]  }
0x471: {  	v1 =	vld [tilespmem:s26+$0xFFFFFFA0]  }
0x472: {  	v2 =	vld [tilespmem:s26+$0xFFFFFFB0]  }
0x473: {  	v3 =	vld [tilespmem:s26+$0xFFFFFFC0]  }
0x474: {  	v4 =	vld [tilespmem:s26+$0xFFFFFFD0]  }
0x475: {  	v6 =	vld [tilespmem:s26+$0xFFFFFFE0]  }
0x476: {  	v7 =	vld [tilespmem:s26+$0xFFFFFFF0]  }
0x477: {  	v8 =	vld [tilespmem:s26+$0xFFFFFF90]  }
0x478: {  	v9 =	vld.idx.msk [tilespmem:v0+s18+$0x0], $0xffff  }
0x479: {  	v10 =	vld.idx.msk [tilespmem:v1+s18+$0x0], $0xffff  }
0x47a: {  	v5 =	vld.idx.msk [tilespmem:v2+s18+$0x0], $0xffff  }
0x47b: {  	v3 =	vld.idx.msk [tilespmem:v3+s18+$0x0], $0xffff  }
0x47c: {  	v0 =	vld.idx.msk [tilespmem:v4+s18+$0x0], $0xffff  }
0x47d: {  	s25 =	simm.s32 $0x1D770;
	v1 =	vld.idx.msk [tilespmem:v6+s18+$0x0], $0xffff  }
0x47e: {  	v2 =	vld.idx.msk [tilespmem:v7+s18+$0x0], $0xffff;
	[tilespmem:s25+$0x0] =	vst v9  }
0x47f: {  	s28 =	simm.s32 $0x10F0;
	s26 =	simm.s32 $0x0;
	v4 =	vld.idx.msk [tilespmem:v8+s18+$0x0], $0xffff;
	[tilespmem:s25+$0xFFFFFFA0] =	vst v10  }
.LBB2_52:
0x480: {  	v6 =	vld [tilespmem:s28+$0x0];
	s26 =	sadd.s32 $0x80, s26;
	[tilespmem:s25+$0xFFFFFFB0] =	vst v5  }
0x481: {  	v5 =	vld [tilespmem:s28+$0xFFFFFFA0];
	p0 =	slt.u32 s26, $0xF80;
	[tilespmem:s25+$0xFFFFFFC0] =	vst v3  }
0x482: {  	v3 =	vld [tilespmem:s28+$0xFFFFFFB0];
	[tilespmem:s25+$0xFFFFFFD0] =	vst v0  }
0x483: {  	v0 =	vld [tilespmem:s28+$0xFFFFFFC0];
	[tilespmem:s25+$0xFFFFFFE0] =	vst v1  }
0x484: {  	v1 =	vld [tilespmem:s28+$0xFFFFFFD0];
	[tilespmem:s25+$0xFFFFFFF0] =	vst v2  }
0x485: {  	v2 =	vld [tilespmem:s28+$0xFFFFFFE0];
	[tilespmem:s25+$0xFFFFFF90] =	vst v4  }
0x486: {  	v4 =	vld [tilespmem:s28+$0xFFFFFFF0]  }
0x487: {  	v7 =	vld [tilespmem:s28+$0xFFFFFF90]  }
0x488: {  	v6 =	vld.idx.msk [tilespmem:v6+s18+$0x0], $0xffff  }
0x489: {  	v8 =	vld.idx.msk [tilespmem:v5+s18+$0x0], $0xffff  }
0x48a: {  	v5 =	vld.idx.msk [tilespmem:v3+s18+$0x0], $0xffff  }
.Ltmp25:
0x48b: {  	v3 =	vld.idx.msk [tilespmem:v0+s18+$0x0], $0xffff;
	(pc) =	sbr.rel @p0 .LBB2_52-.Ltmp25, $4  }
0x48c: {  	v0 =	vld.idx.msk [tilespmem:v1+s18+$0x0], $0xffff  }
0x48d: {  	s25 =	sadd.s32 $0x80, s25;
	v1 =	vld.idx.msk [tilespmem:v2+s18+$0x0], $0xffff  }
0x48e: {  	v2 =	vld.idx.msk [tilespmem:v4+s18+$0x0], $0xffff;
	[tilespmem:s25+$0x0] =	vst v6  }
0x48f: {  	s28 =	sadd.s32 $0x80, s28;
	v4 =	vld.idx.msk [tilespmem:v7+s18+$0x0], $0xffff;
	[tilespmem:s25+$0xFFFFFFA0] =	vst v8  }
0x490: {  	[tilespmem:s25+$0xFFFFFFB0] =	vst v5  }
0x491: {  	[tilespmem:s25+$0xFFFFFFC0] =	vst v3  }
0x492: {  	[tilespmem:s25+$0xFFFFFFD0] =	vst v0  }
0x493: {  	[tilespmem:s25+$0xFFFFFFE0] =	vst v1  }
0x494: {  	[tilespmem:s25+$0xFFFFFFF0] =	vst v2  }
0x495: {  	[tilespmem:s25+$0xFFFFFF90] =	vst v4  }
0x496: {  	[hbm4b:s8+s16] =	stream.strided.scatter [tilespmem:s21], [sflag:$0x1], $0x1000, s17, s16, $0x38;
	[tilespmem:$0x1F700] =	vst v63  }
0x497: {  	_ =	swait.ge [sflag:s23], $0x1000  }
0x498: {  	[sflag:s23] =	ssyncset.done $0x0  }
0x499: {  	s26 =	simm.s32 $0x2070;
	[sflag:s23] =	ssyncadd.s32 $0xFFFFF000  }
0x49a: {  	v0 =	vld [tilespmem:s26+$0x0]  }
0x49b: {  	v1 =	vld [tilespmem:s26+$0xFFFFFFA0]  }
0x49c: {  	v2 =	vld [tilespmem:s26+$0xFFFFFFB0]  }
0x49d: {  	v3 =	vld [tilespmem:s26+$0xFFFFFFC0]  }
0x49e: {  	v4 =	vld [tilespmem:s26+$0xFFFFFFD0]  }
0x49f: {  	v6 =	vld [tilespmem:s26+$0xFFFFFFE0]  }
0x4a0: {  	v7 =	vld [tilespmem:s26+$0xFFFFFFF0]  }
0x4a1: {  	v8 =	vld [tilespmem:s26+$0xFFFFFF90]  }
0x4a2: {  	v9 =	vld.idx.msk [tilespmem:v0+s18+$0x0], $0xffff  }
0x4a3: {  	v10 =	vld.idx.msk [tilespmem:v1+s18+$0x0], $0xffff  }
0x4a4: {  	v5 =	vld.idx.msk [tilespmem:v2+s18+$0x0], $0xffff  }
0x4a5: {  	v3 =	vld.idx.msk [tilespmem:v3+s18+$0x0], $0xffff  }
0x4a6: {  	v0 =	vld.idx.msk [tilespmem:v4+s18+$0x0], $0xffff  }
0x4a7: {  	s25 =	simm.s32 $0x1E770;
	v1 =	vld.idx.msk [tilespmem:v6+s18+$0x0], $0xffff  }
0x4a8: {  	v2 =	vld.idx.msk [tilespmem:v7+s18+$0x0], $0xffff;
	[tilespmem:s25+$0x0] =	vst v9  }
0x4a9: {  	s28 =	simm.s32 $0x20F0;
	s26 =	simm.s32 $0x0;
	v4 =	vld.idx.msk [tilespmem:v8+s18+$0x0], $0xffff;
	[tilespmem:s25+$0xFFFFFFA0] =	vst v10  }
.LBB2_54:
0x4aa: {  	v6 =	vld [tilespmem:s28+$0x0];
	s26 =	sadd.s32 $0x80, s26;
	[tilespmem:s25+$0xFFFFFFB0] =	vst v5  }
0x4ab: {  	v5 =	vld [tilespmem:s28+$0xFFFFFFA0];
	p0 =	slt.u32 s26, $0xF80;
	[tilespmem:s25+$0xFFFFFFC0] =	vst v3  }
0x4ac: {  	v3 =	vld [tilespmem:s28+$0xFFFFFFB0];
	[tilespmem:s25+$0xFFFFFFD0] =	vst v0  }
0x4ad: {  	v0 =	vld [tilespmem:s28+$0xFFFFFFC0];
	[tilespmem:s25+$0xFFFFFFE0] =	vst v1  }
0x4ae: {  	v1 =	vld [tilespmem:s28+$0xFFFFFFD0];
	[tilespmem:s25+$0xFFFFFFF0] =	vst v2  }
0x4af: {  	v2 =	vld [tilespmem:s28+$0xFFFFFFE0];
	[tilespmem:s25+$0xFFFFFF90] =	vst v4  }
0x4b0: {  	v4 =	vld [tilespmem:s28+$0xFFFFFFF0]  }
0x4b1: {  	v7 =	vld [tilespmem:s28+$0xFFFFFF90]  }
0x4b2: {  	v6 =	vld.idx.msk [tilespmem:v6+s18+$0x0], $0xffff  }
0x4b3: {  	v8 =	vld.idx.msk [tilespmem:v5+s18+$0x0], $0xffff  }
0x4b4: {  	v5 =	vld.idx.msk [tilespmem:v3+s18+$0x0], $0xffff  }
.Ltmp26:
0x4b5: {  	v3 =	vld.idx.msk [tilespmem:v0+s18+$0x0], $0xffff;
	(pc) =	sbr.rel @p0 .LBB2_54-.Ltmp26, $4  }
0x4b6: {  	v0 =	vld.idx.msk [tilespmem:v1+s18+$0x0], $0xffff  }
0x4b7: {  	s25 =	sadd.s32 $0x80, s25;
	v1 =	vld.idx.msk [tilespmem:v2+s18+$0x0], $0xffff  }
0x4b8: {  	v2 =	vld.idx.msk [tilespmem:v4+s18+$0x0], $0xffff;
	[tilespmem:s25+$0x0] =	vst v6  }
0x4b9: {  	s28 =	sadd.s32 $0x80, s28;
	v4 =	vld.idx.msk [tilespmem:v7+s18+$0x0], $0xffff;
	[tilespmem:s25+$0xFFFFFFA0] =	vst v8  }
0x4ba: {  	[tilespmem:s25+$0xFFFFFFB0] =	vst v5  }
0x4bb: {  	[tilespmem:s25+$0xFFFFFFC0] =	vst v3  }
0x4bc: {  	[tilespmem:s25+$0xFFFFFFD0] =	vst v0  }
0x4bd: {  	[tilespmem:s25+$0xFFFFFFE0] =	vst v1  }
0x4be: {  	[tilespmem:s25+$0xFFFFFFF0] =	vst v2  }
0x4bf: {  	[tilespmem:s25+$0xFFFFFF90] =	vst v4  }
0x4c0: {  	[hbm4b:s9+s16] =	stream.strided.scatter [tilespmem:s22], [sflag:$0x1], $0x1000, s17, s16, $0x38;
	[tilespmem:$0x1F700] =	vst v63  }
0x4c1: {  	_ =	swait.ge [sflag:s23], $0x1000  }
0x4c2: {  	[sflag:s23] =	ssyncset.done $0x0  }
0x4c3: {  	s26 =	simm.s32 $0x3070;
	[sflag:s23] =	ssyncadd.s32 $0xFFFFF000  }
0x4c4: {  	v0 =	vld [tilespmem:s26+$0x0]  }
0x4c5: {  	v1 =	vld [tilespmem:s26+$0xFFFFFFA0]  }
0x4c6: {  	v2 =	vld [tilespmem:s26+$0xFFFFFFB0]  }
0x4c7: {  	v3 =	vld [tilespmem:s26+$0xFFFFFFC0]  }
0x4c8: {  	v4 =	vld [tilespmem:s26+$0xFFFFFFD0]  }
0x4c9: {  	v6 =	vld [tilespmem:s26+$0xFFFFFFE0]  }
0x4ca: {  	v7 =	vld [tilespmem:s26+$0xFFFFFFF0]  }
0x4cb: {  	v8 =	vld [tilespmem:s26+$0xFFFFFF90]  }
0x4cc: {  	v9 =	vld.idx.msk [tilespmem:v0+s18+$0x0], $0xffff  }
0x4cd: {  	v10 =	vld.idx.msk [tilespmem:v1+s18+$0x0], $0xffff  }
0x4ce: {  	v5 =	vld.idx.msk [tilespmem:v2+s18+$0x0], $0xffff  }
0x4cf: {  	v3 =	vld.idx.msk [tilespmem:v3+s18+$0x0], $0xffff  }
0x4d0: {  	v0 =	vld.idx.msk [tilespmem:v4+s18+$0x0], $0xffff  }
0x4d1: {  	s25 =	simm.s32 $0x1C740;
	v1 =	vld.idx.msk [tilespmem:v6+s18+$0x0], $0xffff  }
0x4d2: {  	v2 =	vld.idx.msk [tilespmem:v7+s18+$0x0], $0xffff;
	[tilespmem:s25+$0x30] =	vst v9  }
0x4d3: {  	s28 =	simm.s32 $0x30F0;
	s26 =	simm.s32 $0x0;
	v4 =	vld.idx.msk [tilespmem:v8+s18+$0x0], $0xffff;
	[tilespmem:s25+$0xFFFFFFD0] =	vst v10  }
.LBB2_56:
0x4d4: {  	v6 =	vld [tilespmem:s28+$0x0];
	s26 =	sadd.s32 $0x80, s26;
	[tilespmem:s25+$0xFFFFFFE0] =	vst v5  }
0x4d5: {  	v5 =	vld [tilespmem:s28+$0xFFFFFFA0];
	p0 =	slt.u32 s26, $0xF80;
	[tilespmem:s25+$0xFFFFFFF0] =	vst v3  }
0x4d6: {  	v3 =	vld [tilespmem:s28+$0xFFFFFFB0];
	[tilespmem:s25+$0x0] =	vst v0  }
0x4d7: {  	v0 =	vld [tilespmem:s28+$0xFFFFFFC0];
	[tilespmem:s25+$0x10] =	vst v1  }
0x4d8: {  	v1 =	vld [tilespmem:s28+$0xFFFFFFD0];
	[tilespmem:s25+$0x20] =	vst v2  }
0x4d9: {  	v2 =	vld [tilespmem:s28+$0xFFFFFFE0];
	[tilespmem:s25+$0xFFFFFFC0] =	vst v4  }
0x4da: {  	v4 =	vld [tilespmem:s28+$0xFFFFFFF0]  }
0x4db: {  	v7 =	vld [tilespmem:s28+$0xFFFFFF90]  }
0x4dc: {  	v6 =	vld.idx.msk [tilespmem:v6+s18+$0x0], $0xffff  }
0x4dd: {  	v8 =	vld.idx.msk [tilespmem:v5+s18+$0x0], $0xffff  }
0x4de: {  	v5 =	vld.idx.msk [tilespmem:v3+s18+$0x0], $0xffff  }
.Ltmp27:
0x4df: {  	v3 =	vld.idx.msk [tilespmem:v0+s18+$0x0], $0xffff;
	(pc) =	sbr.rel @p0 .LBB2_56-.Ltmp27, $4  }
0x4e0: {  	v0 =	vld.idx.msk [tilespmem:v1+s18+$0x0], $0xffff  }
0x4e1: {  	s25 =	sadd.s32 $0x80, s25;
	v1 =	vld.idx.msk [tilespmem:v2+s18+$0x0], $0xffff  }
0x4e2: {  	v2 =	vld.idx.msk [tilespmem:v4+s18+$0x0], $0xffff;
	[tilespmem:s25+$0x30] =	vst v6  }
0x4e3: {  	s28 =	sadd.s32 $0x80, s28;
	v4 =	vld.idx.msk [tilespmem:v7+s18+$0x0], $0xffff;
	[tilespmem:s25+$0xFFFFFFD0] =	vst v8  }
0x4e4: {  	[tilespmem:s25+$0xFFFFFFE0] =	vst v5  }
0x4e5: {  	[tilespmem:s25+$0xFFFFFFF0] =	vst v3  }
0x4e6: {  	[tilespmem:s25+$0x0] =	vst v0  }
0x4e7: {  	[tilespmem:s25+$0x10] =	vst v1  }
0x4e8: {  	[tilespmem:s25+$0x20] =	vst v2  }
0x4e9: {  	[tilespmem:s25+$0xFFFFFFC0] =	vst v4  }
0x4ea: {  	[hbm4b:s10+s16] =	stream.strided.scatter [tilespmem:s20], [sflag:$0x1], $0x1000, s17, s16, $0x38;
	[tilespmem:$0x1F700] =	vst v63  }
0x4eb: {  	_ = 	snop  }
0x4ec: {  	[tilespmem:s18], [sflag:$0x2] =	stream.strided.gather [hbm4b:s11+s16], $0x18700, s17, s16, $0x38;
	[tilespmem:$0x1F700] =	vst v63  }
0x4ed: {  	_ =	swait.ge [sflag:s19], $0x18700  }
0x4ee: {  	[sflag:s19] =	ssyncset.done $0x0  }
0x4ef: {  	[sflag:s19] =	ssyncadd.s32 $0xFFFE7900  }
0x4f0: {  	_ =	swait.ge [sflag:s23], $0x1000  }
0x4f1: {  	[sflag:s23] =	ssyncset.done $0x0  }
0x4f2: {  	s26 =	simm.s32 $0x40;
	[sflag:s23] =	ssyncadd.s32 $0xFFFFF000  }
0x4f3: {  	v0 =	vld [tilespmem:s26+$0x30]  }
0x4f4: {  	v1 =	vld [tilespmem:s26+$0xFFFFFFD0]  }
0x4f5: {  	v2 =	vld [tilespmem:s26+$0xFFFFFFE0]  }
0x4f6: {  	v3 =	vld [tilespmem:s26+$0xFFFFFFF0]  }
0x4f7: {  	v4 =	vld [tilespmem:s26+$0x0]  }
0x4f8: {  	v6 =	vld [tilespmem:s26+$0x10]  }
0x4f9: {  	v7 =	vld [tilespmem:s26+$0x20]  }
0x4fa: {  	v8 =	vld [tilespmem:s26+$0xFFFFFFC0]  }
0x4fb: {  	v9 =	vld.idx.msk [tilespmem:v0+s18+$0x0], $0xffff  }
0x4fc: {  	v10 =	vld.idx.msk [tilespmem:v1+s18+$0x0], $0xffff  }
0x4fd: {  	v5 =	vld.idx.msk [tilespmem:v2+s18+$0x0], $0xffff  }
0x4fe: {  	v3 =	vld.idx.msk [tilespmem:v3+s18+$0x0], $0xffff  }
0x4ff: {  	v0 =	vld.idx.msk [tilespmem:v4+s18+$0x0], $0xffff  }
0x500: {  	s25 =	simm.s32 $0x1C740;
	v1 =	vld.idx.msk [tilespmem:v6+s18+$0x0], $0xffff  }
0x501: {  	v2 =	vld.idx.msk [tilespmem:v7+s18+$0x0], $0xffff;
	[tilespmem:s25+$0x30] =	vst v9  }
0x502: {  	s28 =	simm.s32 $0xC0;
	s26 =	simm.s32 $0x0;
	v4 =	vld.idx.msk [tilespmem:v8+s18+$0x0], $0xffff;
	[tilespmem:s25+$0xFFFFFFD0] =	vst v10  }
.LBB2_58:
0x503: {  	v6 =	vld [tilespmem:s28+$0x30];
	s26 =	sadd.s32 $0x80, s26;
	[tilespmem:s25+$0xFFFFFFE0] =	vst v5  }
0x504: {  	v5 =	vld [tilespmem:s28+$0xFFFFFFD0];
	p0 =	slt.u32 s26, $0xF80;
	[tilespmem:s25+$0xFFFFFFF0] =	vst v3  }
0x505: {  	v3 =	vld [tilespmem:s28+$0xFFFFFFE0];
	[tilespmem:s25+$0x0] =	vst v0  }
0x506: {  	v0 =	vld [tilespmem:s28+$0xFFFFFFF0];
	[tilespmem:s25+$0x10] =	vst v1  }
0x507: {  	v1 =	vld [tilespmem:s28+$0x0];
	[tilespmem:s25+$0x20] =	vst v2  }
0x508: {  	v2 =	vld [tilespmem:s28+$0x10];
	[tilespmem:s25+$0xFFFFFFC0] =	vst v4  }
0x509: {  	v4 =	vld [tilespmem:s28+$0x20]  }
0x50a: {  	v7 =	vld [tilespmem:s28+$0xFFFFFFC0]  }
0x50b: {  	v6 =	vld.idx.msk [tilespmem:v6+s18+$0x0], $0xffff  }
0x50c: {  	v8 =	vld.idx.msk [tilespmem:v5+s18+$0x0], $0xffff  }
0x50d: {  	v5 =	vld.idx.msk [tilespmem:v3+s18+$0x0], $0xffff  }
.Ltmp28:
0x50e: {  	v3 =	vld.idx.msk [tilespmem:v0+s18+$0x0], $0xffff;
	(pc) =	sbr.rel @p0 .LBB2_58-.Ltmp28, $4  }
0x50f: {  	v0 =	vld.idx.msk [tilespmem:v1+s18+$0x0], $0xffff  }
0x510: {  	s25 =	sadd.s32 $0x80, s25;
	v1 =	vld.idx.msk [tilespmem:v2+s18+$0x0], $0xffff  }
0x511: {  	v2 =	vld.idx.msk [tilespmem:v4+s18+$0x0], $0xffff;
	[tilespmem:s25+$0x30] =	vst v6  }
0x512: {  	s28 =	sadd.s32 $0x80, s28;
	v4 =	vld.idx.msk [tilespmem:v7+s18+$0x0], $0xffff;
	[tilespmem:s25+$0xFFFFFFD0] =	vst v8  }
0x513: {  	[tilespmem:s25+$0xFFFFFFE0] =	vst v5  }
0x514: {  	[tilespmem:s25+$0xFFFFFFF0] =	vst v3  }
0x515: {  	[tilespmem:s25+$0x0] =	vst v0  }
0x516: {  	[tilespmem:s25+$0x10] =	vst v1  }
0x517: {  	[tilespmem:s25+$0x20] =	vst v2  }
0x518: {  	[tilespmem:s25+$0xFFFFFFC0] =	vst v4  }
0x519: {  	[hbm4b:s12+s16] =	stream.strided.scatter [tilespmem:s20], [sflag:$0x1], $0x1000, s17, s16, $0x38;
	[tilespmem:$0x1F700] =	vst v63  }
0x51a: {  	_ =	swait.ge [sflag:s23], $0x1000  }
0x51b: {  	[sflag:s23] =	ssyncset.done $0x0  }
0x51c: {  	s26 =	simm.s32 $0x1070;
	[sflag:s23] =	ssyncadd.s32 $0xFFFFF000  }
0x51d: {  	v0 =	vld [tilespmem:s26+$0x0]  }
0x51e: {  	v1 =	vld [tilespmem:s26+$0xFFFFFFA0]  }
0x51f: {  	v2 =	vld [tilespmem:s26+$0xFFFFFFB0]  }
0x520: {  	v3 =	vld [tilespmem:s26+$0xFFFFFFC0]  }
0x521: {  	v4 =	vld [tilespmem:s26+$0xFFFFFFD0]  }
0x522: {  	v6 =	vld [tilespmem:s26+$0xFFFFFFE0]  }
0x523: {  	v7 =	vld [tilespmem:s26+$0xFFFFFFF0]  }
0x524: {  	v8 =	vld [tilespmem:s26+$0xFFFFFF90]  }
0x525: {  	v9 =	vld.idx.msk [tilespmem:v0+s18+$0x0], $0xffff  }
0x526: {  	v10 =	vld.idx.msk [tilespmem:v1+s18+$0x0], $0xffff  }
0x527: {  	v5 =	vld.idx.msk [tilespmem:v2+s18+$0x0], $0xffff  }
0x528: {  	v3 =	vld.idx.msk [tilespmem:v3+s18+$0x0], $0xffff  }
0x529: {  	v0 =	vld.idx.msk [tilespmem:v4+s18+$0x0], $0xffff  }
0x52a: {  	s25 =	simm.s32 $0x1D770;
	v1 =	vld.idx.msk [tilespmem:v6+s18+$0x0], $0xffff  }
0x52b: {  	v2 =	vld.idx.msk [tilespmem:v7+s18+$0x0], $0xffff;
	[tilespmem:s25+$0x0] =	vst v9  }
0x52c: {  	s28 =	simm.s32 $0x10F0;
	s26 =	simm.s32 $0x0;
	v4 =	vld.idx.msk [tilespmem:v8+s18+$0x0], $0xffff;
	[tilespmem:s25+$0xFFFFFFA0] =	vst v10  }
.LBB2_60:
0x52d: {  	v6 =	vld [tilespmem:s28+$0x0];
	s26 =	sadd.s32 $0x80, s26;
	[tilespmem:s25+$0xFFFFFFB0] =	vst v5  }
0x52e: {  	v5 =	vld [tilespmem:s28+$0xFFFFFFA0];
	p0 =	slt.u32 s26, $0xF80;
	[tilespmem:s25+$0xFFFFFFC0] =	vst v3  }
0x52f: {  	v3 =	vld [tilespmem:s28+$0xFFFFFFB0];
	[tilespmem:s25+$0xFFFFFFD0] =	vst v0  }
0x530: {  	v0 =	vld [tilespmem:s28+$0xFFFFFFC0];
	[tilespmem:s25+$0xFFFFFFE0] =	vst v1  }
0x531: {  	v1 =	vld [tilespmem:s28+$0xFFFFFFD0];
	[tilespmem:s25+$0xFFFFFFF0] =	vst v2  }
0x532: {  	v2 =	vld [tilespmem:s28+$0xFFFFFFE0];
	[tilespmem:s25+$0xFFFFFF90] =	vst v4  }
0x533: {  	v4 =	vld [tilespmem:s28+$0xFFFFFFF0]  }
0x534: {  	v7 =	vld [tilespmem:s28+$0xFFFFFF90]  }
0x535: {  	v6 =	vld.idx.msk [tilespmem:v6+s18+$0x0], $0xffff  }
0x536: {  	v8 =	vld.idx.msk [tilespmem:v5+s18+$0x0], $0xffff  }
0x537: {  	v5 =	vld.idx.msk [tilespmem:v3+s18+$0x0], $0xffff  }
.Ltmp29:
0x538: {  	v3 =	vld.idx.msk [tilespmem:v0+s18+$0x0], $0xffff;
	(pc) =	sbr.rel @p0 .LBB2_60-.Ltmp29, $4  }
0x539: {  	v0 =	vld.idx.msk [tilespmem:v1+s18+$0x0], $0xffff  }
0x53a: {  	s25 =	sadd.s32 $0x80, s25;
	v1 =	vld.idx.msk [tilespmem:v2+s18+$0x0], $0xffff  }
0x53b: {  	v2 =	vld.idx.msk [tilespmem:v4+s18+$0x0], $0xffff;
	[tilespmem:s25+$0x0] =	vst v6  }
0x53c: {  	s28 =	sadd.s32 $0x80, s28;
	v4 =	vld.idx.msk [tilespmem:v7+s18+$0x0], $0xffff;
	[tilespmem:s25+$0xFFFFFFA0] =	vst v8  }
0x53d: {  	[tilespmem:s25+$0xFFFFFFB0] =	vst v5  }
0x53e: {  	[tilespmem:s25+$0xFFFFFFC0] =	vst v3  }
0x53f: {  	[tilespmem:s25+$0xFFFFFFD0] =	vst v0  }
0x540: {  	[tilespmem:s25+$0xFFFFFFE0] =	vst v1  }
0x541: {  	[tilespmem:s25+$0xFFFFFFF0] =	vst v2  }
0x542: {  	[tilespmem:s25+$0xFFFFFF90] =	vst v4  }
0x543: {  	[hbm4b:s13+s16] =	stream.strided.scatter [tilespmem:s21], [sflag:$0x1], $0x1000, s17, s16, $0x38;
	[tilespmem:$0x1F700] =	vst v63  }
0x544: {  	_ =	swait.ge [sflag:s23], $0x1000  }
0x545: {  	[sflag:s23] =	ssyncset.done $0x0  }
0x546: {  	s26 =	simm.s32 $0x2070;
	[sflag:s23] =	ssyncadd.s32 $0xFFFFF000  }
0x547: {  	v0 =	vld [tilespmem:s26+$0x0]  }
0x548: {  	v1 =	vld [tilespmem:s26+$0xFFFFFFA0]  }
0x549: {  	v2 =	vld [tilespmem:s26+$0xFFFFFFB0]  }
0x54a: {  	v3 =	vld [tilespmem:s26+$0xFFFFFFC0]  }
0x54b: {  	v4 =	vld [tilespmem:s26+$0xFFFFFFD0]  }
0x54c: {  	v6 =	vld [tilespmem:s26+$0xFFFFFFE0]  }
0x54d: {  	v7 =	vld [tilespmem:s26+$0xFFFFFFF0]  }
0x54e: {  	v8 =	vld [tilespmem:s26+$0xFFFFFF90]  }
0x54f: {  	v9 =	vld.idx.msk [tilespmem:v0+s18+$0x0], $0xffff  }
0x550: {  	v10 =	vld.idx.msk [tilespmem:v1+s18+$0x0], $0xffff  }
0x551: {  	v5 =	vld.idx.msk [tilespmem:v2+s18+$0x0], $0xffff  }
0x552: {  	v3 =	vld.idx.msk [tilespmem:v3+s18+$0x0], $0xffff  }
0x553: {  	v0 =	vld.idx.msk [tilespmem:v4+s18+$0x0], $0xffff  }
0x554: {  	s25 =	simm.s32 $0x1E770;
	v1 =	vld.idx.msk [tilespmem:v6+s18+$0x0], $0xffff  }
0x555: {  	v2 =	vld.idx.msk [tilespmem:v7+s18+$0x0], $0xffff;
	[tilespmem:s25+$0x0] =	vst v9  }
0x556: {  	s28 =	simm.s32 $0x20F0;
	s26 =	simm.s32 $0x0;
	v4 =	vld.idx.msk [tilespmem:v8+s18+$0x0], $0xffff;
	[tilespmem:s25+$0xFFFFFFA0] =	vst v10  }
.LBB2_62:
0x557: {  	v6 =	vld [tilespmem:s28+$0x0];
	s26 =	sadd.s32 $0x80, s26;
	[tilespmem:s25+$0xFFFFFFB0] =	vst v5  }
0x558: {  	v5 =	vld [tilespmem:s28+$0xFFFFFFA0];
	p0 =	slt.u32 s26, $0xF80;
	[tilespmem:s25+$0xFFFFFFC0] =	vst v3  }
0x559: {  	v3 =	vld [tilespmem:s28+$0xFFFFFFB0];
	[tilespmem:s25+$0xFFFFFFD0] =	vst v0  }
0x55a: {  	v0 =	vld [tilespmem:s28+$0xFFFFFFC0];
	[tilespmem:s25+$0xFFFFFFE0] =	vst v1  }
0x55b: {  	v1 =	vld [tilespmem:s28+$0xFFFFFFD0];
	[tilespmem:s25+$0xFFFFFFF0] =	vst v2  }
0x55c: {  	v2 =	vld [tilespmem:s28+$0xFFFFFFE0];
	[tilespmem:s25+$0xFFFFFF90] =	vst v4  }
0x55d: {  	v4 =	vld [tilespmem:s28+$0xFFFFFFF0]  }
0x55e: {  	v7 =	vld [tilespmem:s28+$0xFFFFFF90]  }
0x55f: {  	v6 =	vld.idx.msk [tilespmem:v6+s18+$0x0], $0xffff  }
0x560: {  	v8 =	vld.idx.msk [tilespmem:v5+s18+$0x0], $0xffff  }
0x561: {  	v5 =	vld.idx.msk [tilespmem:v3+s18+$0x0], $0xffff  }
.Ltmp30:
0x562: {  	v3 =	vld.idx.msk [tilespmem:v0+s18+$0x0], $0xffff;
	(pc) =	sbr.rel @p0 .LBB2_62-.Ltmp30, $4  }
0x563: {  	v0 =	vld.idx.msk [tilespmem:v1+s18+$0x0], $0xffff  }
0x564: {  	s25 =	sadd.s32 $0x80, s25;
	v1 =	vld.idx.msk [tilespmem:v2+s18+$0x0], $0xffff  }
0x565: {  	v2 =	vld.idx.msk [tilespmem:v4+s18+$0x0], $0xffff;
	[tilespmem:s25+$0x0] =	vst v6  }
0x566: {  	s28 =	sadd.s32 $0x80, s28;
	v4 =	vld.idx.msk [tilespmem:v7+s18+$0x0], $0xffff;
	[tilespmem:s25+$0xFFFFFFA0] =	vst v8  }
0x567: {  	[tilespmem:s25+$0xFFFFFFB0] =	vst v5  }
0x568: {  	[tilespmem:s25+$0xFFFFFFC0] =	vst v3  }
0x569: {  	[tilespmem:s25+$0xFFFFFFD0] =	vst v0  }
0x56a: {  	[tilespmem:s25+$0xFFFFFFE0] =	vst v1  }
0x56b: {  	[tilespmem:s25+$0xFFFFFFF0] =	vst v2  }
0x56c: {  	[tilespmem:s25+$0xFFFFFF90] =	vst v4  }
0x56d: {  	[hbm4b:s14+s16] =	stream.strided.scatter [tilespmem:s22], [sflag:$0x1], $0x1000, s17, s16, $0x38;
	[tilespmem:$0x1F700] =	vst v63  }
0x56e: {  	_ =	swait.ge [sflag:s23], $0x1000  }
0x56f: {  	[sflag:s23] =	ssyncset.done $0x0  }
0x570: {  	s26 =	simm.s32 $0x3070;
	[sflag:s23] =	ssyncadd.s32 $0xFFFFF000  }
0x571: {  	v0 =	vld [tilespmem:s26+$0x0]  }
0x572: {  	v1 =	vld [tilespmem:s26+$0xFFFFFFA0]  }
0x573: {  	v2 =	vld [tilespmem:s26+$0xFFFFFFB0]  }
0x574: {  	v3 =	vld [tilespmem:s26+$0xFFFFFFC0]  }
0x575: {  	v4 =	vld [tilespmem:s26+$0xFFFFFFD0]  }
0x576: {  	v6 =	vld [tilespmem:s26+$0xFFFFFFE0]  }
0x577: {  	v7 =	vld [tilespmem:s26+$0xFFFFFFF0]  }
0x578: {  	v8 =	vld [tilespmem:s26+$0xFFFFFF90]  }
0x579: {  	v9 =	vld.idx.msk [tilespmem:v0+s18+$0x0], $0xffff  }
0x57a: {  	v10 =	vld.idx.msk [tilespmem:v1+s18+$0x0], $0xffff  }
0x57b: {  	v5 =	vld.idx.msk [tilespmem:v2+s18+$0x0], $0xffff  }
0x57c: {  	v3 =	vld.idx.msk [tilespmem:v3+s18+$0x0], $0xffff  }
0x57d: {  	v0 =	vld.idx.msk [tilespmem:v4+s18+$0x0], $0xffff  }
0x57e: {  	s25 =	simm.s32 $0x1C740;
	v1 =	vld.idx.msk [tilespmem:v6+s18+$0x0], $0xffff  }
0x57f: {  	v2 =	vld.idx.msk [tilespmem:v7+s18+$0x0], $0xffff;
	[tilespmem:s25+$0x30] =	vst v9  }
0x580: {  	s28 =	simm.s32 $0x30F0;
	s26 =	simm.s32 $0x0;
	v4 =	vld.idx.msk [tilespmem:v8+s18+$0x0], $0xffff;
	[tilespmem:s25+$0xFFFFFFD0] =	vst v10  }
.LBB2_64:
0x581: {  	v6 =	vld [tilespmem:s28+$0x0];
	s26 =	sadd.s32 $0x80, s26;
	[tilespmem:s25+$0xFFFFFFE0] =	vst v5  }
0x582: {  	v5 =	vld [tilespmem:s28+$0xFFFFFFA0];
	p0 =	slt.u32 s26, $0xF80;
	[tilespmem:s25+$0xFFFFFFF0] =	vst v3  }
0x583: {  	v3 =	vld [tilespmem:s28+$0xFFFFFFB0];
	[tilespmem:s25+$0x0] =	vst v0  }
0x584: {  	v0 =	vld [tilespmem:s28+$0xFFFFFFC0];
	[tilespmem:s25+$0x10] =	vst v1  }
0x585: {  	v1 =	vld [tilespmem:s28+$0xFFFFFFD0];
	[tilespmem:s25+$0x20] =	vst v2  }
0x586: {  	v2 =	vld [tilespmem:s28+$0xFFFFFFE0];
	[tilespmem:s25+$0xFFFFFFC0] =	vst v4  }
0x587: {  	v4 =	vld [tilespmem:s28+$0xFFFFFFF0]  }
0x588: {  	v7 =	vld [tilespmem:s28+$0xFFFFFF90]  }
0x589: {  	v6 =	vld.idx.msk [tilespmem:v6+s18+$0x0], $0xffff  }
0x58a: {  	v8 =	vld.idx.msk [tilespmem:v5+s18+$0x0], $0xffff  }
0x58b: {  	v5 =	vld.idx.msk [tilespmem:v3+s18+$0x0], $0xffff  }
.Ltmp31:
0x58c: {  	v3 =	vld.idx.msk [tilespmem:v0+s18+$0x0], $0xffff;
	(pc) =	sbr.rel @p0 .LBB2_64-.Ltmp31, $4  }
0x58d: {  	v0 =	vld.idx.msk [tilespmem:v1+s18+$0x0], $0xffff  }
0x58e: {  	s25 =	sadd.s32 $0x80, s25;
	v1 =	vld.idx.msk [tilespmem:v2+s18+$0x0], $0xffff  }
0x58f: {  	v2 =	vld.idx.msk [tilespmem:v4+s18+$0x0], $0xffff;
	[tilespmem:s25+$0x30] =	vst v6  }
0x590: {  	s28 =	sadd.s32 $0x80, s28;
	v4 =	vld.idx.msk [tilespmem:v7+s18+$0x0], $0xffff;
	[tilespmem:s25+$0xFFFFFFD0] =	vst v8  }
0x591: {  	[tilespmem:s25+$0xFFFFFFE0] =	vst v5  }
0x592: {  	[tilespmem:s25+$0xFFFFFFF0] =	vst v3  }
0x593: {  	[tilespmem:s25+$0x0] =	vst v0  }
0x594: {  	[tilespmem:s25+$0x10] =	vst v1  }
0x595: {  	[tilespmem:s25+$0x20] =	vst v2  }
0x596: {  	[tilespmem:s25+$0xFFFFFFC0] =	vst v4  }
0x597: {  	[hbm4b:s15+s16] =	stream.strided.scatter [tilespmem:s20], [sflag:$0x1], $0x1000, s17, s16, $0x38;
	[tilespmem:$0x1F700] =	vst v63  }
0x598: {  	_ =	swait.ge [sflag:s23], $0x1000  }
0x599: {  	[sflag:s23] =	ssyncset.done $0x0  }
0x59a: {  	[sflag:s23] =	ssyncadd.s32 $0xFFFFF000  }
0x59b: {  	_ =	swait.ge [sflag:s23], $0x1000  }
0x59c: {  	[sflag:s23] =	ssyncset.done $0x0  }
0x59d: {  	[sflag:s23] =	ssyncadd.s32 $0xFFFFF000  }
0x59e: {  	_ =	swait.ge [sflag:s23], $0x1000  }
0x59f: {  	s24 =	sadd.s32 $0x1, s24;
	s28 =	rddreg [dreg:$0x17]  }
0x5a0: {  	p0 =	sne.s32 s24, s28  }
.Ltmp32:
0x5a1: {  	_ = 	snop;
	(pc) =	sbr.rel @p0 .LBB2_1-.Ltmp32, $3  }
0x5a2: {  	_ =	sdelay $0x1  }
0x5a3: {  	[sflag:s23] =	ssyncset.done $0x0  }
0x5a4: {  	[sflag:s23] =	ssyncadd.s32 $0xFFFFF000  }
0x5a5: {  	_ =	sfence.sel $0x180000  }
0x5a6: {  	[bflag:$0x0] =	sbarrier.arrive $0xFFFF  }
0x5a7: {  	_ =	strace $0x90000047  }
0x5a8: {  	s0 =	stileid.u32;
	[bflag:$0x2] =	sbarrier.arrive $0xFFFF  }
0x5a9: {  	p0 =	sne.s32 s0, $0x0;
	s0 =	rddreg [dreg:$0x3]  }
0x5aa: {  	s0 =	sadd.s32 @!p0 $0x100000, s0  }
0x5ab: {  	[sflag:s0] =	ssyncadd.tile.s32 @!p0 $0x1;
	_ =	shalt  }
.Lfunc_end2:
_tile_overlayer_lowered:
.L_overlay_start_2:
0x5ac: {  	(tag) =	ssettag $0x2  }
0x5ad: {  	s0 =	rddreg [dreg:$0x0];
	s2 =	stileid.u32  }
0x5ae: {  	s1 =	rddreg [dreg:$0x1];
	p0 =	sne.s32 s2, $0x0  }
0x5af: {  	s3 =	rddreg [dreg:$0x2];
	[bflag:$0x3] =	sbarrier.arrive $0xFFFF;
	s2 =	simm.s32 @!p0 $0x1C03  }
0x5b0: {  	[timem:s3], [sflag:s2] =	dma.local @!p0 [hbm:s0], s1  }
0x5b1: {  	s0 =	simm.s32 @!p0 $0x3  }
0x5b2: {  	_ =	swait.ge @!p0 [sflag:s0], s1  }
0x5b3: {  	s1 =	ssub.s32 @!p0 $0x0, s1;
	[sflag:s0] =	ssyncset.done @!p0 $0x0  }
0x5b4: {  	[sflag:s0] =	ssyncadd.s32 @!p0 s1  }
0x5b5: {  	[bflag:$0x3] =	sbarrier.arrive $0xFFFF  }
0x5b6: {  	_ =	shalt  }

</sc_bundles>
